<compile_context>
chip_gen: v7x
topology: tpu7x:2x2x1
jax: 0.10.2.dev20260603
libtpu: 0.0.44.dev20260713+nightly
codegen_flags: <defaults>
</compile_context>

<pallas_src>
import functools

import jax
import jax.numpy as jnp
from jax import lax
from jax.experimental import pallas as pl
from jax.experimental.pallas import tpu as pltpu
from jax.experimental.pallas import tpu_sc as plsc

N_NODES = 10000
N_PAD = 10240
IN_DIM = 128
HID_DIM = 64
OUT_DIM = 10
NC = 2
NS = 16
NW = NC * NS
CHUNK = 125
NBUF = 5
ROWS_PER_TILE = N_PAD // NS


@functools.lru_cache(maxsize=None)
def _mesh():
    return plsc.VectorSubcoreMesh(core_axis_name="c", subcore_axis_name="s",
                                  num_cores=NC, num_subcores=NS)


NDEG = 4


def _deg_body(e2_hbm, out_hbm, dstv, ones_v, zv, deg_sh, *sems):
    cid = lax.axis_index("c")
    sid = lax.axis_index("s")
    wid = sid * NC + cid
    n_chunks = e2_hbm.shape[1] // NW

    def zstep(i, carry):
        zv[pl.ds(i * 16, 16)] = jnp.zeros((16,), jnp.float32)
        return carry
    lax.fori_loop(0, ROWS_PER_TILE // 16, zstep, 0)
    pltpu.sync_copy(zv, deg_sh.at[pl.ds(sid * ROWS_PER_TILE, ROWS_PER_TILE)])

    def ostep(i, carry):
        ones_v[pl.ds(i * 16, 16)] = jnp.ones((16,), jnp.float32)
        return carry
    lax.fori_loop(0, 8, ostep, 0)

    plsc.subcore_barrier()

    pltpu.sync_copy(e2_hbm.at[1, pl.ds(wid * n_chunks, n_chunks)], dstv)

    def step(j, carry):
        for k in range(NDEG):
            @pl.when(j % NDEG == k)
            def _go():
                @pl.when(j >= NDEG)
                def _wait_prev():
                    pltpu.make_async_copy(
                        ones_v.at[pl.ds(0, CHUNK)],
                        deg_sh.at[dstv.at[j - NDEG]], sems[k]).wait()
                pltpu.async_copy(ones_v.at[pl.ds(0, CHUNK)],
                                 deg_sh.at[dstv.at[j]], sems[k], add=True)
        return carry
    lax.fori_loop(0, n_chunks, step, 0)

    for k in range(NDEG):
        j = n_chunks - NDEG + k
        pltpu.make_async_copy(ones_v.at[pl.ds(0, CHUNK)],
                              deg_sh.at[dstv.at[j]], sems[k % NDEG]).wait()

    plsc.subcore_barrier()
    pltpu.sync_copy(deg_sh.at[pl.ds(sid * ROWS_PER_TILE, ROWS_PER_TILE)],
                    out_hbm.at[cid, pl.ds(sid * ROWS_PER_TILE, ROWS_PER_TILE)])


def _make_deg(n_chunks_total):
    return pl.kernel(
        _deg_body,
        out_type=jax.ShapeDtypeStruct((NC, N_PAD), jnp.float32),
        mesh=_mesh(),
        scratch_types=[
            pltpu.VMEM((n_chunks_total // NW, CHUNK), jnp.int32),
            pltpu.VMEM((128,), jnp.float32),
            pltpu.VMEM((ROWS_PER_TILE,), jnp.float32),
            pltpu.VMEM_SHARED((N_PAD,), jnp.float32),
        ] + [pltpu.SemaphoreType.DMA] * NDEG,
        compiler_params=pltpu.CompilerParams(use_tc_tiling_on_sc=False),
    )


def _agg_body(hp_hbm, e2_hbm, out_hbm, srcv, dstv, *rest):
    rows = list(rest[:NBUF])
    zv = rest[NBUF]
    acc_sh = rest[NBUF + 1]
    sg = list(rest[NBUF + 2:NBUF + 2 + NBUF])
    ss = list(rest[NBUF + 2 + NBUF:])
    cid = lax.axis_index("c")
    sid = lax.axis_index("s")
    wid = sid * NC + cid
    n_chunks = e2_hbm.shape[1] // NW
    n_groups = n_chunks // NBUF

    def zstep(i, carry):
        r = i // 4
        c = i % 4
        zv[r, pl.ds(c * 16, 16)] = jnp.zeros((16,), jnp.float32)
        return carry
    lax.fori_loop(0, 128 * 4, zstep, 0)

    def zcopy(k, carry):
        pltpu.sync_copy(
            zv, acc_sh.at[pl.ds(sid * ROWS_PER_TILE + k * 128, 128)])
        return carry
    lax.fori_loop(0, ROWS_PER_TILE // 128, zcopy, 0)

    plsc.subcore_barrier()

    pltpu.sync_copy(e2_hbm.at[0, pl.ds(wid * n_chunks, n_chunks)], srcv)
    pltpu.sync_copy(e2_hbm.at[1, pl.ds(wid * n_chunks, n_chunks)], dstv)

    for b in range(NBUF):
        pltpu.async_copy(hp_hbm.at[srcv.at[b]], rows[b], sg[b])

    def group(g, carry):
        for b in range(NBUF):
            c = NBUF * g + b
            pltpu.make_async_copy(hp_hbm.at[srcv.at[c]], rows[b],
                                  sg[b]).wait()
            pltpu.async_copy(rows[b], acc_sh.at[dstv.at[c]], ss[b], add=True)
        for b in range(NBUF):
            c = NBUF * g + b

            @pl.when(g < n_groups - 1)
            def _next():
                pltpu.make_async_copy(rows[b], acc_sh.at[dstv.at[c]],
                                      ss[b]).wait()
                pltpu.async_copy(hp_hbm.at[srcv.at[c + NBUF]], rows[b], sg[b])
        return carry
    lax.fori_loop(0, n_groups, group, 0)

    for b in range(NBUF):
        pltpu.make_async_copy(rows[b],
                              acc_sh.at[dstv.at[n_chunks - NBUF + b]],
                              ss[b]).wait()

    plsc.subcore_barrier()
    pltpu.sync_copy(
        acc_sh.at[pl.ds(sid * ROWS_PER_TILE, ROWS_PER_TILE)],
        out_hbm.at[cid, pl.ds(sid * ROWS_PER_TILE, ROWS_PER_TILE)])


def _make_agg(n_chunks_total):
    return pl.kernel(
        _agg_body,
        out_type=jax.ShapeDtypeStruct((NC, N_PAD, HID_DIM), jnp.float32),
        mesh=_mesh(),
        scratch_types=(
            [pltpu.VMEM((n_chunks_total // NW, CHUNK), jnp.int32)] * 2
            + [pltpu.VMEM((CHUNK, HID_DIM), jnp.float32)] * NBUF
            + [pltpu.VMEM((128, HID_DIM), jnp.float32),
               pltpu.VMEM_SHARED((N_PAD, HID_DIM), jnp.float32)]
            + [pltpu.SemaphoreType.DMA] * (2 * NBUF)
        ),
        compiler_params=pltpu.CompilerParams(use_tc_tiling_on_sc=False),
    )


_BR = 2048


def _dinv(deg_ref):
    deg = deg_ref[0] + deg_ref[1] + 1.0
    return lax.rsqrt(deg)[:, None]


def _tc1_body(deg_ref, x_ref, w1_ref, hp1_ref):
    h = jnp.dot(x_ref[...], w1_ref[...], preferred_element_type=jnp.float32)
    hp1_ref[...] = h * _dinv(deg_ref)


def _tc2_body(s_ref, hp1_ref, deg_ref, b1_ref, w2_ref, hp2_ref):
    dinv = _dinv(deg_ref)
    s = s_ref[0] + s_ref[1] + hp1_ref[...]
    out1 = jnp.maximum(dinv * s + b1_ref[...], 0.0)
    h2 = jnp.dot(out1, w2_ref[...], preferred_element_type=jnp.float32)
    hp2_ref[...] = h2 * dinv


def _tc3_body(s_ref, hp2_ref, deg_ref, b2_ref, wf1_ref, bf1_ref,
              wf2_ref, bf2_ref, out_ref):
    dinv = _dinv(deg_ref)
    s = s_ref[0] + s_ref[1] + hp2_ref[...]
    out2 = jnp.maximum(dinv * s + b2_ref[...], 0.0)
    h3 = jnp.maximum(
        jnp.dot(out2, wf1_ref[...], preferred_element_type=jnp.float32)
        + bf1_ref[...], 0.0)
    logits = (jnp.dot(h3, wf2_ref[...], preferred_element_type=jnp.float32)
              + bf2_ref[...])
    m = jnp.max(logits, axis=1, keepdims=True)
    e = jnp.exp(logits - m)
    out_ref[...] = e / jnp.sum(e, axis=1, keepdims=True)


def _row_spec(cols):
    return pl.BlockSpec((_BR, cols), lambda i: (i, 0))


def _pad_spec(cols):
    return pl.BlockSpec((NC, _BR, cols), lambda i: (0, i, 0))


_deg_spec = pl.BlockSpec((NC, _BR), lambda i: (0, i))


def _full_spec(shape):
    nd = len(shape)
    return pl.BlockSpec(shape, lambda i: (0,) * nd)


_GRID = (N_PAD // _BR,)

_tc1 = pl.pallas_call(
    _tc1_body,
    grid=_GRID,
    in_specs=[
        _deg_spec,
        _row_spec(IN_DIM),
        _full_spec((IN_DIM, HID_DIM)),
    ],
    out_specs=_row_spec(HID_DIM),
    out_shape=jax.ShapeDtypeStruct((N_PAD, HID_DIM), jnp.float32),
)

_tc2 = pl.pallas_call(
    _tc2_body,
    grid=_GRID,
    in_specs=[
        _pad_spec(HID_DIM),
        _row_spec(HID_DIM),
        _deg_spec,
        _full_spec((1, HID_DIM)),
        _full_spec((HID_DIM, HID_DIM)),
    ],
    out_specs=_row_spec(HID_DIM),
    out_shape=jax.ShapeDtypeStruct((N_PAD, HID_DIM), jnp.float32),
)

_tc3 = pl.pallas_call(
    _tc3_body,
    grid=_GRID,
    in_specs=[
        _pad_spec(HID_DIM),
        _row_spec(HID_DIM),
        _deg_spec,
        _full_spec((1, HID_DIM)),
        _full_spec((HID_DIM, HID_DIM)),
        _full_spec((1, HID_DIM)),
        _full_spec((HID_DIM, OUT_DIM)),
        _full_spec((1, OUT_DIM)),
    ],
    out_specs=_row_spec(OUT_DIM),
    out_shape=jax.ShapeDtypeStruct((N_PAD, OUT_DIM), jnp.float32),
)


@jax.jit
def kernel(x, edge_index, W1, b1, W2, b2, Wf1, bf1, Wf2, bf2):
    n_edges = edge_index.shape[1]
    n_chunks_total = n_edges // CHUNK
    e2 = edge_index.astype(jnp.int32).reshape(2, n_chunks_total, CHUNK)

    degp = _make_deg(n_chunks_total)(e2)

    xp = jnp.pad(x, ((0, N_PAD - N_NODES), (0, 0)))
    hp1 = _tc1(degp, xp, W1)

    agg = _make_agg(n_chunks_total)
    s1 = agg(hp1, e2)
    hp2 = _tc2(s1, hp1, degp, b1.reshape(1, HID_DIM), W2)

    s2 = agg(hp2, e2)
    out = _tc3(s2, hp2, degp, b2.reshape(1, HID_DIM), Wf1,
               bf1.reshape(1, HID_DIM), Wf2, bf2.reshape(1, OUT_DIM))
    return out[:N_NODES]

# --- scband reference (transcript-rebuilt; emitter-appended) ---
"""Pipeline reference for scband-gcndeconvolution-15977278341604 (READ-ONLY COPY).

The authoritative reference and input builder live on the scoring server;
editing this copy changes nothing except your own understanding.
"""

import jax, jax.numpy as jnp
import numpy as np

N_NODES = 10000
N_EDGES = 320000
IN_DIM = 128
HID_DIM = 64
OUT_DIM = 10


def gcn_conv(x, edge_index, W, b, num_nodes):
    # PyG-style GCNConv: add self-loops, symmetric normalization, scatter-add aggregation
    src = jnp.concatenate([edge_index[0], jnp.arange(num_nodes, dtype=edge_index.dtype)])
    dst = jnp.concatenate([edge_index[1], jnp.arange(num_nodes, dtype=edge_index.dtype)])
    deg = jnp.zeros((num_nodes,), dtype=x.dtype).at[dst].add(1.0)
    dinv = jnp.where(deg > 0, deg ** -0.5, 0.0)
    norm = dinv[src] * dinv[dst]
    h = x @ W
    msg = h[src] * norm[:, None]
    out = jnp.zeros((num_nodes, h.shape[1]), dtype=h.dtype).at[dst].add(msg)
    return out + b


def setup_inputs(seed: int = 0) -> dict:
    key = jax.random.key(seed)
    ks = jax.random.split(key, 10)
    x = jax.random.normal(ks[0], (N_NODES, IN_DIM), dtype=jnp.float32)
    edge_index = jax.random.randint(ks[1], (2, N_EDGES), 0, N_NODES, dtype=jnp.int64)
    s1 = 1.0 / np.sqrt(IN_DIM)
    s2 = 1.0 / np.sqrt(HID_DIM)
    W1 = jax.random.uniform(ks[2], (IN_DIM, HID_DIM), jnp.float32, -s1, s1)
    b1 = jnp.zeros((HID_DIM,), jnp.float32)
    W2 = jax.random.uniform(ks[3], (HID_DIM, HID_DIM), jnp.float32, -s2, s2)
    b2 = jnp.zeros((HID_DIM,), jnp.float32)
    Wf1 = jax.random.uniform(ks[4], (HID_DIM, HID_DIM), jnp.float32, -s2, s2)
    bf1 = jax.random.uniform(ks[5], (HID_DIM,), jnp.float32, -s2, s2)
    Wf2 = jax.random.uniform(ks[6], (HID_DIM, OUT_DIM), jnp.float32, -s2, s2)
    bf2 = jax.random.uniform(ks[7], (OUT_DIM,), jnp.float32, -s2, s2)
    return {"x": x, "edge_index": edge_index, "W1": W1, "b1": b1, "W2": W2, "b2": b2, "Wf1": Wf1, "bf1": bf1, "Wf2": Wf2, "bf2": bf2}


def reference(x, edge_index, W1, b1, W2, b2, Wf1, bf1, Wf2, bf2):
    h = jax.nn.relu(gcn_conv(x, edge_index, W1, b1, N_NODES))
    h = jax.nn.relu(gcn_conv(h, edge_index, W2, b2, N_NODES))
    h = jax.nn.relu(h @ Wf1 + bf1)
    out = jax.nn.softmax(h @ Wf2 + bf2, axis=1)
    return out

if __name__ == "__main__":
    import jax
    _d = setup_inputs()
    print(jax.jit(kernel)(*tuple(_d.values())))

</pallas_src>

<mosaic_0001>
#map = affine_map<(d0, d1) -> (0, 0)>
#map1 = affine_map<(d0, d1) -> (0, 0, 0)>
module attributes {stable_mosaic.version = 14 : i64} {
  func.func @_agg_body(%arg0: i32, %arg1: i32, %arg2: memref<10240x64xf32, #tpu.memory_space<hbm>>, %arg3: memref<2x2560x125xi32, #tpu.memory_space<hbm>>, %arg4: memref<2x10240x64xf32, #tpu.memory_space<hbm>>, %arg5: memref<80x125xi32, #tpu.memory_space<vmem>>, %arg6: memref<80x125xi32, #tpu.memory_space<vmem>>, %arg7: memref<125x64xf32, #tpu.memory_space<vmem>>, %arg8: memref<125x64xf32, #tpu.memory_space<vmem>>, %arg9: memref<125x64xf32, #tpu.memory_space<vmem>>, %arg10: memref<125x64xf32, #tpu.memory_space<vmem>>, %arg11: memref<125x64xf32, #tpu.memory_space<vmem>>, %arg12: memref<128x64xf32, #tpu.memory_space<vmem>>, %arg13: memref<10240x64xf32, #tpu.memory_space<vmem_shared>>, %arg14: memref<!tpu.dma_semaphore, #tpu.memory_space<semaphore_mem>>, %arg15: memref<!tpu.dma_semaphore, #tpu.memory_space<semaphore_mem>>, %arg16: memref<!tpu.dma_semaphore, #tpu.memory_space<semaphore_mem>>, %arg17: memref<!tpu.dma_semaphore, #tpu.memory_space<semaphore_mem>>, %arg18: memref<!tpu.dma_semaphore, #tpu.memory_space<semaphore_mem>>, %arg19: memref<!tpu.dma_semaphore, #tpu.memory_space<semaphore_mem>>, %arg20: memref<!tpu.dma_semaphore, #tpu.memory_space<semaphore_mem>>, %arg21: memref<!tpu.dma_semaphore, #tpu.memory_space<semaphore_mem>>, %arg22: memref<!tpu.dma_semaphore, #tpu.memory_space<semaphore_mem>>, %arg23: memref<!tpu.dma_semaphore, #tpu.memory_space<semaphore_mem>>) attributes {dimension_semantics = [#tpu.dimension_semantics<core_parallel>, #tpu.dimension_semantics<subcore_parallel>], iteration_bounds = array<i64: 2, 16>, scalar_prefetch = 0 : i64, scratch_operands = 19 : i64, tpu.core_type = #tpu.core_type<sc_vector_subcore>, window_params = [{transform_indices = #map}, {transform_indices = #map1}, {transform_indices = #map1}]} {
    %mul3A = arith.constant 2 : i32
    %mul3A_0 = arith.muli %arg1, %mul3A : i32
    %add3A = arith.addi %mul3A_0, %arg0 : i32
    %scan3A = arith.constant 0 : i32
    %scan3A_1 = arith.constant 0 : i32
    %scan3A_2 = arith.constant 512 : i32
    %scan3A_3 = arith.addi %scan3A_1, %scan3A_2 : i32
    %scan3A_4 = arith.constant 1 : i32
    scf.for %scan3A_96 = %scan3A_1 to %scan3A_3 step %scan3A_4  : i32 {
      %jit3A = arith.constant 4 : i32
      %div3A = arith.divsi %scan3A_96, %jit3A : i32
      %sign3A = arith.constant 0 : i32
      %sign3A_97 = arith.cmpi sgt, %scan3A_96, %sign3A : i32
      %sign3A_98 = arith.extui %sign3A_97 : i1 to i32
      %sign3A_99 = arith.constant 0 : i32
      %sign3A_100 = arith.cmpi slt, %scan3A_96, %sign3A_99 : i32
      %sign3A_101 = arith.extui %sign3A_100 : i1 to i32
      %sign3A_102 = arith.subi %sign3A_98, %sign3A_101 : i32
      %sign3A_103 = arith.constant 0 : i32
      %sign3A_104 = arith.cmpi sgt, %jit3A, %sign3A_103 : i32
      %sign3A_105 = arith.extui %sign3A_104 : i1 to i32
      %sign3A_106 = arith.constant 0 : i32
      %sign3A_107 = arith.cmpi slt, %jit3A, %sign3A_106 : i32
      %sign3A_108 = arith.extui %sign3A_107 : i1 to i32
      %sign3A_109 = arith.subi %sign3A_105, %sign3A_108 : i32
      %ne3A = arith.cmpi ne, %sign3A_102, %sign3A_109 : i32
      %rem3A = arith.remsi %scan3A_96, %jit3A : i32
      %ne3A_110 = arith.constant 0 : i32
      %ne3A_111 = arith.cmpi ne, %rem3A, %ne3A_110 : i32
      %and3A = arith.andi %ne3A, %ne3A_111 : i1
      %sub3A = arith.constant 1 : i32
      %sub3A_112 = arith.subi %div3A, %sub3A : i32
      %select_n3A = arith.select %and3A, %sub3A_112, %div3A : i32
      %jit3A_113 = arith.constant 4 : i32
      %eq3A = arith.constant 0 : i32
      %eq3A_114 = arith.cmpi eq, %jit3A_113, %eq3A : i32
      %jit3A_115 = arith.constant 1 : i32
      %select_n3A_116 = arith.select %eq3A_114, %jit3A_115, %jit3A_113 : i32
      %rem3A_117 = arith.remsi %scan3A_96, %select_n3A_116 : i32
      %ne3A_118 = arith.constant 0 : i32
      %ne3A_119 = arith.cmpi ne, %rem3A_117, %ne3A_118 : i32
      %lt3A = arith.constant 0 : i32
      %lt3A_120 = arith.cmpi slt, %rem3A_117, %lt3A : i32
      %lt3A_121 = arith.constant 0 : i32
      %lt3A_122 = arith.cmpi slt, %select_n3A_116, %lt3A_121 : i32
      %ne3A_123 = arith.xori %lt3A_120, %lt3A_122 : i1
      %and3A_124 = arith.andi %ne3A_123, %ne3A_119 : i1
      %add3A_125 = arith.addi %rem3A_117, %select_n3A_116 : i32
      %select_n3A_126 = arith.select %and3A_124, %add3A_125, %rem3A_117 : i32
      %broadcast_in_dim3A = arith.constant 0.000000e+00 : f32
      %broadcast_in_dim3A_127 = vector.broadcast %broadcast_in_dim3A : f32 to vector<16xf32>
      %mul3A_128 = arith.constant 16 : i32
      %mul3A_129 = arith.muli %select_n3A_126, %mul3A_128 : i32
      %swap3A = arith.index_cast %select_n3A : i32 to index
      %swap3A_130 = arith.index_cast %mul3A_129 : i32 to index
      %swap3A_131 = tpu.vector_load %arg12[%swap3A, %swap3A_130] {strides = array<i32>} : memref<128x64xf32, #tpu.memory_space<vmem>>, vector<1x16xf32>,
      %swap3A_132 = vector.shape_cast %swap3A_131 : vector<1x16xf32> to vector<16xf32>
      %swap3A_133 = vector.shape_cast %broadcast_in_dim3A_127 : vector<16xf32> to vector<1x16xf32>
      tpu.vector_store %arg12[%swap3A, %swap3A_130], %swap3A_133 {strides = array<i32>} : memref<128x64xf32, #tpu.memory_space<vmem>>, vector<1x16xf32>,
    }
    %scan3A_5 = arith.constant 512 : i32
    %scan3A_6 = arith.constant 0 : i32
    %scan3A_7 = arith.constant 0 : i32
    %scan3A_8 = arith.constant 5 : i32
    %scan3A_9 = arith.addi %scan3A_7, %scan3A_8 : i32
    %scan3A_10 = arith.constant 1 : i32
    scf.for %scan3A_96 = %scan3A_7 to %scan3A_9 step %scan3A_10  : i32 {
      %mul3A_97 = arith.constant 640 : i32
      %mul3A_98 = arith.muli %arg1, %mul3A_97 : i32
      %mul3A_99 = arith.constant 128 : i32
      %mul3A_100 = arith.muli %scan3A_96, %mul3A_99 : i32
      %add3A_101 = arith.addi %mul3A_98, %mul3A_100 : i32
      "tpu.region"() ({
        %run_scoped3A_102 = tpu.sem_alloc : memref<!tpu.dma_semaphore, #tpu.memory_space<semaphore_mem>>
        %dma_start3A_103 = arith.constant 0 : i32
        %dma_start3A_104 = tpu.memref_slice %arg13[%add3A_101, %dma_start3A_103] : memref<10240x64xf32, #tpu.memory_space<vmem_shared>> -> memref<128x64xf32, #tpu.memory_space<vmem_shared>>
        %dma_start3A_105 = arith.constant 0 : i32
        %dma_start3A_106 = tpu.memref_slice %arg13[%add3A_101, %dma_start3A_105] : memref<10240x64xf32, #tpu.memory_space<vmem_shared>> -> memref<128x64xf32, #tpu.memory_space<vmem_shared>>
        tpu.enqueue_dma source(%arg12 : memref<128x64xf32, #tpu.memory_space<vmem>>) target(%dma_start3A_106 : memref<128x64xf32, #tpu.memory_space<vmem_shared>>) target_semaphore(%run_scoped3A_102 : memref<!tpu.dma_semaphore, #tpu.memory_space<semaphore_mem>>)
        %dma_wait3A_107 = arith.constant 0 : i32
        %dma_wait3A_108 = tpu.memref_slice %arg13[%add3A_101, %dma_wait3A_107] : memref<10240x64xf32, #tpu.memory_space<vmem_shared>> -> memref<128x64xf32, #tpu.memory_space<vmem_shared>>
        %dma_wait3A_109 = arith.constant 0 : i32
        %dma_wait3A_110 = tpu.memref_slice %arg13[%add3A_101, %dma_wait3A_109] : memref<10240x64xf32, #tpu.memory_space<vmem_shared>> -> memref<128x64xf32, #tpu.memory_space<vmem_shared>>
        tpu.wait_dma2 semaphore(%run_scoped3A_102 : memref<!tpu.dma_semaphore, #tpu.memory_space<semaphore_mem>>) src(%arg12 : memref<128x64xf32, #tpu.memory_space<vmem>>) dst(%dma_wait3A_110 : memref<128x64xf32, #tpu.memory_space<vmem_shared>>)
        tpu.yield
      }) : () -> ()
    }
    %scan3A_11 = arith.constant 5 : i32
    %barrier3A = arith.constant 0 : index
    tpu.barrier barrier_id(%barrier3A)
    %mul3A_12 = arith.constant 80 : i32
    %mul3A_13 = arith.muli %add3A, %mul3A_12 : i32
    %run_scoped3A = arith.constant 0 : i32
    "tpu.region"() ({
      %run_scoped3A_96 = tpu.sem_alloc : memref<!tpu.dma_semaphore, #tpu.memory_space<semaphore_mem>>
      %dma_start3A_97 = arith.constant 0 : i32
      %dma_start3A_98 = tpu.memref_slice %arg3[%run_scoped3A, %mul3A_13, %dma_start3A_97] : memref<2x2560x125xi32, #tpu.memory_space<hbm>> -> memref<1x80x125xi32, #tpu.memory_space<hbm>>
      %dma_start3A_99 = tpu.memref_squeeze %dma_start3A_98 : memref<1x80x125xi32, #tpu.memory_space<hbm>> -> memref<80x125xi32, #tpu.memory_space<hbm>>
      %dma_start3A_100 = arith.constant 0 : i32
      %dma_start3A_101 = tpu.memref_slice %arg3[%run_scoped3A, %mul3A_13, %dma_start3A_100] : memref<2x2560x125xi32, #tpu.memory_space<hbm>> -> memref<1x80x125xi32, #tpu.memory_space<hbm>>
      %dma_start3A_102 = tpu.memref_squeeze %dma_start3A_101 : memref<1x80x125xi32, #tpu.memory_space<hbm>> -> memref<80x125xi32, #tpu.memory_space<hbm>>
      tpu.enqueue_dma source(%dma_start3A_102 : memref<80x125xi32, #tpu.memory_space<hbm>>) target(%arg5 : memref<80x125xi32, #tpu.memory_space<vmem>>) target_semaphore(%run_scoped3A_96 : memref<!tpu.dma_semaphore, #tpu.memory_space<semaphore_mem>>)
      %dma_wait3A_103 = arith.constant 0 : i32
      %dma_wait3A_104 = tpu.memref_slice %arg3[%run_scoped3A, %mul3A_13, %dma_wait3A_103] : memref<2x2560x125xi32, #tpu.memory_space<hbm>> -> memref<1x80x125xi32, #tpu.memory_space<hbm>>
      %dma_wait3A_105 = tpu.memref_squeeze %dma_wait3A_104 : memref<1x80x125xi32, #tpu.memory_space<hbm>> -> memref<80x125xi32, #tpu.memory_space<hbm>>
      %dma_wait3A_106 = arith.constant 0 : i32
      %dma_wait3A_107 = tpu.memref_slice %arg3[%run_scoped3A, %mul3A_13, %dma_wait3A_106] : memref<2x2560x125xi32, #tpu.memory_space<hbm>> -> memref<1x80x125xi32, #tpu.memory_space<hbm>>
      %dma_wait3A_108 = tpu.memref_squeeze %dma_wait3A_107 : memref<1x80x125xi32, #tpu.memory_space<hbm>> -> memref<80x125xi32, #tpu.memory_space<hbm>>
      tpu.wait_dma2 semaphore(%run_scoped3A_96 : memref<!tpu.dma_semaphore, #tpu.memory_space<semaphore_mem>>) src(%dma_wait3A_108 : memref<80x125xi32, #tpu.memory_space<hbm>>) dst(%arg5 : memref<80x125xi32, #tpu.memory_space<vmem>>)
      tpu.yield
    }) : () -> ()
    %mul3A_14 = arith.constant 80 : i32
    %mul3A_15 = arith.muli %add3A, %mul3A_14 : i32
    %run_scoped3A_16 = arith.constant 1 : i32
    "tpu.region"() ({
      %run_scoped3A_96 = tpu.sem_alloc : memref<!tpu.dma_semaphore, #tpu.memory_space<semaphore_mem>>
      %dma_start3A_97 = arith.constant 0 : i32
      %dma_start3A_98 = tpu.memref_slice %arg3[%run_scoped3A_16, %mul3A_15, %dma_start3A_97] : memref<2x2560x125xi32, #tpu.memory_space<hbm>> -> memref<1x80x125xi32, #tpu.memory_space<hbm>>
      %dma_start3A_99 = tpu.memref_squeeze %dma_start3A_98 : memref<1x80x125xi32, #tpu.memory_space<hbm>> -> memref<80x125xi32, #tpu.memory_space<hbm>>
      %dma_start3A_100 = arith.constant 0 : i32
      %dma_start3A_101 = tpu.memref_slice %arg3[%run_scoped3A_16, %mul3A_15, %dma_start3A_100] : memref<2x2560x125xi32, #tpu.memory_space<hbm>> -> memref<1x80x125xi32, #tpu.memory_space<hbm>>
      %dma_start3A_102 = tpu.memref_squeeze %dma_start3A_101 : memref<1x80x125xi32, #tpu.memory_space<hbm>> -> memref<80x125xi32, #tpu.memory_space<hbm>>
      tpu.enqueue_dma source(%dma_start3A_102 : memref<80x125xi32, #tpu.memory_space<hbm>>) target(%arg6 : memref<80x125xi32, #tpu.memory_space<vmem>>) target_semaphore(%run_scoped3A_96 : memref<!tpu.dma_semaphore, #tpu.memory_space<semaphore_mem>>)
      %dma_wait3A_103 = arith.constant 0 : i32
      %dma_wait3A_104 = tpu.memref_slice %arg3[%run_scoped3A_16, %mul3A_15, %dma_wait3A_103] : memref<2x2560x125xi32, #tpu.memory_space<hbm>> -> memref<1x80x125xi32, #tpu.memory_space<hbm>>
      %dma_wait3A_105 = tpu.memref_squeeze %dma_wait3A_104 : memref<1x80x125xi32, #tpu.memory_space<hbm>> -> memref<80x125xi32, #tpu.memory_space<hbm>>
      %dma_wait3A_106 = arith.constant 0 : i32
      %dma_wait3A_107 = tpu.memref_slice %arg3[%run_scoped3A_16, %mul3A_15, %dma_wait3A_106] : memref<2x2560x125xi32, #tpu.memory_space<hbm>> -> memref<1x80x125xi32, #tpu.memory_space<hbm>>
      %dma_wait3A_108 = tpu.memref_squeeze %dma_wait3A_107 : memref<1x80x125xi32, #tpu.memory_space<hbm>> -> memref<80x125xi32, #tpu.memory_space<hbm>>
      tpu.wait_dma2 semaphore(%run_scoped3A_96 : memref<!tpu.dma_semaphore, #tpu.memory_space<semaphore_mem>>) src(%dma_wait3A_108 : memref<80x125xi32, #tpu.memory_space<hbm>>) dst(%arg6 : memref<80x125xi32, #tpu.memory_space<vmem>>)
      tpu.yield
    }) : () -> ()
    %dma_start3A = arith.constant 0 : i32
    %dma_start3A_17 = arith.constant 0 : i32
    %dma_start3A_18 = tpu.memref_slice %arg5[%dma_start3A, %dma_start3A_17] : memref<80x125xi32, #tpu.memory_space<vmem>> -> memref<1x125xi32, #tpu.memory_space<vmem>>
    %dma_start3A_19 = tpu.memref_squeeze %dma_start3A_18 : memref<1x125xi32, #tpu.memory_space<vmem>> -> memref<125xi32, #tpu.memory_space<vmem>>
    %dma_start3A_20 = arith.constant 0 : i32
    %dma_start3A_21 = arith.constant 0 : i32
    %dma_start3A_22 = tpu.memref_slice %arg2[%dma_start3A_20, %dma_start3A_21] : memref<10240x64xf32, #tpu.memory_space<hbm>> -> memref<10240x64xf32, #tpu.memory_space<hbm>>
    tpu.enqueue_indirect_dma source(%dma_start3A_22 : memref<10240x64xf32, #tpu.memory_space<hbm>>) target(%arg7 : memref<125x64xf32, #tpu.memory_space<vmem>>) offsets(%dma_start3A_19 : memref<125xi32, #tpu.memory_space<vmem>>) semaphore(%arg14 : memref<!tpu.dma_semaphore, #tpu.memory_space<semaphore_mem>>)
    %dma_start3A_23 = arith.constant 1 : i32
    %dma_start3A_24 = arith.constant 0 : i32
    %dma_start3A_25 = tpu.memref_slice %arg5[%dma_start3A_23, %dma_start3A_24] : memref<80x125xi32, #tpu.memory_space<vmem>> -> memref<1x125xi32, #tpu.memory_space<vmem>>
    %dma_start3A_26 = tpu.memref_squeeze %dma_start3A_25 : memref<1x125xi32, #tpu.memory_space<vmem>> -> memref<125xi32, #tpu.memory_space<vmem>>
    %dma_start3A_27 = arith.constant 0 : i32
    %dma_start3A_28 = arith.constant 0 : i32
    %dma_start3A_29 = tpu.memref_slice %arg2[%dma_start3A_27, %dma_start3A_28] : memref<10240x64xf32, #tpu.memory_space<hbm>> -> memref<10240x64xf32, #tpu.memory_space<hbm>>
    tpu.enqueue_indirect_dma source(%dma_start3A_29 : memref<10240x64xf32, #tpu.memory_space<hbm>>) target(%arg8 : memref<125x64xf32, #tpu.memory_space<vmem>>) offsets(%dma_start3A_26 : memref<125xi32, #tpu.memory_space<vmem>>) semaphore(%arg15 : memref<!tpu.dma_semaphore, #tpu.memory_space<semaphore_mem>>)
    %dma_start3A_30 = arith.constant 2 : i32
    %dma_start3A_31 = arith.constant 0 : i32
    %dma_start3A_32 = tpu.memref_slice %arg5[%dma_start3A_30, %dma_start3A_31] : memref<80x125xi32, #tpu.memory_space<vmem>> -> memref<1x125xi32, #tpu.memory_space<vmem>>
    %dma_start3A_33 = tpu.memref_squeeze %dma_start3A_32 : memref<1x125xi32, #tpu.memory_space<vmem>> -> memref<125xi32, #tpu.memory_space<vmem>>
    %dma_start3A_34 = arith.constant 0 : i32
    %dma_start3A_35 = arith.constant 0 : i32
    %dma_start3A_36 = tpu.memref_slice %arg2[%dma_start3A_34, %dma_start3A_35] : memref<10240x64xf32, #tpu.memory_space<hbm>> -> memref<10240x64xf32, #tpu.memory_space<hbm>>
    tpu.enqueue_indirect_dma source(%dma_start3A_36 : memref<10240x64xf32, #tpu.memory_space<hbm>>) target(%arg9 : memref<125x64xf32, #tpu.memory_space<vmem>>) offsets(%dma_start3A_33 : memref<125xi32, #tpu.memory_space<vmem>>) semaphore(%arg16 : memref<!tpu.dma_semaphore, #tpu.memory_space<semaphore_mem>>)
    %dma_start3A_37 = arith.constant 3 : i32
    %dma_start3A_38 = arith.constant 0 : i32
    %dma_start3A_39 = tpu.memref_slice %arg5[%dma_start3A_37, %dma_start3A_38] : memref<80x125xi32, #tpu.memory_space<vmem>> -> memref<1x125xi32, #tpu.memory_space<vmem>>
    %dma_start3A_40 = tpu.memref_squeeze %dma_start3A_39 : memref<1x125xi32, #tpu.memory_space<vmem>> -> memref<125xi32, #tpu.memory_space<vmem>>
    %dma_start3A_41 = arith.constant 0 : i32
    %dma_start3A_42 = arith.constant 0 : i32
    %dma_start3A_43 = tpu.memref_slice %arg2[%dma_start3A_41, %dma_start3A_42] : memref<10240x64xf32, #tpu.memory_space<hbm>> -> memref<10240x64xf32, #tpu.memory_space<hbm>>
    tpu.enqueue_indirect_dma source(%dma_start3A_43 : memref<10240x64xf32, #tpu.memory_space<hbm>>) target(%arg10 : memref<125x64xf32, #tpu.memory_space<vmem>>) offsets(%dma_start3A_40 : memref<125xi32, #tpu.memory_space<vmem>>) semaphore(%arg17 : memref<!tpu.dma_semaphore, #tpu.memory_space<semaphore_mem>>)
    %dma_start3A_44 = arith.constant 4 : i32
    %dma_start3A_45 = arith.constant 0 : i32
    %dma_start3A_46 = tpu.memref_slice %arg5[%dma_start3A_44, %dma_start3A_45] : memref<80x125xi32, #tpu.memory_space<vmem>> -> memref<1x125xi32, #tpu.memory_space<vmem>>
    %dma_start3A_47 = tpu.memref_squeeze %dma_start3A_46 : memref<1x125xi32, #tpu.memory_space<vmem>> -> memref<125xi32, #tpu.memory_space<vmem>>
    %dma_start3A_48 = arith.constant 0 : i32
    %dma_start3A_49 = arith.constant 0 : i32
    %dma_start3A_50 = tpu.memref_slice %arg2[%dma_start3A_48, %dma_start3A_49] : memref<10240x64xf32, #tpu.memory_space<hbm>> -> memref<10240x64xf32, #tpu.memory_space<hbm>>
    tpu.enqueue_indirect_dma source(%dma_start3A_50 : memref<10240x64xf32, #tpu.memory_space<hbm>>) target(%arg11 : memref<125x64xf32, #tpu.memory_space<vmem>>) offsets(%dma_start3A_47 : memref<125xi32, #tpu.memory_space<vmem>>) semaphore(%arg18 : memref<!tpu.dma_semaphore, #tpu.memory_space<semaphore_mem>>)
    %scan3A_51 = arith.constant 0 : i32
    %scan3A_52 = arith.constant 0 : i32
    %scan3A_53 = arith.constant 16 : i32
    %scan3A_54 = arith.addi %scan3A_52, %scan3A_53 : i32
    %scan3A_55 = arith.constant 1 : i32
    scf.for %scan3A_96 = %scan3A_52 to %scan3A_54 step %scan3A_55  : i32 {
      %mul3A_97 = arith.constant 5 : i32
      %mul3A_98 = arith.muli %mul3A_97, %scan3A_96 : i32
      %add3A_99 = arith.constant 0 : i32
      %add3A_100 = arith.addi %mul3A_98, %add3A_99 : i32
      %dma_wait3A_101 = arith.constant 0 : i32
      %dma_wait3A_102 = tpu.memref_slice %arg5[%add3A_100, %dma_wait3A_101] : memref<80x125xi32, #tpu.memory_space<vmem>> -> memref<1x125xi32, #tpu.memory_space<vmem>>
      %dma_wait3A_103 = tpu.memref_squeeze %dma_wait3A_102 : memref<1x125xi32, #tpu.memory_space<vmem>> -> memref<125xi32, #tpu.memory_space<vmem>>
      %dma_wait3A_104 = arith.constant 0 : i32
      %dma_wait3A_105 = arith.constant 0 : i32
      %dma_wait3A_106 = tpu.memref_slice %arg2[%dma_wait3A_104, %dma_wait3A_105] : memref<10240x64xf32, #tpu.memory_space<hbm>> -> memref<10240x64xf32, #tpu.memory_space<hbm>>
      tpu.wait_indirect_dma semaphore(%arg14 : memref<!tpu.dma_semaphore, #tpu.memory_space<semaphore_mem>>) src(%dma_wait3A_106 : memref<10240x64xf32, #tpu.memory_space<hbm>>) dst(%arg7 : memref<125x64xf32, #tpu.memory_space<vmem>>)
      %dma_start3A_107 = arith.constant 0 : i32
      %dma_start3A_108 = tpu.memref_slice %arg6[%add3A_100, %dma_start3A_107] : memref<80x125xi32, #tpu.memory_space<vmem>> -> memref<1x125xi32, #tpu.memory_space<vmem>>
      %dma_start3A_109 = tpu.memref_squeeze %dma_start3A_108 : memref<1x125xi32, #tpu.memory_space<vmem>> -> memref<125xi32, #tpu.memory_space<vmem>>
      %dma_start3A_110 = arith.constant 0 : i32
      %dma_start3A_111 = arith.constant 0 : i32
      %dma_start3A_112 = tpu.memref_slice %arg13[%dma_start3A_110, %dma_start3A_111] : memref<10240x64xf32, #tpu.memory_space<vmem_shared>> -> memref<10240x64xf32, #tpu.memory_space<vmem_shared>>
      tpu.enqueue_indirect_dma source(%arg7 : memref<125x64xf32, #tpu.memory_space<vmem>>) target(%dma_start3A_112 : memref<10240x64xf32, #tpu.memory_space<vmem_shared>>) offsets(%dma_start3A_109 : memref<125xi32, #tpu.memory_space<vmem>>) semaphore(%arg19 : memref<!tpu.dma_semaphore, #tpu.memory_space<semaphore_mem>>) {add = true}
      %mul3A_113 = arith.constant 5 : i32
      %mul3A_114 = arith.muli %mul3A_113, %scan3A_96 : i32
      %add3A_115 = arith.constant 1 : i32
      %add3A_116 = arith.addi %mul3A_114, %add3A_115 : i32
      %dma_wait3A_117 = arith.constant 0 : i32
      %dma_wait3A_118 = tpu.memref_slice %arg5[%add3A_116, %dma_wait3A_117] : memref<80x125xi32, #tpu.memory_space<vmem>> -> memref<1x125xi32, #tpu.memory_space<vmem>>
      %dma_wait3A_119 = tpu.memref_squeeze %dma_wait3A_118 : memref<1x125xi32, #tpu.memory_space<vmem>> -> memref<125xi32, #tpu.memory_space<vmem>>
      %dma_wait3A_120 = arith.constant 0 : i32
      %dma_wait3A_121 = arith.constant 0 : i32
      %dma_wait3A_122 = tpu.memref_slice %arg2[%dma_wait3A_120, %dma_wait3A_121] : memref<10240x64xf32, #tpu.memory_space<hbm>> -> memref<10240x64xf32, #tpu.memory_space<hbm>>
      tpu.wait_indirect_dma semaphore(%arg15 : memref<!tpu.dma_semaphore, #tpu.memory_space<semaphore_mem>>) src(%dma_wait3A_122 : memref<10240x64xf32, #tpu.memory_space<hbm>>) dst(%arg8 : memref<125x64xf32, #tpu.memory_space<vmem>>)
      %dma_start3A_123 = arith.constant 0 : i32
      %dma_start3A_124 = tpu.memref_slice %arg6[%add3A_116, %dma_start3A_123] : memref<80x125xi32, #tpu.memory_space<vmem>> -> memref<1x125xi32, #tpu.memory_space<vmem>>
      %dma_start3A_125 = tpu.memref_squeeze %dma_start3A_124 : memref<1x125xi32, #tpu.memory_space<vmem>> -> memref<125xi32, #tpu.memory_space<vmem>>
      %dma_start3A_126 = arith.constant 0 : i32
      %dma_start3A_127 = arith.constant 0 : i32
      %dma_start3A_128 = tpu.memref_slice %arg13[%dma_start3A_126, %dma_start3A_127] : memref<10240x64xf32, #tpu.memory_space<vmem_shared>> -> memref<10240x64xf32, #tpu.memory_space<vmem_shared>>
      tpu.enqueue_indirect_dma source(%arg8 : memref<125x64xf32, #tpu.memory_space<vmem>>) target(%dma_start3A_128 : memref<10240x64xf32, #tpu.memory_space<vmem_shared>>) offsets(%dma_start3A_125 : memref<125xi32, #tpu.memory_space<vmem>>) semaphore(%arg20 : memref<!tpu.dma_semaphore, #tpu.memory_space<semaphore_mem>>) {add = true}
      %mul3A_129 = arith.constant 5 : i32
      %mul3A_130 = arith.muli %mul3A_129, %scan3A_96 : i32
      %add3A_131 = arith.constant 2 : i32
      %add3A_132 = arith.addi %mul3A_130, %add3A_131 : i32
      %dma_wait3A_133 = arith.constant 0 : i32
      %dma_wait3A_134 = tpu.memref_slice %arg5[%add3A_132, %dma_wait3A_133] : memref<80x125xi32, #tpu.memory_space<vmem>> -> memref<1x125xi32, #tpu.memory_space<vmem>>
      %dma_wait3A_135 = tpu.memref_squeeze %dma_wait3A_134 : memref<1x125xi32, #tpu.memory_space<vmem>> -> memref<125xi32, #tpu.memory_space<vmem>>
      %dma_wait3A_136 = arith.constant 0 : i32
      %dma_wait3A_137 = arith.constant 0 : i32
      %dma_wait3A_138 = tpu.memref_slice %arg2[%dma_wait3A_136, %dma_wait3A_137] : memref<10240x64xf32, #tpu.memory_space<hbm>> -> memref<10240x64xf32, #tpu.memory_space<hbm>>
      tpu.wait_indirect_dma semaphore(%arg16 : memref<!tpu.dma_semaphore, #tpu.memory_space<semaphore_mem>>) src(%dma_wait3A_138 : memref<10240x64xf32, #tpu.memory_space<hbm>>) dst(%arg9 : memref<125x64xf32, #tpu.memory_space<vmem>>)
      %dma_start3A_139 = arith.constant 0 : i32
      %dma_start3A_140 = tpu.memref_slice %arg6[%add3A_132, %dma_start3A_139] : memref<80x125xi32, #tpu.memory_space<vmem>> -> memref<1x125xi32, #tpu.memory_space<vmem>>
      %dma_start3A_141 = tpu.memref_squeeze %dma_start3A_140 : memref<1x125xi32, #tpu.memory_space<vmem>> -> memref<125xi32, #tpu.memory_space<vmem>>
      %dma_start3A_142 = arith.constant 0 : i32
      %dma_start3A_143 = arith.constant 0 : i32
      %dma_start3A_144 = tpu.memref_slice %arg13[%dma_start3A_142, %dma_start3A_143] : memref<10240x64xf32, #tpu.memory_space<vmem_shared>> -> memref<10240x64xf32, #tpu.memory_space<vmem_shared>>
      tpu.enqueue_indirect_dma source(%arg9 : memref<125x64xf32, #tpu.memory_space<vmem>>) target(%dma_start3A_144 : memref<10240x64xf32, #tpu.memory_space<vmem_shared>>) offsets(%dma_start3A_141 : memref<125xi32, #tpu.memory_space<vmem>>) semaphore(%arg21 : memref<!tpu.dma_semaphore, #tpu.memory_space<semaphore_mem>>) {add = true}
      %mul3A_145 = arith.constant 5 : i32
      %mul3A_146 = arith.muli %mul3A_145, %scan3A_96 : i32
      %add3A_147 = arith.constant 3 : i32
      %add3A_148 = arith.addi %mul3A_146, %add3A_147 : i32
      %dma_wait3A_149 = arith.constant 0 : i32
      %dma_wait3A_150 = tpu.memref_slice %arg5[%add3A_148, %dma_wait3A_149] : memref<80x125xi32, #tpu.memory_space<vmem>> -> memref<1x125xi32, #tpu.memory_space<vmem>>
      %dma_wait3A_151 = tpu.memref_squeeze %dma_wait3A_150 : memref<1x125xi32, #tpu.memory_space<vmem>> -> memref<125xi32, #tpu.memory_space<vmem>>
      %dma_wait3A_152 = arith.constant 0 : i32
      %dma_wait3A_153 = arith.constant 0 : i32
      %dma_wait3A_154 = tpu.memref_slice %arg2[%dma_wait3A_152, %dma_wait3A_153] : memref<10240x64xf32, #tpu.memory_space<hbm>> -> memref<10240x64xf32, #tpu.memory_space<hbm>>
      tpu.wait_indirect_dma semaphore(%arg17 : memref<!tpu.dma_semaphore, #tpu.memory_space<semaphore_mem>>) src(%dma_wait3A_154 : memref<10240x64xf32, #tpu.memory_space<hbm>>) dst(%arg10 : memref<125x64xf32, #tpu.memory_space<vmem>>)
      %dma_start3A_155 = arith.constant 0 : i32
      %dma_start3A_156 = tpu.memref_slice %arg6[%add3A_148, %dma_start3A_155] : memref<80x125xi32, #tpu.memory_space<vmem>> -> memref<1x125xi32, #tpu.memory_space<vmem>>
      %dma_start3A_157 = tpu.memref_squeeze %dma_start3A_156 : memref<1x125xi32, #tpu.memory_space<vmem>> -> memref<125xi32, #tpu.memory_space<vmem>>
      %dma_start3A_158 = arith.constant 0 : i32
      %dma_start3A_159 = arith.constant 0 : i32
      %dma_start3A_160 = tpu.memref_slice %arg13[%dma_start3A_158, %dma_start3A_159] : memref<10240x64xf32, #tpu.memory_space<vmem_shared>> -> memref<10240x64xf32, #tpu.memory_space<vmem_shared>>
      tpu.enqueue_indirect_dma source(%arg10 : memref<125x64xf32, #tpu.memory_space<vmem>>) target(%dma_start3A_160 : memref<10240x64xf32, #tpu.memory_space<vmem_shared>>) offsets(%dma_start3A_157 : memref<125xi32, #tpu.memory_space<vmem>>) semaphore(%arg22 : memref<!tpu.dma_semaphore, #tpu.memory_space<semaphore_mem>>) {add = true}
      %mul3A_161 = arith.constant 5 : i32
      %mul3A_162 = arith.muli %mul3A_161, %scan3A_96 : i32
      %add3A_163 = arith.constant 4 : i32
      %add3A_164 = arith.addi %mul3A_162, %add3A_163 : i32
      %dma_wait3A_165 = arith.constant 0 : i32
      %dma_wait3A_166 = tpu.memref_slice %arg5[%add3A_164, %dma_wait3A_165] : memref<80x125xi32, #tpu.memory_space<vmem>> -> memref<1x125xi32, #tpu.memory_space<vmem>>
      %dma_wait3A_167 = tpu.memref_squeeze %dma_wait3A_166 : memref<1x125xi32, #tpu.memory_space<vmem>> -> memref<125xi32, #tpu.memory_space<vmem>>
      %dma_wait3A_168 = arith.constant 0 : i32
      %dma_wait3A_169 = arith.constant 0 : i32
      %dma_wait3A_170 = tpu.memref_slice %arg2[%dma_wait3A_168, %dma_wait3A_169] : memref<10240x64xf32, #tpu.memory_space<hbm>> -> memref<10240x64xf32, #tpu.memory_space<hbm>>
      tpu.wait_indirect_dma semaphore(%arg18 : memref<!tpu.dma_semaphore, #tpu.memory_space<semaphore_mem>>) src(%dma_wait3A_170 : memref<10240x64xf32, #tpu.memory_space<hbm>>) dst(%arg11 : memref<125x64xf32, #tpu.memory_space<vmem>>)
      %dma_start3A_171 = arith.constant 0 : i32
      %dma_start3A_172 = tpu.memref_slice %arg6[%add3A_164, %dma_start3A_171] : memref<80x125xi32, #tpu.memory_space<vmem>> -> memref<1x125xi32, #tpu.memory_space<vmem>>
      %dma_start3A_173 = tpu.memref_squeeze %dma_start3A_172 : memref<1x125xi32, #tpu.memory_space<vmem>> -> memref<125xi32, #tpu.memory_space<vmem>>
      %dma_start3A_174 = arith.constant 0 : i32
      %dma_start3A_175 = arith.constant 0 : i32
      %dma_start3A_176 = tpu.memref_slice %arg13[%dma_start3A_174, %dma_start3A_175] : memref<10240x64xf32, #tpu.memory_space<vmem_shared>> -> memref<10240x64xf32, #tpu.memory_space<vmem_shared>>
      tpu.enqueue_indirect_dma source(%arg11 : memref<125x64xf32, #tpu.memory_space<vmem>>) target(%dma_start3A_176 : memref<10240x64xf32, #tpu.memory_space<vmem_shared>>) offsets(%dma_start3A_173 : memref<125xi32, #tpu.memory_space<vmem>>) semaphore(%arg23 : memref<!tpu.dma_semaphore, #tpu.memory_space<semaphore_mem>>) {add = true}
      %mul3A_177 = arith.constant 5 : i32
      %mul3A_178 = arith.muli %mul3A_177, %scan3A_96 : i32
      %add3A_179 = arith.constant 0 : i32
      %add3A_180 = arith.addi %mul3A_178, %add3A_179 : i32
      %lt3A = arith.constant 15 : i32
      %lt3A_181 = arith.cmpi slt, %scan3A_96, %lt3A : i32
      %convert_element_type3A = arith.extui %lt3A_181 : i1 to i32
      %cond3A = arith.constant 0 : i32
      %cond3A_182 = arith.cmpi ne, %convert_element_type3A, %cond3A : i32
      scf.if %cond3A_182 {
        %dma_wait3A_219 = arith.constant 0 : i32
        %dma_wait3A_220 = tpu.memref_slice %arg6[%add3A_180, %dma_wait3A_219] : memref<80x125xi32, #tpu.memory_space<vmem>> -> memref<1x125xi32, #tpu.memory_space<vmem>>
        %dma_wait3A_221 = tpu.memref_squeeze %dma_wait3A_220 : memref<1x125xi32, #tpu.memory_space<vmem>> -> memref<125xi32, #tpu.memory_space<vmem>>
        %dma_wait3A_222 = arith.constant 0 : i32
        %dma_wait3A_223 = arith.constant 0 : i32
        %dma_wait3A_224 = tpu.memref_slice %arg13[%dma_wait3A_222, %dma_wait3A_223] : memref<10240x64xf32, #tpu.memory_space<vmem_shared>> -> memref<10240x64xf32, #tpu.memory_space<vmem_shared>>
        tpu.wait_indirect_dma semaphore(%arg19 : memref<!tpu.dma_semaphore, #tpu.memory_space<semaphore_mem>>) src(%arg7 : memref<125x64xf32, #tpu.memory_space<vmem>>) dst(%dma_wait3A_224 : memref<10240x64xf32, #tpu.memory_space<vmem_shared>>)
        %add3A_225 = arith.constant 5 : i32
        %add3A_226 = arith.addi %add3A_180, %add3A_225 : i32
        %dma_start3A_227 = arith.constant 0 : i32
        %dma_start3A_228 = tpu.memref_slice %arg5[%add3A_226, %dma_start3A_227] : memref<80x125xi32, #tpu.memory_space<vmem>> -> memref<1x125xi32, #tpu.memory_space<vmem>>
        %dma_start3A_229 = tpu.memref_squeeze %dma_start3A_228 : memref<1x125xi32, #tpu.memory_space<vmem>> -> memref<125xi32, #tpu.memory_space<vmem>>
        %dma_start3A_230 = arith.constant 0 : i32
        %dma_start3A_231 = arith.constant 0 : i32
        %dma_start3A_232 = tpu.memref_slice %arg2[%dma_start3A_230, %dma_start3A_231] : memref<10240x64xf32, #tpu.memory_space<hbm>> -> memref<10240x64xf32, #tpu.memory_space<hbm>>
        tpu.enqueue_indirect_dma source(%dma_start3A_232 : memref<10240x64xf32, #tpu.memory_space<hbm>>) target(%arg7 : memref<125x64xf32, #tpu.memory_space<vmem>>) offsets(%dma_start3A_229 : memref<125xi32, #tpu.memory_space<vmem>>) semaphore(%arg14 : memref<!tpu.dma_semaphore, #tpu.memory_space<semaphore_mem>>)
      } else {
      }
      %mul3A_183 = arith.constant 5 : i32
      %mul3A_184 = arith.muli %mul3A_183, %scan3A_96 : i32
      %add3A_185 = arith.constant 1 : i32
      %add3A_186 = arith.addi %mul3A_184, %add3A_185 : i32
      %lt3A_187 = arith.constant 15 : i32
      %lt3A_188 = arith.cmpi slt, %scan3A_96, %lt3A_187 : i32
      %convert_element_type3A_189 = arith.extui %lt3A_188 : i1 to i32
      %cond3A_190 = arith.constant 0 : i32
      %cond3A_191 = arith.cmpi ne, %convert_element_type3A_189, %cond3A_190 : i32
      scf.if %cond3A_191 {
        %dma_wait3A_219 = arith.constant 0 : i32
        %dma_wait3A_220 = tpu.memref_slice %arg6[%add3A_186, %dma_wait3A_219] : memref<80x125xi32, #tpu.memory_space<vmem>> -> memref<1x125xi32, #tpu.memory_space<vmem>>
        %dma_wait3A_221 = tpu.memref_squeeze %dma_wait3A_220 : memref<1x125xi32, #tpu.memory_space<vmem>> -> memref<125xi32, #tpu.memory_space<vmem>>
        %dma_wait3A_222 = arith.constant 0 : i32
        %dma_wait3A_223 = arith.constant 0 : i32
        %dma_wait3A_224 = tpu.memref_slice %arg13[%dma_wait3A_222, %dma_wait3A_223] : memref<10240x64xf32, #tpu.memory_space<vmem_shared>> -> memref<10240x64xf32, #tpu.memory_space<vmem_shared>>
        tpu.wait_indirect_dma semaphore(%arg20 : memref<!tpu.dma_semaphore, #tpu.memory_space<semaphore_mem>>) src(%arg8 : memref<125x64xf32, #tpu.memory_space<vmem>>) dst(%dma_wait3A_224 : memref<10240x64xf32, #tpu.memory_space<vmem_shared>>)
        %add3A_225 = arith.constant 5 : i32
        %add3A_226 = arith.addi %add3A_186, %add3A_225 : i32
        %dma_start3A_227 = arith.constant 0 : i32
        %dma_start3A_228 = tpu.memref_slice %arg5[%add3A_226, %dma_start3A_227] : memref<80x125xi32, #tpu.memory_space<vmem>> -> memref<1x125xi32, #tpu.memory_space<vmem>>
        %dma_start3A_229 = tpu.memref_squeeze %dma_start3A_228 : memref<1x125xi32, #tpu.memory_space<vmem>> -> memref<125xi32, #tpu.memory_space<vmem>>
        %dma_start3A_230 = arith.constant 0 : i32
        %dma_start3A_231 = arith.constant 0 : i32
        %dma_start3A_232 = tpu.memref_slice %arg2[%dma_start3A_230, %dma_start3A_231] : memref<10240x64xf32, #tpu.memory_space<hbm>> -> memref<10240x64xf32, #tpu.memory_space<hbm>>
        tpu.enqueue_indirect_dma source(%dma_start3A_232 : memref<10240x64xf32, #tpu.memory_space<hbm>>) target(%arg8 : memref<125x64xf32, #tpu.memory_space<vmem>>) offsets(%dma_start3A_229 : memref<125xi32, #tpu.memory_space<vmem>>) semaphore(%arg15 : memref<!tpu.dma_semaphore, #tpu.memory_space<semaphore_mem>>)
      } else {
      }
      %mul3A_192 = arith.constant 5 : i32
      %mul3A_193 = arith.muli %mul3A_192, %scan3A_96 : i32
      %add3A_194 = arith.constant 2 : i32
      %add3A_195 = arith.addi %mul3A_193, %add3A_194 : i32
      %lt3A_196 = arith.constant 15 : i32
      %lt3A_197 = arith.cmpi slt, %scan3A_96, %lt3A_196 : i32
      %convert_element_type3A_198 = arith.extui %lt3A_197 : i1 to i32
      %cond3A_199 = arith.constant 0 : i32
      %cond3A_200 = arith.cmpi ne, %convert_element_type3A_198, %cond3A_199 : i32
      scf.if %cond3A_200 {
        %dma_wait3A_219 = arith.constant 0 : i32
        %dma_wait3A_220 = tpu.memref_slice %arg6[%add3A_195, %dma_wait3A_219] : memref<80x125xi32, #tpu.memory_space<vmem>> -> memref<1x125xi32, #tpu.memory_space<vmem>>
        %dma_wait3A_221 = tpu.memref_squeeze %dma_wait3A_220 : memref<1x125xi32, #tpu.memory_space<vmem>> -> memref<125xi32, #tpu.memory_space<vmem>>
        %dma_wait3A_222 = arith.constant 0 : i32
        %dma_wait3A_223 = arith.constant 0 : i32
        %dma_wait3A_224 = tpu.memref_slice %arg13[%dma_wait3A_222, %dma_wait3A_223] : memref<10240x64xf32, #tpu.memory_space<vmem_shared>> -> memref<10240x64xf32, #tpu.memory_space<vmem_shared>>
        tpu.wait_indirect_dma semaphore(%arg21 : memref<!tpu.dma_semaphore, #tpu.memory_space<semaphore_mem>>) src(%arg9 : memref<125x64xf32, #tpu.memory_space<vmem>>) dst(%dma_wait3A_224 : memref<10240x64xf32, #tpu.memory_space<vmem_shared>>)
        %add3A_225 = arith.constant 5 : i32
        %add3A_226 = arith.addi %add3A_195, %add3A_225 : i32
        %dma_start3A_227 = arith.constant 0 : i32
        %dma_start3A_228 = tpu.memref_slice %arg5[%add3A_226, %dma_start3A_227] : memref<80x125xi32, #tpu.memory_space<vmem>> -> memref<1x125xi32, #tpu.memory_space<vmem>>
        %dma_start3A_229 = tpu.memref_squeeze %dma_start3A_228 : memref<1x125xi32, #tpu.memory_space<vmem>> -> memref<125xi32, #tpu.memory_space<vmem>>
        %dma_start3A_230 = arith.constant 0 : i32
        %dma_start3A_231 = arith.constant 0 : i32
        %dma_start3A_232 = tpu.memref_slice %arg2[%dma_start3A_230, %dma_start3A_231] : memref<10240x64xf32, #tpu.memory_space<hbm>> -> memref<10240x64xf32, #tpu.memory_space<hbm>>
        tpu.enqueue_indirect_dma source(%dma_start3A_232 : memref<10240x64xf32, #tpu.memory_space<hbm>>) target(%arg9 : memref<125x64xf32, #tpu.memory_space<vmem>>) offsets(%dma_start3A_229 : memref<125xi32, #tpu.memory_space<vmem>>) semaphore(%arg16 : memref<!tpu.dma_semaphore, #tpu.memory_space<semaphore_mem>>)
      } else {
      }
      %mul3A_201 = arith.constant 5 : i32
      %mul3A_202 = arith.muli %mul3A_201, %scan3A_96 : i32
      %add3A_203 = arith.constant 3 : i32
      %add3A_204 = arith.addi %mul3A_202, %add3A_203 : i32
      %lt3A_205 = arith.constant 15 : i32
      %lt3A_206 = arith.cmpi slt, %scan3A_96, %lt3A_205 : i32
      %convert_element_type3A_207 = arith.extui %lt3A_206 : i1 to i32
      %cond3A_208 = arith.constant 0 : i32
      %cond3A_209 = arith.cmpi ne, %convert_element_type3A_207, %cond3A_208 : i32
      scf.if %cond3A_209 {
        %dma_wait3A_219 = arith.constant 0 : i32
        %dma_wait3A_220 = tpu.memref_slice %arg6[%add3A_204, %dma_wait3A_219] : memref<80x125xi32, #tpu.memory_space<vmem>> -> memref<1x125xi32, #tpu.memory_space<vmem>>
        %dma_wait3A_221 = tpu.memref_squeeze %dma_wait3A_220 : memref<1x125xi32, #tpu.memory_space<vmem>> -> memref<125xi32, #tpu.memory_space<vmem>>
        %dma_wait3A_222 = arith.constant 0 : i32
        %dma_wait3A_223 = arith.constant 0 : i32
        %dma_wait3A_224 = tpu.memref_slice %arg13[%dma_wait3A_222, %dma_wait3A_223] : memref<10240x64xf32, #tpu.memory_space<vmem_shared>> -> memref<10240x64xf32, #tpu.memory_space<vmem_shared>>
        tpu.wait_indirect_dma semaphore(%arg22 : memref<!tpu.dma_semaphore, #tpu.memory_space<semaphore_mem>>) src(%arg10 : memref<125x64xf32, #tpu.memory_space<vmem>>) dst(%dma_wait3A_224 : memref<10240x64xf32, #tpu.memory_space<vmem_shared>>)
        %add3A_225 = arith.constant 5 : i32
        %add3A_226 = arith.addi %add3A_204, %add3A_225 : i32
        %dma_start3A_227 = arith.constant 0 : i32
        %dma_start3A_228 = tpu.memref_slice %arg5[%add3A_226, %dma_start3A_227] : memref<80x125xi32, #tpu.memory_space<vmem>> -> memref<1x125xi32, #tpu.memory_space<vmem>>
        %dma_start3A_229 = tpu.memref_squeeze %dma_start3A_228 : memref<1x125xi32, #tpu.memory_space<vmem>> -> memref<125xi32, #tpu.memory_space<vmem>>
        %dma_start3A_230 = arith.constant 0 : i32
        %dma_start3A_231 = arith.constant 0 : i32
        %dma_start3A_232 = tpu.memref_slice %arg2[%dma_start3A_230, %dma_start3A_231] : memref<10240x64xf32, #tpu.memory_space<hbm>> -> memref<10240x64xf32, #tpu.memory_space<hbm>>
        tpu.enqueue_indirect_dma source(%dma_start3A_232 : memref<10240x64xf32, #tpu.memory_space<hbm>>) target(%arg10 : memref<125x64xf32, #tpu.memory_space<vmem>>) offsets(%dma_start3A_229 : memref<125xi32, #tpu.memory_space<vmem>>) semaphore(%arg17 : memref<!tpu.dma_semaphore, #tpu.memory_space<semaphore_mem>>)
      } else {
      }
      %mul3A_210 = arith.constant 5 : i32
      %mul3A_211 = arith.muli %mul3A_210, %scan3A_96 : i32
      %add3A_212 = arith.constant 4 : i32
      %add3A_213 = arith.addi %mul3A_211, %add3A_212 : i32
      %lt3A_214 = arith.constant 15 : i32
      %lt3A_215 = arith.cmpi slt, %scan3A_96, %lt3A_214 : i32
      %convert_element_type3A_216 = arith.extui %lt3A_215 : i1 to i32
      %cond3A_217 = arith.constant 0 : i32
      %cond3A_218 = arith.cmpi ne, %convert_element_type3A_216, %cond3A_217 : i32
      scf.if %cond3A_218 {
        %dma_wait3A_219 = arith.constant 0 : i32
        %dma_wait3A_220 = tpu.memref_slice %arg6[%add3A_213, %dma_wait3A_219] : memref<80x125xi32, #tpu.memory_space<vmem>> -> memref<1x125xi32, #tpu.memory_space<vmem>>
        %dma_wait3A_221 = tpu.memref_squeeze %dma_wait3A_220 : memref<1x125xi32, #tpu.memory_space<vmem>> -> memref<125xi32, #tpu.memory_space<vmem>>
        %dma_wait3A_222 = arith.constant 0 : i32
        %dma_wait3A_223 = arith.constant 0 : i32
        %dma_wait3A_224 = tpu.memref_slice %arg13[%dma_wait3A_222, %dma_wait3A_223] : memref<10240x64xf32, #tpu.memory_space<vmem_shared>> -> memref<10240x64xf32, #tpu.memory_space<vmem_shared>>
        tpu.wait_indirect_dma semaphore(%arg23 : memref<!tpu.dma_semaphore, #tpu.memory_space<semaphore_mem>>) src(%arg11 : memref<125x64xf32, #tpu.memory_space<vmem>>) dst(%dma_wait3A_224 : memref<10240x64xf32, #tpu.memory_space<vmem_shared>>)
        %add3A_225 = arith.constant 5 : i32
        %add3A_226 = arith.addi %add3A_213, %add3A_225 : i32
        %dma_start3A_227 = arith.constant 0 : i32
        %dma_start3A_228 = tpu.memref_slice %arg5[%add3A_226, %dma_start3A_227] : memref<80x125xi32, #tpu.memory_space<vmem>> -> memref<1x125xi32, #tpu.memory_space<vmem>>
        %dma_start3A_229 = tpu.memref_squeeze %dma_start3A_228 : memref<1x125xi32, #tpu.memory_space<vmem>> -> memref<125xi32, #tpu.memory_space<vmem>>
        %dma_start3A_230 = arith.constant 0 : i32
        %dma_start3A_231 = arith.constant 0 : i32
        %dma_start3A_232 = tpu.memref_slice %arg2[%dma_start3A_230, %dma_start3A_231] : memref<10240x64xf32, #tpu.memory_space<hbm>> -> memref<10240x64xf32, #tpu.memory_space<hbm>>
        tpu.enqueue_indirect_dma source(%dma_start3A_232 : memref<10240x64xf32, #tpu.memory_space<hbm>>) target(%arg11 : memref<125x64xf32, #tpu.memory_space<vmem>>) offsets(%dma_start3A_229 : memref<125xi32, #tpu.memory_space<vmem>>) semaphore(%arg18 : memref<!tpu.dma_semaphore, #tpu.memory_space<semaphore_mem>>)
      } else {
      }
    }
    %scan3A_56 = arith.constant 16 : i32
    %dma_wait3A = arith.constant 75 : i32
    %dma_wait3A_57 = arith.constant 0 : i32
    %dma_wait3A_58 = tpu.memref_slice %arg6[%dma_wait3A, %dma_wait3A_57] : memref<80x125xi32, #tpu.memory_space<vmem>> -> memref<1x125xi32, #tpu.memory_space<vmem>>
    %dma_wait3A_59 = tpu.memref_squeeze %dma_wait3A_58 : memref<1x125xi32, #tpu.memory_space<vmem>> -> memref<125xi32, #tpu.memory_space<vmem>>
    %dma_wait3A_60 = arith.constant 0 : i32
    %dma_wait3A_61 = arith.constant 0 : i32
    %dma_wait3A_62 = tpu.memref_slice %arg13[%dma_wait3A_60, %dma_wait3A_61] : memref<10240x64xf32, #tpu.memory_space<vmem_shared>> -> memref<10240x64xf32, #tpu.memory_space<vmem_shared>>
    tpu.wait_indirect_dma semaphore(%arg19 : memref<!tpu.dma_semaphore, #tpu.memory_space<semaphore_mem>>) src(%arg7 : memref<125x64xf32, #tpu.memory_space<vmem>>) dst(%dma_wait3A_62 : memref<10240x64xf32, #tpu.memory_space<vmem_shared>>)
    %dma_wait3A_63 = arith.constant 76 : i32
    %dma_wait3A_64 = arith.constant 0 : i32
    %dma_wait3A_65 = tpu.memref_slice %arg6[%dma_wait3A_63, %dma_wait3A_64] : memref<80x125xi32, #tpu.memory_space<vmem>> -> memref<1x125xi32, #tpu.memory_space<vmem>>
    %dma_wait3A_66 = tpu.memref_squeeze %dma_wait3A_65 : memref<1x125xi32, #tpu.memory_space<vmem>> -> memref<125xi32, #tpu.memory_space<vmem>>
    %dma_wait3A_67 = arith.constant 0 : i32
    %dma_wait3A_68 = arith.constant 0 : i32
    %dma_wait3A_69 = tpu.memref_slice %arg13[%dma_wait3A_67, %dma_wait3A_68] : memref<10240x64xf32, #tpu.memory_space<vmem_shared>> -> memref<10240x64xf32, #tpu.memory_space<vmem_shared>>
    tpu.wait_indirect_dma semaphore(%arg20 : memref<!tpu.dma_semaphore, #tpu.memory_space<semaphore_mem>>) src(%arg8 : memref<125x64xf32, #tpu.memory_space<vmem>>) dst(%dma_wait3A_69 : memref<10240x64xf32, #tpu.memory_space<vmem_shared>>)
    %dma_wait3A_70 = arith.constant 77 : i32
    %dma_wait3A_71 = arith.constant 0 : i32
    %dma_wait3A_72 = tpu.memref_slice %arg6[%dma_wait3A_70, %dma_wait3A_71] : memref<80x125xi32, #tpu.memory_space<vmem>> -> memref<1x125xi32, #tpu.memory_space<vmem>>
    %dma_wait3A_73 = tpu.memref_squeeze %dma_wait3A_72 : memref<1x125xi32, #tpu.memory_space<vmem>> -> memref<125xi32, #tpu.memory_space<vmem>>
    %dma_wait3A_74 = arith.constant 0 : i32
    %dma_wait3A_75 = arith.constant 0 : i32
    %dma_wait3A_76 = tpu.memref_slice %arg13[%dma_wait3A_74, %dma_wait3A_75] : memref<10240x64xf32, #tpu.memory_space<vmem_shared>> -> memref<10240x64xf32, #tpu.memory_space<vmem_shared>>
    tpu.wait_indirect_dma semaphore(%arg21 : memref<!tpu.dma_semaphore, #tpu.memory_space<semaphore_mem>>) src(%arg9 : memref<125x64xf32, #tpu.memory_space<vmem>>) dst(%dma_wait3A_76 : memref<10240x64xf32, #tpu.memory_space<vmem_shared>>)
    %dma_wait3A_77 = arith.constant 78 : i32
    %dma_wait3A_78 = arith.constant 0 : i32
    %dma_wait3A_79 = tpu.memref_slice %arg6[%dma_wait3A_77, %dma_wait3A_78] : memref<80x125xi32, #tpu.memory_space<vmem>> -> memref<1x125xi32, #tpu.memory_space<vmem>>
    %dma_wait3A_80 = tpu.memref_squeeze %dma_wait3A_79 : memref<1x125xi32, #tpu.memory_space<vmem>> -> memref<125xi32, #tpu.memory_space<vmem>>
    %dma_wait3A_81 = arith.constant 0 : i32
    %dma_wait3A_82 = arith.constant 0 : i32
    %dma_wait3A_83 = tpu.memref_slice %arg13[%dma_wait3A_81, %dma_wait3A_82] : memref<10240x64xf32, #tpu.memory_space<vmem_shared>> -> memref<10240x64xf32, #tpu.memory_space<vmem_shared>>
    tpu.wait_indirect_dma semaphore(%arg22 : memref<!tpu.dma_semaphore, #tpu.memory_space<semaphore_mem>>) src(%arg10 : memref<125x64xf32, #tpu.memory_space<vmem>>) dst(%dma_wait3A_83 : memref<10240x64xf32, #tpu.memory_space<vmem_shared>>)
    %dma_wait3A_84 = arith.constant 79 : i32
    %dma_wait3A_85 = arith.constant 0 : i32
    %dma_wait3A_86 = tpu.memref_slice %arg6[%dma_wait3A_84, %dma_wait3A_85] : memref<80x125xi32, #tpu.memory_space<vmem>> -> memref<1x125xi32, #tpu.memory_space<vmem>>
    %dma_wait3A_87 = tpu.memref_squeeze %dma_wait3A_86 : memref<1x125xi32, #tpu.memory_space<vmem>> -> memref<125xi32, #tpu.memory_space<vmem>>
    %dma_wait3A_88 = arith.constant 0 : i32
    %dma_wait3A_89 = arith.constant 0 : i32
    %dma_wait3A_90 = tpu.memref_slice %arg13[%dma_wait3A_88, %dma_wait3A_89] : memref<10240x64xf32, #tpu.memory_space<vmem_shared>> -> memref<10240x64xf32, #tpu.memory_space<vmem_shared>>
    tpu.wait_indirect_dma semaphore(%arg23 : memref<!tpu.dma_semaphore, #tpu.memory_space<semaphore_mem>>) src(%arg11 : memref<125x64xf32, #tpu.memory_space<vmem>>) dst(%dma_wait3A_90 : memref<10240x64xf32, #tpu.memory_space<vmem_shared>>)
    %barrier3A_91 = arith.constant 0 : index
    tpu.barrier barrier_id(%barrier3A_91)
    %mul3A_92 = arith.constant 640 : i32
    %mul3A_93 = arith.muli %arg1, %mul3A_92 : i32
    %mul3A_94 = arith.constant 640 : i32
    %mul3A_95 = arith.muli %arg1, %mul3A_94 : i32
    "tpu.region"() ({
      %run_scoped3A_96 = tpu.sem_alloc : memref<!tpu.dma_semaphore, #tpu.memory_space<semaphore_mem>>
      %dma_start3A_97 = arith.constant 0 : i32
      %dma_start3A_98 = tpu.memref_slice %arg4[%arg0, %mul3A_95, %dma_start3A_97] : memref<2x10240x64xf32, #tpu.memory_space<hbm>> -> memref<1x640x64xf32, #tpu.memory_space<hbm>>
      %dma_start3A_99 = tpu.memref_squeeze %dma_start3A_98 : memref<1x640x64xf32, #tpu.memory_space<hbm>> -> memref<640x64xf32, #tpu.memory_space<hbm>>
      %dma_start3A_100 = arith.constant 0 : i32
      %dma_start3A_101 = tpu.memref_slice %arg13[%mul3A_93, %dma_start3A_100] : memref<10240x64xf32, #tpu.memory_space<vmem_shared>> -> memref<640x64xf32, #tpu.memory_space<vmem_shared>>
      tpu.enqueue_dma source(%dma_start3A_101 : memref<640x64xf32, #tpu.memory_space<vmem_shared>>) target(%dma_start3A_99 : memref<640x64xf32, #tpu.memory_space<hbm>>) target_semaphore(%run_scoped3A_96 : memref<!tpu.dma_semaphore, #tpu.memory_space<semaphore_mem>>)
      %dma_wait3A_102 = arith.constant 0 : i32
      %dma_wait3A_103 = tpu.memref_slice %arg4[%arg0, %mul3A_95, %dma_wait3A_102] : memref<2x10240x64xf32, #tpu.memory_space<hbm>> -> memref<1x640x64xf32, #tpu.memory_space<hbm>>
      %dma_wait3A_104 = tpu.memref_squeeze %dma_wait3A_103 : memref<1x640x64xf32, #tpu.memory_space<hbm>> -> memref<640x64xf32, #tpu.memory_space<hbm>>
      %dma_wait3A_105 = arith.constant 0 : i32
      %dma_wait3A_106 = tpu.memref_slice %arg13[%mul3A_93, %dma_wait3A_105] : memref<10240x64xf32, #tpu.memory_space<vmem_shared>> -> memref<640x64xf32, #tpu.memory_space<vmem_shared>>
      tpu.wait_dma2 semaphore(%run_scoped3A_96 : memref<!tpu.dma_semaphore, #tpu.memory_space<semaphore_mem>>) src(%dma_wait3A_106 : memref<640x64xf32, #tpu.memory_space<vmem_shared>>) dst(%dma_wait3A_104 : memref<640x64xf32, #tpu.memory_space<hbm>>)
      tpu.yield
    }) : () -> ()
    return
  }
}

#map = affine_map<(d0, d1) -> (0, 0, 0)>
#map1 = affine_map<(d0, d1) -> (0, 0)>
module attributes {stable_mosaic.version = 14 : i64} {
  func.func @_deg_body(%arg0: i32, %arg1: i32, %arg2: memref<2x2560x125xi32, #tpu.memory_space<hbm>>, %arg3: memref<2x10240xf32, #tpu.memory_space<hbm>>, %arg4: memref<80x125xi32, #tpu.memory_space<vmem>>, %arg5: memref<128xf32, #tpu.memory_space<vmem>>, %arg6: memref<640xf32, #tpu.memory_space<vmem>>, %arg7: memref<10240xf32, #tpu.memory_space<vmem_shared>>, %arg8: memref<!tpu.dma_semaphore, #tpu.memory_space<semaphore_mem>>, %arg9: memref<!tpu.dma_semaphore, #tpu.memory_space<semaphore_mem>>, %arg10: memref<!tpu.dma_semaphore, #tpu.memory_space<semaphore_mem>>, %arg11: memref<!tpu.dma_semaphore, #tpu.memory_space<semaphore_mem>>) attributes {dimension_semantics = [#tpu.dimension_semantics<core_parallel>, #tpu.dimension_semantics<subcore_parallel>], iteration_bounds = array<i64: 2, 16>, scalar_prefetch = 0 : i64, scratch_operands = 8 : i64, tpu.core_type = #tpu.core_type<sc_vector_subcore>, window_params = [{transform_indices = #map}, {transform_indices = #map1}]} {
    %mul3A = arith.constant 2 : i32
    %mul3A_0 = arith.muli %arg1, %mul3A : i32
    %add3A = arith.addi %mul3A_0, %arg0 : i32
    %scan3A = arith.constant 0 : i32
    %scan3A_1 = arith.constant 0 : i32
    %scan3A_2 = arith.constant 40 : i32
    %scan3A_3 = arith.addi %scan3A_1, %scan3A_2 : i32
    %scan3A_4 = arith.constant 1 : i32
    scf.for %scan3A_58 = %scan3A_1 to %scan3A_3 step %scan3A_4  : i32 {
      %broadcast_in_dim3A = arith.constant 0.000000e+00 : f32
      %broadcast_in_dim3A_59 = vector.broadcast %broadcast_in_dim3A : f32 to vector<16xf32>
      %mul3A_60 = arith.constant 16 : i32
      %mul3A_61 = arith.muli %scan3A_58, %mul3A_60 : i32
      %swap3A = arith.index_cast %mul3A_61 : i32 to index
      %swap3A_62 = tpu.vector_load %arg6[%swap3A] {strides = array<i32>} : memref<640xf32, #tpu.memory_space<vmem>>, vector<16xf32>,
      %swap3A_63 = vector.shape_cast %swap3A_62 : vector<16xf32> to vector<16xf32>
      %swap3A_64 = vector.shape_cast %broadcast_in_dim3A_59 : vector<16xf32> to vector<16xf32>
      tpu.vector_store %arg6[%swap3A], %swap3A_64 {strides = array<i32>} : memref<640xf32, #tpu.memory_space<vmem>>, vector<16xf32>,
    }
    %scan3A_5 = arith.constant 40 : i32
    %mul3A_6 = arith.constant 640 : i32
    %mul3A_7 = arith.muli %arg1, %mul3A_6 : i32
    "tpu.region"() ({
      %run_scoped3A_58 = tpu.sem_alloc : memref<!tpu.dma_semaphore, #tpu.memory_space<semaphore_mem>>
      %dma_start3A = tpu.memref_slice %arg7[%mul3A_7] : memref<10240xf32, #tpu.memory_space<vmem_shared>> -> memref<640xf32, #tpu.memory_space<vmem_shared>>
      %dma_start3A_59 = tpu.memref_slice %arg7[%mul3A_7] : memref<10240xf32, #tpu.memory_space<vmem_shared>> -> memref<640xf32, #tpu.memory_space<vmem_shared>>
      tpu.enqueue_dma source(%arg6 : memref<640xf32, #tpu.memory_space<vmem>>) target(%dma_start3A_59 : memref<640xf32, #tpu.memory_space<vmem_shared>>) target_semaphore(%run_scoped3A_58 : memref<!tpu.dma_semaphore, #tpu.memory_space<semaphore_mem>>)
      %dma_wait3A_60 = tpu.memref_slice %arg7[%mul3A_7] : memref<10240xf32, #tpu.memory_space<vmem_shared>> -> memref<640xf32, #tpu.memory_space<vmem_shared>>
      %dma_wait3A_61 = tpu.memref_slice %arg7[%mul3A_7] : memref<10240xf32, #tpu.memory_space<vmem_shared>> -> memref<640xf32, #tpu.memory_space<vmem_shared>>
      tpu.wait_dma2 semaphore(%run_scoped3A_58 : memref<!tpu.dma_semaphore, #tpu.memory_space<semaphore_mem>>) src(%arg6 : memref<640xf32, #tpu.memory_space<vmem>>) dst(%dma_wait3A_61 : memref<640xf32, #tpu.memory_space<vmem_shared>>)
      tpu.yield
    }) : () -> ()
    %scan3A_8 = arith.constant 0 : i32
    %scan3A_9 = arith.constant 0 : i32
    %scan3A_10 = arith.constant 8 : i32
    %scan3A_11 = arith.addi %scan3A_9, %scan3A_10 : i32
    %scan3A_12 = arith.constant 1 : i32
    scf.for %scan3A_58 = %scan3A_9 to %scan3A_11 step %scan3A_12  : i32 {
      %broadcast_in_dim3A = arith.constant 1.000000e+00 : f32
      %broadcast_in_dim3A_59 = vector.broadcast %broadcast_in_dim3A : f32 to vector<16xf32>
      %mul3A_60 = arith.constant 16 : i32
      %mul3A_61 = arith.muli %scan3A_58, %mul3A_60 : i32
      %swap3A = arith.index_cast %mul3A_61 : i32 to index
      %swap3A_62 = tpu.vector_load %arg5[%swap3A] {strides = array<i32>} : memref<128xf32, #tpu.memory_space<vmem>>, vector<16xf32>,
      %swap3A_63 = vector.shape_cast %swap3A_62 : vector<16xf32> to vector<16xf32>
      %swap3A_64 = vector.shape_cast %broadcast_in_dim3A_59 : vector<16xf32> to vector<16xf32>
      tpu.vector_store %arg5[%swap3A], %swap3A_64 {strides = array<i32>} : memref<128xf32, #tpu.memory_space<vmem>>, vector<16xf32>,
    }
    %scan3A_13 = arith.constant 8 : i32
    %barrier3A = arith.constant 0 : index
    tpu.barrier barrier_id(%barrier3A)
    %mul3A_14 = arith.constant 80 : i32
    %mul3A_15 = arith.muli %add3A, %mul3A_14 : i32
    %run_scoped3A = arith.constant 1 : i32
    "tpu.region"() ({
      %run_scoped3A_58 = tpu.sem_alloc : memref<!tpu.dma_semaphore, #tpu.memory_space<semaphore_mem>>
      %dma_start3A = arith.constant 0 : i32
      %dma_start3A_59 = tpu.memref_slice %arg2[%run_scoped3A, %mul3A_15, %dma_start3A] : memref<2x2560x125xi32, #tpu.memory_space<hbm>> -> memref<1x80x125xi32, #tpu.memory_space<hbm>>
      %dma_start3A_60 = tpu.memref_squeeze %dma_start3A_59 : memref<1x80x125xi32, #tpu.memory_space<hbm>> -> memref<80x125xi32, #tpu.memory_space<hbm>>
      %dma_start3A_61 = arith.constant 0 : i32
      %dma_start3A_62 = tpu.memref_slice %arg2[%run_scoped3A, %mul3A_15, %dma_start3A_61] : memref<2x2560x125xi32, #tpu.memory_space<hbm>> -> memref<1x80x125xi32, #tpu.memory_space<hbm>>
      %dma_start3A_63 = tpu.memref_squeeze %dma_start3A_62 : memref<1x80x125xi32, #tpu.memory_space<hbm>> -> memref<80x125xi32, #tpu.memory_space<hbm>>
      tpu.enqueue_dma source(%dma_start3A_63 : memref<80x125xi32, #tpu.memory_space<hbm>>) target(%arg4 : memref<80x125xi32, #tpu.memory_space<vmem>>) target_semaphore(%run_scoped3A_58 : memref<!tpu.dma_semaphore, #tpu.memory_space<semaphore_mem>>)
      %dma_wait3A_64 = arith.constant 0 : i32
      %dma_wait3A_65 = tpu.memref_slice %arg2[%run_scoped3A, %mul3A_15, %dma_wait3A_64] : memref<2x2560x125xi32, #tpu.memory_space<hbm>> -> memref<1x80x125xi32, #tpu.memory_space<hbm>>
      %dma_wait3A_66 = tpu.memref_squeeze %dma_wait3A_65 : memref<1x80x125xi32, #tpu.memory_space<hbm>> -> memref<80x125xi32, #tpu.memory_space<hbm>>
      %dma_wait3A_67 = arith.constant 0 : i32
      %dma_wait3A_68 = tpu.memref_slice %arg2[%run_scoped3A, %mul3A_15, %dma_wait3A_67] : memref<2x2560x125xi32, #tpu.memory_space<hbm>> -> memref<1x80x125xi32, #tpu.memory_space<hbm>>
      %dma_wait3A_69 = tpu.memref_squeeze %dma_wait3A_68 : memref<1x80x125xi32, #tpu.memory_space<hbm>> -> memref<80x125xi32, #tpu.memory_space<hbm>>
      tpu.wait_dma2 semaphore(%run_scoped3A_58 : memref<!tpu.dma_semaphore, #tpu.memory_space<semaphore_mem>>) src(%dma_wait3A_69 : memref<80x125xi32, #tpu.memory_space<hbm>>) dst(%arg4 : memref<80x125xi32, #tpu.memory_space<vmem>>)
      tpu.yield
    }) : () -> ()
    %scan3A_16 = arith.constant 0 : i32
    %scan3A_17 = arith.constant 0 : i32
    %scan3A_18 = arith.constant 80 : i32
    %scan3A_19 = arith.addi %scan3A_17, %scan3A_18 : i32
    %scan3A_20 = arith.constant 1 : i32
    scf.for %scan3A_58 = %scan3A_17 to %scan3A_19 step %scan3A_20  : i32 {
      %jit3A = arith.constant 4 : i32
      %eq3A = arith.constant 0 : i32
      %eq3A_59 = arith.cmpi eq, %jit3A, %eq3A : i32
      %jit3A_60 = arith.constant 1 : i32
      %select_n3A = arith.select %eq3A_59, %jit3A_60, %jit3A : i32
      %rem3A = arith.remsi %scan3A_58, %select_n3A : i32
      %ne3A = arith.constant 0 : i32
      %ne3A_61 = arith.cmpi ne, %rem3A, %ne3A : i32
      %lt3A = arith.constant 0 : i32
      %lt3A_62 = arith.cmpi slt, %rem3A, %lt3A : i32
      %lt3A_63 = arith.constant 0 : i32
      %lt3A_64 = arith.cmpi slt, %select_n3A, %lt3A_63 : i32
      %ne3A_65 = arith.xori %lt3A_62, %lt3A_64 : i1
      %and3A = arith.andi %ne3A_65, %ne3A_61 : i1
      %add3A_66 = arith.addi %rem3A, %select_n3A : i32
      %select_n3A_67 = arith.select %and3A, %add3A_66, %rem3A : i32
      %eq3A_68 = arith.constant 0 : i32
      %eq3A_69 = arith.cmpi eq, %select_n3A_67, %eq3A_68 : i32
      %convert_element_type3A = arith.extui %eq3A_69 : i1 to i32
      %cond3A = arith.constant 0 : i32
      %cond3A_70 = arith.cmpi ne, %convert_element_type3A, %cond3A : i32
      scf.if %cond3A_70 {
        %ge3A = arith.constant 4 : i32
        %ge3A_134 = arith.cmpi sge, %scan3A_58, %ge3A : i32
        %convert_element_type3A_135 = arith.extui %ge3A_134 : i1 to i32
        %cond3A_136 = arith.constant 0 : i32
        %cond3A_137 = arith.cmpi ne, %convert_element_type3A_135, %cond3A_136 : i32
        scf.if %cond3A_137 {
          %sub3A = arith.constant 4 : i32
          %sub3A_144 = arith.subi %scan3A_58, %sub3A : i32
          %dma_wait3A_145 = arith.constant 0 : i32
          %dma_wait3A_146 = tpu.memref_slice %arg5[%dma_wait3A_145] : memref<128xf32, #tpu.memory_space<vmem>> -> memref<125xf32, #tpu.memory_space<vmem>>
          %dma_wait3A_147 = arith.constant 0 : i32
          %dma_wait3A_148 = tpu.memref_slice %arg4[%sub3A_144, %dma_wait3A_147] : memref<80x125xi32, #tpu.memory_space<vmem>> -> memref<1x125xi32, #tpu.memory_space<vmem>>
          %dma_wait3A_149 = tpu.memref_squeeze %dma_wait3A_148 : memref<1x125xi32, #tpu.memory_space<vmem>> -> memref<125xi32, #tpu.memory_space<vmem>>
          %dma_wait3A_150 = arith.constant 0 : i32
          %dma_wait3A_151 = tpu.memref_slice %arg7[%dma_wait3A_150] : memref<10240xf32, #tpu.memory_space<vmem_shared>> -> memref<10240xf32, #tpu.memory_space<vmem_shared>>
          tpu.wait_indirect_dma semaphore(%arg8 : memref<!tpu.dma_semaphore, #tpu.memory_space<semaphore_mem>>) src(%dma_wait3A_146 : memref<125xf32, #tpu.memory_space<vmem>>) dst(%dma_wait3A_151 : memref<10240xf32, #tpu.memory_space<vmem_shared>>)
        } else {
        }
        %dma_start3A = arith.constant 0 : i32
        %dma_start3A_138 = tpu.memref_slice %arg5[%dma_start3A] : memref<128xf32, #tpu.memory_space<vmem>> -> memref<125xf32, #tpu.memory_space<vmem>>
        %dma_start3A_139 = arith.constant 0 : i32
        %dma_start3A_140 = tpu.memref_slice %arg4[%scan3A_58, %dma_start3A_139] : memref<80x125xi32, #tpu.memory_space<vmem>> -> memref<1x125xi32, #tpu.memory_space<vmem>>
        %dma_start3A_141 = tpu.memref_squeeze %dma_start3A_140 : memref<1x125xi32, #tpu.memory_space<vmem>> -> memref<125xi32, #tpu.memory_space<vmem>>
        %dma_start3A_142 = arith.constant 0 : i32
        %dma_start3A_143 = tpu.memref_slice %arg7[%dma_start3A_142] : memref<10240xf32, #tpu.memory_space<vmem_shared>> -> memref<10240xf32, #tpu.memory_space<vmem_shared>>
        tpu.enqueue_indirect_dma source(%dma_start3A_138 : memref<125xf32, #tpu.memory_space<vmem>>) target(%dma_start3A_143 : memref<10240xf32, #tpu.memory_space<vmem_shared>>) offsets(%dma_start3A_141 : memref<125xi32, #tpu.memory_space<vmem>>) semaphore(%arg8 : memref<!tpu.dma_semaphore, #tpu.memory_space<semaphore_mem>>) {add = true}
      } else {
      }
      %jit3A_71 = arith.constant 4 : i32
      %eq3A_72 = arith.constant 0 : i32
      %eq3A_73 = arith.cmpi eq, %jit3A_71, %eq3A_72 : i32
      %jit3A_74 = arith.constant 1 : i32
      %select_n3A_75 = arith.select %eq3A_73, %jit3A_74, %jit3A_71 : i32
      %rem3A_76 = arith.remsi %scan3A_58, %select_n3A_75 : i32
      %ne3A_77 = arith.constant 0 : i32
      %ne3A_78 = arith.cmpi ne, %rem3A_76, %ne3A_77 : i32
      %lt3A_79 = arith.constant 0 : i32
      %lt3A_80 = arith.cmpi slt, %rem3A_76, %lt3A_79 : i32
      %lt3A_81 = arith.constant 0 : i32
      %lt3A_82 = arith.cmpi slt, %select_n3A_75, %lt3A_81 : i32
      %ne3A_83 = arith.xori %lt3A_80, %lt3A_82 : i1
      %and3A_84 = arith.andi %ne3A_83, %ne3A_78 : i1
      %add3A_85 = arith.addi %rem3A_76, %select_n3A_75 : i32
      %select_n3A_86 = arith.select %and3A_84, %add3A_85, %rem3A_76 : i32
      %eq3A_87 = arith.constant 1 : i32
      %eq3A_88 = arith.cmpi eq, %select_n3A_86, %eq3A_87 : i32
      %convert_element_type3A_89 = arith.extui %eq3A_88 : i1 to i32
      %cond3A_90 = arith.constant 0 : i32
      %cond3A_91 = arith.cmpi ne, %convert_element_type3A_89, %cond3A_90 : i32
      scf.if %cond3A_91 {
        %ge3A = arith.constant 4 : i32
        %ge3A_134 = arith.cmpi sge, %scan3A_58, %ge3A : i32
        %convert_element_type3A_135 = arith.extui %ge3A_134 : i1 to i32
        %cond3A_136 = arith.constant 0 : i32
        %cond3A_137 = arith.cmpi ne, %convert_element_type3A_135, %cond3A_136 : i32
        scf.if %cond3A_137 {
          %sub3A = arith.constant 4 : i32
          %sub3A_144 = arith.subi %scan3A_58, %sub3A : i32
          %dma_wait3A_145 = arith.constant 0 : i32
          %dma_wait3A_146 = tpu.memref_slice %arg5[%dma_wait3A_145] : memref<128xf32, #tpu.memory_space<vmem>> -> memref<125xf32, #tpu.memory_space<vmem>>
          %dma_wait3A_147 = arith.constant 0 : i32
          %dma_wait3A_148 = tpu.memref_slice %arg4[%sub3A_144, %dma_wait3A_147] : memref<80x125xi32, #tpu.memory_space<vmem>> -> memref<1x125xi32, #tpu.memory_space<vmem>>
          %dma_wait3A_149 = tpu.memref_squeeze %dma_wait3A_148 : memref<1x125xi32, #tpu.memory_space<vmem>> -> memref<125xi32, #tpu.memory_space<vmem>>
          %dma_wait3A_150 = arith.constant 0 : i32
          %dma_wait3A_151 = tpu.memref_slice %arg7[%dma_wait3A_150] : memref<10240xf32, #tpu.memory_space<vmem_shared>> -> memref<10240xf32, #tpu.memory_space<vmem_shared>>
          tpu.wait_indirect_dma semaphore(%arg9 : memref<!tpu.dma_semaphore, #tpu.memory_space<semaphore_mem>>) src(%dma_wait3A_146 : memref<125xf32, #tpu.memory_space<vmem>>) dst(%dma_wait3A_151 : memref<10240xf32, #tpu.memory_space<vmem_shared>>)
        } else {
        }
        %dma_start3A = arith.constant 0 : i32
        %dma_start3A_138 = tpu.memref_slice %arg5[%dma_start3A] : memref<128xf32, #tpu.memory_space<vmem>> -> memref<125xf32, #tpu.memory_space<vmem>>
        %dma_start3A_139 = arith.constant 0 : i32
        %dma_start3A_140 = tpu.memref_slice %arg4[%scan3A_58, %dma_start3A_139] : memref<80x125xi32, #tpu.memory_space<vmem>> -> memref<1x125xi32, #tpu.memory_space<vmem>>
        %dma_start3A_141 = tpu.memref_squeeze %dma_start3A_140 : memref<1x125xi32, #tpu.memory_space<vmem>> -> memref<125xi32, #tpu.memory_space<vmem>>
        %dma_start3A_142 = arith.constant 0 : i32
        %dma_start3A_143 = tpu.memref_slice %arg7[%dma_start3A_142] : memref<10240xf32, #tpu.memory_space<vmem_shared>> -> memref<10240xf32, #tpu.memory_space<vmem_shared>>
        tpu.enqueue_indirect_dma source(%dma_start3A_138 : memref<125xf32, #tpu.memory_space<vmem>>) target(%dma_start3A_143 : memref<10240xf32, #tpu.memory_space<vmem_shared>>) offsets(%dma_start3A_141 : memref<125xi32, #tpu.memory_space<vmem>>) semaphore(%arg9 : memref<!tpu.dma_semaphore, #tpu.memory_space<semaphore_mem>>) {add = true}
      } else {
      }
      %jit3A_92 = arith.constant 4 : i32
      %eq3A_93 = arith.constant 0 : i32
      %eq3A_94 = arith.cmpi eq, %jit3A_92, %eq3A_93 : i32
      %jit3A_95 = arith.constant 1 : i32
      %select_n3A_96 = arith.select %eq3A_94, %jit3A_95, %jit3A_92 : i32
      %rem3A_97 = arith.remsi %scan3A_58, %select_n3A_96 : i32
      %ne3A_98 = arith.constant 0 : i32
      %ne3A_99 = arith.cmpi ne, %rem3A_97, %ne3A_98 : i32
      %lt3A_100 = arith.constant 0 : i32
      %lt3A_101 = arith.cmpi slt, %rem3A_97, %lt3A_100 : i32
      %lt3A_102 = arith.constant 0 : i32
      %lt3A_103 = arith.cmpi slt, %select_n3A_96, %lt3A_102 : i32
      %ne3A_104 = arith.xori %lt3A_101, %lt3A_103 : i1
      %and3A_105 = arith.andi %ne3A_104, %ne3A_99 : i1
      %add3A_106 = arith.addi %rem3A_97, %select_n3A_96 : i32
      %select_n3A_107 = arith.select %and3A_105, %add3A_106, %rem3A_97 : i32
      %eq3A_108 = arith.constant 2 : i32
      %eq3A_109 = arith.cmpi eq, %select_n3A_107, %eq3A_108 : i32
      %convert_element_type3A_110 = arith.extui %eq3A_109 : i1 to i32
      %cond3A_111 = arith.constant 0 : i32
      %cond3A_112 = arith.cmpi ne, %convert_element_type3A_110, %cond3A_111 : i32
      scf.if %cond3A_112 {
        %ge3A = arith.constant 4 : i32
        %ge3A_134 = arith.cmpi sge, %scan3A_58, %ge3A : i32
        %convert_element_type3A_135 = arith.extui %ge3A_134 : i1 to i32
        %cond3A_136 = arith.constant 0 : i32
        %cond3A_137 = arith.cmpi ne, %convert_element_type3A_135, %cond3A_136 : i32
        scf.if %cond3A_137 {
          %sub3A = arith.constant 4 : i32
          %sub3A_144 = arith.subi %scan3A_58, %sub3A : i32
          %dma_wait3A_145 = arith.constant 0 : i32
          %dma_wait3A_146 = tpu.memref_slice %arg5[%dma_wait3A_145] : memref<128xf32, #tpu.memory_space<vmem>> -> memref<125xf32, #tpu.memory_space<vmem>>
          %dma_wait3A_147 = arith.constant 0 : i32
          %dma_wait3A_148 = tpu.memref_slice %arg4[%sub3A_144, %dma_wait3A_147] : memref<80x125xi32, #tpu.memory_space<vmem>> -> memref<1x125xi32, #tpu.memory_space<vmem>>
          %dma_wait3A_149 = tpu.memref_squeeze %dma_wait3A_148 : memref<1x125xi32, #tpu.memory_space<vmem>> -> memref<125xi32, #tpu.memory_space<vmem>>
          %dma_wait3A_150 = arith.constant 0 : i32
          %dma_wait3A_151 = tpu.memref_slice %arg7[%dma_wait3A_150] : memref<10240xf32, #tpu.memory_space<vmem_shared>> -> memref<10240xf32, #tpu.memory_space<vmem_shared>>
          tpu.wait_indirect_dma semaphore(%arg10 : memref<!tpu.dma_semaphore, #tpu.memory_space<semaphore_mem>>) src(%dma_wait3A_146 : memref<125xf32, #tpu.memory_space<vmem>>) dst(%dma_wait3A_151 : memref<10240xf32, #tpu.memory_space<vmem_shared>>)
        } else {
        }
        %dma_start3A = arith.constant 0 : i32
        %dma_start3A_138 = tpu.memref_slice %arg5[%dma_start3A] : memref<128xf32, #tpu.memory_space<vmem>> -> memref<125xf32, #tpu.memory_space<vmem>>
        %dma_start3A_139 = arith.constant 0 : i32
        %dma_start3A_140 = tpu.memref_slice %arg4[%scan3A_58, %dma_start3A_139] : memref<80x125xi32, #tpu.memory_space<vmem>> -> memref<1x125xi32, #tpu.memory_space<vmem>>
        %dma_start3A_141 = tpu.memref_squeeze %dma_start3A_140 : memref<1x125xi32, #tpu.memory_space<vmem>> -> memref<125xi32, #tpu.memory_space<vmem>>
        %dma_start3A_142 = arith.constant 0 : i32
        %dma_start3A_143 = tpu.memref_slice %arg7[%dma_start3A_142] : memref<10240xf32, #tpu.memory_space<vmem_shared>> -> memref<10240xf32, #tpu.memory_space<vmem_shared>>
        tpu.enqueue_indirect_dma source(%dma_start3A_138 : memref<125xf32, #tpu.memory_space<vmem>>) target(%dma_start3A_143 : memref<10240xf32, #tpu.memory_space<vmem_shared>>) offsets(%dma_start3A_141 : memref<125xi32, #tpu.memory_space<vmem>>) semaphore(%arg10 : memref<!tpu.dma_semaphore, #tpu.memory_space<semaphore_mem>>) {add = true}
      } else {
      }
      %jit3A_113 = arith.constant 4 : i32
      %eq3A_114 = arith.constant 0 : i32
      %eq3A_115 = arith.cmpi eq, %jit3A_113, %eq3A_114 : i32
      %jit3A_116 = arith.constant 1 : i32
      %select_n3A_117 = arith.select %eq3A_115, %jit3A_116, %jit3A_113 : i32
      %rem3A_118 = arith.remsi %scan3A_58, %select_n3A_117 : i32
      %ne3A_119 = arith.constant 0 : i32
      %ne3A_120 = arith.cmpi ne, %rem3A_118, %ne3A_119 : i32
      %lt3A_121 = arith.constant 0 : i32
      %lt3A_122 = arith.cmpi slt, %rem3A_118, %lt3A_121 : i32
      %lt3A_123 = arith.constant 0 : i32
      %lt3A_124 = arith.cmpi slt, %select_n3A_117, %lt3A_123 : i32
      %ne3A_125 = arith.xori %lt3A_122, %lt3A_124 : i1
      %and3A_126 = arith.andi %ne3A_125, %ne3A_120 : i1
      %add3A_127 = arith.addi %rem3A_118, %select_n3A_117 : i32
      %select_n3A_128 = arith.select %and3A_126, %add3A_127, %rem3A_118 : i32
      %eq3A_129 = arith.constant 3 : i32
      %eq3A_130 = arith.cmpi eq, %select_n3A_128, %eq3A_129 : i32
      %convert_element_type3A_131 = arith.extui %eq3A_130 : i1 to i32
      %cond3A_132 = arith.constant 0 : i32
      %cond3A_133 = arith.cmpi ne, %convert_element_type3A_131, %cond3A_132 : i32
      scf.if %cond3A_133 {
        %ge3A = arith.constant 4 : i32
        %ge3A_134 = arith.cmpi sge, %scan3A_58, %ge3A : i32
        %convert_element_type3A_135 = arith.extui %ge3A_134 : i1 to i32
        %cond3A_136 = arith.constant 0 : i32
        %cond3A_137 = arith.cmpi ne, %convert_element_type3A_135, %cond3A_136 : i32
        scf.if %cond3A_137 {
          %sub3A = arith.constant 4 : i32
          %sub3A_144 = arith.subi %scan3A_58, %sub3A : i32
          %dma_wait3A_145 = arith.constant 0 : i32
          %dma_wait3A_146 = tpu.memref_slice %arg5[%dma_wait3A_145] : memref<128xf32, #tpu.memory_space<vmem>> -> memref<125xf32, #tpu.memory_space<vmem>>
          %dma_wait3A_147 = arith.constant 0 : i32
          %dma_wait3A_148 = tpu.memref_slice %arg4[%sub3A_144, %dma_wait3A_147] : memref<80x125xi32, #tpu.memory_space<vmem>> -> memref<1x125xi32, #tpu.memory_space<vmem>>
          %dma_wait3A_149 = tpu.memref_squeeze %dma_wait3A_148 : memref<1x125xi32, #tpu.memory_space<vmem>> -> memref<125xi32, #tpu.memory_space<vmem>>
          %dma_wait3A_150 = arith.constant 0 : i32
          %dma_wait3A_151 = tpu.memref_slice %arg7[%dma_wait3A_150] : memref<10240xf32, #tpu.memory_space<vmem_shared>> -> memref<10240xf32, #tpu.memory_space<vmem_shared>>
          tpu.wait_indirect_dma semaphore(%arg11 : memref<!tpu.dma_semaphore, #tpu.memory_space<semaphore_mem>>) src(%dma_wait3A_146 : memref<125xf32, #tpu.memory_space<vmem>>) dst(%dma_wait3A_151 : memref<10240xf32, #tpu.memory_space<vmem_shared>>)
        } else {
        }
        %dma_start3A = arith.constant 0 : i32
        %dma_start3A_138 = tpu.memref_slice %arg5[%dma_start3A] : memref<128xf32, #tpu.memory_space<vmem>> -> memref<125xf32, #tpu.memory_space<vmem>>
        %dma_start3A_139 = arith.constant 0 : i32
        %dma_start3A_140 = tpu.memref_slice %arg4[%scan3A_58, %dma_start3A_139] : memref<80x125xi32, #tpu.memory_space<vmem>> -> memref<1x125xi32, #tpu.memory_space<vmem>>
        %dma_start3A_141 = tpu.memref_squeeze %dma_start3A_140 : memref<1x125xi32, #tpu.memory_space<vmem>> -> memref<125xi32, #tpu.memory_space<vmem>>
        %dma_start3A_142 = arith.constant 0 : i32
        %dma_start3A_143 = tpu.memref_slice %arg7[%dma_start3A_142] : memref<10240xf32, #tpu.memory_space<vmem_shared>> -> memref<10240xf32, #tpu.memory_space<vmem_shared>>
        tpu.enqueue_indirect_dma source(%dma_start3A_138 : memref<125xf32, #tpu.memory_space<vmem>>) target(%dma_start3A_143 : memref<10240xf32, #tpu.memory_space<vmem_shared>>) offsets(%dma_start3A_141 : memref<125xi32, #tpu.memory_space<vmem>>) semaphore(%arg11 : memref<!tpu.dma_semaphore, #tpu.memory_space<semaphore_mem>>) {add = true}
      } else {
      }
    }
    %scan3A_21 = arith.constant 80 : i32
    %dma_wait3A = arith.constant 76 : i32
    %dma_wait3A_22 = arith.constant 0 : i32
    %dma_wait3A_23 = tpu.memref_slice %arg5[%dma_wait3A_22] : memref<128xf32, #tpu.memory_space<vmem>> -> memref<125xf32, #tpu.memory_space<vmem>>
    %dma_wait3A_24 = arith.constant 0 : i32
    %dma_wait3A_25 = tpu.memref_slice %arg4[%dma_wait3A, %dma_wait3A_24] : memref<80x125xi32, #tpu.memory_space<vmem>> -> memref<1x125xi32, #tpu.memory_space<vmem>>
    %dma_wait3A_26 = tpu.memref_squeeze %dma_wait3A_25 : memref<1x125xi32, #tpu.memory_space<vmem>> -> memref<125xi32, #tpu.memory_space<vmem>>
    %dma_wait3A_27 = arith.constant 0 : i32
    %dma_wait3A_28 = tpu.memref_slice %arg7[%dma_wait3A_27] : memref<10240xf32, #tpu.memory_space<vmem_shared>> -> memref<10240xf32, #tpu.memory_space<vmem_shared>>
    tpu.wait_indirect_dma semaphore(%arg8 : memref<!tpu.dma_semaphore, #tpu.memory_space<semaphore_mem>>) src(%dma_wait3A_23 : memref<125xf32, #tpu.memory_space<vmem>>) dst(%dma_wait3A_28 : memref<10240xf32, #tpu.memory_space<vmem_shared>>)
    %dma_wait3A_29 = arith.constant 77 : i32
    %dma_wait3A_30 = arith.constant 0 : i32
    %dma_wait3A_31 = tpu.memref_slice %arg5[%dma_wait3A_30] : memref<128xf32, #tpu.memory_space<vmem>> -> memref<125xf32, #tpu.memory_space<vmem>>
    %dma_wait3A_32 = arith.constant 0 : i32
    %dma_wait3A_33 = tpu.memref_slice %arg4[%dma_wait3A_29, %dma_wait3A_32] : memref<80x125xi32, #tpu.memory_space<vmem>> -> memref<1x125xi32, #tpu.memory_space<vmem>>
    %dma_wait3A_34 = tpu.memref_squeeze %dma_wait3A_33 : memref<1x125xi32, #tpu.memory_space<vmem>> -> memref<125xi32, #tpu.memory_space<vmem>>
    %dma_wait3A_35 = arith.constant 0 : i32
    %dma_wait3A_36 = tpu.memref_slice %arg7[%dma_wait3A_35] : memref<10240xf32, #tpu.memory_space<vmem_shared>> -> memref<10240xf32, #tpu.memory_space<vmem_shared>>
    tpu.wait_indirect_dma semaphore(%arg9 : memref<!tpu.dma_semaphore, #tpu.memory_space<semaphore_mem>>) src(%dma_wait3A_31 : memref<125xf32, #tpu.memory_space<vmem>>) dst(%dma_wait3A_36 : memref<10240xf32, #tpu.memory_space<vmem_shared>>)
    %dma_wait3A_37 = arith.constant 78 : i32
    %dma_wait3A_38 = arith.constant 0 : i32
    %dma_wait3A_39 = tpu.memref_slice %arg5[%dma_wait3A_38] : memref<128xf32, #tpu.memory_space<vmem>> -> memref<125xf32, #tpu.memory_space<vmem>>
    %dma_wait3A_40 = arith.constant 0 : i32
    %dma_wait3A_41 = tpu.memref_slice %arg4[%dma_wait3A_37, %dma_wait3A_40] : memref<80x125xi32, #tpu.memory_space<vmem>> -> memref<1x125xi32, #tpu.memory_space<vmem>>
    %dma_wait3A_42 = tpu.memref_squeeze %dma_wait3A_41 : memref<1x125xi32, #tpu.memory_space<vmem>> -> memref<125xi32, #tpu.memory_space<vmem>>
    %dma_wait3A_43 = arith.constant 0 : i32
    %dma_wait3A_44 = tpu.memref_slice %arg7[%dma_wait3A_43] : memref<10240xf32, #tpu.memory_space<vmem_shared>> -> memref<10240xf32, #tpu.memory_space<vmem_shared>>
    tpu.wait_indirect_dma semaphore(%arg10 : memref<!tpu.dma_semaphore, #tpu.memory_space<semaphore_mem>>) src(%dma_wait3A_39 : memref<125xf32, #tpu.memory_space<vmem>>) dst(%dma_wait3A_44 : memref<10240xf32, #tpu.memory_space<vmem_shared>>)
    %dma_wait3A_45 = arith.constant 79 : i32
    %dma_wait3A_46 = arith.constant 0 : i32
    %dma_wait3A_47 = tpu.memref_slice %arg5[%dma_wait3A_46] : memref<128xf32, #tpu.memory_space<vmem>> -> memref<125xf32, #tpu.memory_space<vmem>>
    %dma_wait3A_48 = arith.constant 0 : i32
    %dma_wait3A_49 = tpu.memref_slice %arg4[%dma_wait3A_45, %dma_wait3A_48] : memref<80x125xi32, #tpu.memory_space<vmem>> -> memref<1x125xi32, #tpu.memory_space<vmem>>
    %dma_wait3A_50 = tpu.memref_squeeze %dma_wait3A_49 : memref<1x125xi32, #tpu.memory_space<vmem>> -> memref<125xi32, #tpu.memory_space<vmem>>
    %dma_wait3A_51 = arith.constant 0 : i32
    %dma_wait3A_52 = tpu.memref_slice %arg7[%dma_wait3A_51] : memref<10240xf32, #tpu.memory_space<vmem_shared>> -> memref<10240xf32, #tpu.memory_space<vmem_shared>>
    tpu.wait_indirect_dma semaphore(%arg11 : memref<!tpu.dma_semaphore, #tpu.memory_space<semaphore_mem>>) src(%dma_wait3A_47 : memref<125xf32, #tpu.memory_space<vmem>>) dst(%dma_wait3A_52 : memref<10240xf32, #tpu.memory_space<vmem_shared>>)
    %barrier3A_53 = arith.constant 0 : index
    tpu.barrier barrier_id(%barrier3A_53)
    %mul3A_54 = arith.constant 640 : i32
    %mul3A_55 = arith.muli %arg1, %mul3A_54 : i32
    %mul3A_56 = arith.constant 640 : i32
    %mul3A_57 = arith.muli %arg1, %mul3A_56 : i32
    "tpu.region"() ({
      %run_scoped3A_58 = tpu.sem_alloc : memref<!tpu.dma_semaphore, #tpu.memory_space<semaphore_mem>>
      %dma_start3A = tpu.memref_slice %arg3[%arg0, %mul3A_57] : memref<2x10240xf32, #tpu.memory_space<hbm>> -> memref<1x640xf32, #tpu.memory_space<hbm>>
      %dma_start3A_59 = tpu.memref_squeeze %dma_start3A : memref<1x640xf32, #tpu.memory_space<hbm>> -> memref<640xf32, #tpu.memory_space<hbm>>
      %dma_start3A_60 = tpu.memref_slice %arg7[%mul3A_55] : memref<10240xf32, #tpu.memory_space<vmem_shared>> -> memref<640xf32, #tpu.memory_space<vmem_shared>>
      tpu.enqueue_dma source(%dma_start3A_60 : memref<640xf32, #tpu.memory_space<vmem_shared>>) target(%dma_start3A_59 : memref<640xf32, #tpu.memory_space<hbm>>) target_semaphore(%run_scoped3A_58 : memref<!tpu.dma_semaphore, #tpu.memory_space<semaphore_mem>>)
      %dma_wait3A_61 = tpu.memref_slice %arg3[%arg0, %mul3A_57] : memref<2x10240xf32, #tpu.memory_space<hbm>> -> memref<1x640xf32, #tpu.memory_space<hbm>>
      %dma_wait3A_62 = tpu.memref_squeeze %dma_wait3A_61 : memref<1x640xf32, #tpu.memory_space<hbm>> -> memref<640xf32, #tpu.memory_space<hbm>>
      %dma_wait3A_63 = tpu.memref_slice %arg7[%mul3A_55] : memref<10240xf32, #tpu.memory_space<vmem_shared>> -> memref<640xf32, #tpu.memory_space<vmem_shared>>
      tpu.wait_dma2 semaphore(%run_scoped3A_58 : memref<!tpu.dma_semaphore, #tpu.memory_space<semaphore_mem>>) src(%dma_wait3A_63 : memref<640xf32, #tpu.memory_space<vmem_shared>>) dst(%dma_wait3A_62 : memref<640xf32, #tpu.memory_space<hbm>>)
      tpu.yield
    }) : () -> ()
    return
  }
}

#map = affine_map<(d0, d1) -> (0, 0)>
#map1 = affine_map<(d0, d1) -> (0, 0, 0)>
module attributes {stable_mosaic.version = 14 : i64} {
  func.func @_agg_body(%arg0: i32, %arg1: i32, %arg2: memref<10240x64xf32, #tpu.memory_space<hbm>>, %arg3: memref<2x2560x125xi32, #tpu.memory_space<hbm>>, %arg4: memref<2x10240x64xf32, #tpu.memory_space<hbm>>, %arg5: memref<80x125xi32, #tpu.memory_space<vmem>>, %arg6: memref<80x125xi32, #tpu.memory_space<vmem>>, %arg7: memref<125x64xf32, #tpu.memory_space<vmem>>, %arg8: memref<125x64xf32, #tpu.memory_space<vmem>>, %arg9: memref<125x64xf32, #tpu.memory_space<vmem>>, %arg10: memref<125x64xf32, #tpu.memory_space<vmem>>, %arg11: memref<125x64xf32, #tpu.memory_space<vmem>>, %arg12: memref<128x64xf32, #tpu.memory_space<vmem>>, %arg13: memref<10240x64xf32, #tpu.memory_space<vmem_shared>>, %arg14: memref<!tpu.dma_semaphore, #tpu.memory_space<semaphore_mem>>, %arg15: memref<!tpu.dma_semaphore, #tpu.memory_space<semaphore_mem>>, %arg16: memref<!tpu.dma_semaphore, #tpu.memory_space<semaphore_mem>>, %arg17: memref<!tpu.dma_semaphore, #tpu.memory_space<semaphore_mem>>, %arg18: memref<!tpu.dma_semaphore, #tpu.memory_space<semaphore_mem>>, %arg19: memref<!tpu.dma_semaphore, #tpu.memory_space<semaphore_mem>>, %arg20: memref<!tpu.dma_semaphore, #tpu.memory_space<semaphore_mem>>, %arg21: memref<!tpu.dma_semaphore, #tpu.memory_space<semaphore_mem>>, %arg22: memref<!tpu.dma_semaphore, #tpu.memory_space<semaphore_mem>>, %arg23: memref<!tpu.dma_semaphore, #tpu.memory_space<semaphore_mem>>) attributes {dimension_semantics = [#tpu.dimension_semantics<core_parallel>, #tpu.dimension_semantics<subcore_parallel>], iteration_bounds = array<i64: 2, 16>, scalar_prefetch = 0 : i64, scratch_operands = 19 : i64, tpu.core_type = #tpu.core_type<sc_vector_subcore>, window_params = [{transform_indices = #map}, {transform_indices = #map1}, {transform_indices = #map1}]} {
    %mul3A = arith.constant 2 : i32
    %mul3A_0 = arith.muli %arg1, %mul3A : i32
    %add3A = arith.addi %mul3A_0, %arg0 : i32
    %scan3A = arith.constant 0 : i32
    %scan3A_1 = arith.constant 0 : i32
    %scan3A_2 = arith.constant 512 : i32
    %scan3A_3 = arith.addi %scan3A_1, %scan3A_2 : i32
    %scan3A_4 = arith.constant 1 : i32
    scf.for %scan3A_96 = %scan3A_1 to %scan3A_3 step %scan3A_4  : i32 {
      %jit3A = arith.constant 4 : i32
      %div3A = arith.divsi %scan3A_96, %jit3A : i32
      %sign3A = arith.constant 0 : i32
      %sign3A_97 = arith.cmpi sgt, %scan3A_96, %sign3A : i32
      %sign3A_98 = arith.extui %sign3A_97 : i1 to i32
      %sign3A_99 = arith.constant 0 : i32
      %sign3A_100 = arith.cmpi slt, %scan3A_96, %sign3A_99 : i32
      %sign3A_101 = arith.extui %sign3A_100 : i1 to i32
      %sign3A_102 = arith.subi %sign3A_98, %sign3A_101 : i32
      %sign3A_103 = arith.constant 0 : i32
      %sign3A_104 = arith.cmpi sgt, %jit3A, %sign3A_103 : i32
      %sign3A_105 = arith.extui %sign3A_104 : i1 to i32
      %sign3A_106 = arith.constant 0 : i32
      %sign3A_107 = arith.cmpi slt, %jit3A, %sign3A_106 : i32
      %sign3A_108 = arith.extui %sign3A_107 : i1 to i32
      %sign3A_109 = arith.subi %sign3A_105, %sign3A_108 : i32
      %ne3A = arith.cmpi ne, %sign3A_102, %sign3A_109 : i32
      %rem3A = arith.remsi %scan3A_96, %jit3A : i32
      %ne3A_110 = arith.constant 0 : i32
      %ne3A_111 = arith.cmpi ne, %rem3A, %ne3A_110 : i32
      %and3A = arith.andi %ne3A, %ne3A_111 : i1
      %sub3A = arith.constant 1 : i32
      %sub3A_112 = arith.subi %div3A, %sub3A : i32
      %select_n3A = arith.select %and3A, %sub3A_112, %div3A : i32
      %jit3A_113 = arith.constant 4 : i32
      %eq3A = arith.constant 0 : i32
      %eq3A_114 = arith.cmpi eq, %jit3A_113, %eq3A : i32
      %jit3A_115 = arith.constant 1 : i32
      %select_n3A_116 = arith.select %eq3A_114, %jit3A_115, %jit3A_113 : i32
      %rem3A_117 = arith.remsi %scan3A_96, %select_n3A_116 : i32
      %ne3A_118 = arith.constant 0 : i32
      %ne3A_119 = arith.cmpi ne, %rem3A_117, %ne3A_118 : i32
      %lt3A = arith.constant 0 : i32
      %lt3A_120 = arith.cmpi slt, %rem3A_117, %lt3A : i32
      %lt3A_121 = arith.constant 0 : i32
      %lt3A_122 = arith.cmpi slt, %select_n3A_116, %lt3A_121 : i32
      %ne3A_123 = arith.xori %lt3A_120, %lt3A_122 : i1
      %and3A_124 = arith.andi %ne3A_123, %ne3A_119 : i1
      %add3A_125 = arith.addi %rem3A_117, %select_n3A_116 : i32
      %select_n3A_126 = arith.select %and3A_124, %add3A_125, %rem3A_117 : i32
      %broadcast_in_dim3A = arith.constant 0.000000e+00 : f32
      %broadcast_in_dim3A_127 = vector.broadcast %broadcast_in_dim3A : f32 to vector<16xf32>
      %mul3A_128 = arith.constant 16 : i32
      %mul3A_129 = arith.muli %select_n3A_126, %mul3A_128 : i32
      %swap3A = arith.index_cast %select_n3A : i32 to index
      %swap3A_130 = arith.index_cast %mul3A_129 : i32 to index
      %swap3A_131 = tpu.vector_load %arg12[%swap3A, %swap3A_130] {strides = array<i32>} : memref<128x64xf32, #tpu.memory_space<vmem>>, vector<1x16xf32>,
      %swap3A_132 = vector.shape_cast %swap3A_131 : vector<1x16xf32> to vector<16xf32>
      %swap3A_133 = vector.shape_cast %broadcast_in_dim3A_127 : vector<16xf32> to vector<1x16xf32>
      tpu.vector_store %arg12[%swap3A, %swap3A_130], %swap3A_133 {strides = array<i32>} : memref<128x64xf32, #tpu.memory_space<vmem>>, vector<1x16xf32>,
    }
    %scan3A_5 = arith.constant 512 : i32
    %scan3A_6 = arith.constant 0 : i32
    %scan3A_7 = arith.constant 0 : i32
    %scan3A_8 = arith.constant 5 : i32
    %scan3A_9 = arith.addi %scan3A_7, %scan3A_8 : i32
    %scan3A_10 = arith.constant 1 : i32
    scf.for %scan3A_96 = %scan3A_7 to %scan3A_9 step %scan3A_10  : i32 {
      %mul3A_97 = arith.constant 640 : i32
      %mul3A_98 = arith.muli %arg1, %mul3A_97 : i32
      %mul3A_99 = arith.constant 128 : i32
      %mul3A_100 = arith.muli %scan3A_96, %mul3A_99 : i32
      %add3A_101 = arith.addi %mul3A_98, %mul3A_100 : i32
      "tpu.region"() ({
        %run_scoped3A_102 = tpu.sem_alloc : memref<!tpu.dma_semaphore, #tpu.memory_space<semaphore_mem>>
        %dma_start3A_103 = arith.constant 0 : i32
        %dma_start3A_104 = tpu.memref_slice %arg13[%add3A_101, %dma_start3A_103] : memref<10240x64xf32, #tpu.memory_space<vmem_shared>> -> memref<128x64xf32, #tpu.memory_space<vmem_shared>>
        %dma_start3A_105 = arith.constant 0 : i32
        %dma_start3A_106 = tpu.memref_slice %arg13[%add3A_101, %dma_start3A_105] : memref<10240x64xf32, #tpu.memory_space<vmem_shared>> -> memref<128x64xf32, #tpu.memory_space<vmem_shared>>
        tpu.enqueue_dma source(%arg12 : memref<128x64xf32, #tpu.memory_space<vmem>>) target(%dma_start3A_106 : memref<128x64xf32, #tpu.memory_space<vmem_shared>>) target_semaphore(%run_scoped3A_102 : memref<!tpu.dma_semaphore, #tpu.memory_space<semaphore_mem>>)
        %dma_wait3A_107 = arith.constant 0 : i32
        %dma_wait3A_108 = tpu.memref_slice %arg13[%add3A_101, %dma_wait3A_107] : memref<10240x64xf32, #tpu.memory_space<vmem_shared>> -> memref<128x64xf32, #tpu.memory_space<vmem_shared>>
        %dma_wait3A_109 = arith.constant 0 : i32
        %dma_wait3A_110 = tpu.memref_slice %arg13[%add3A_101, %dma_wait3A_109] : memref<10240x64xf32, #tpu.memory_space<vmem_shared>> -> memref<128x64xf32, #tpu.memory_space<vmem_shared>>
        tpu.wait_dma2 semaphore(%run_scoped3A_102 : memref<!tpu.dma_semaphore, #tpu.memory_space<semaphore_mem>>) src(%arg12 : memref<128x64xf32, #tpu.memory_space<vmem>>) dst(%dma_wait3A_110 : memref<128x64xf32, #tpu.memory_space<vmem_shared>>)
        tpu.yield
      }) : () -> ()
    }
    %scan3A_11 = arith.constant 5 : i32
    %barrier3A = arith.constant 0 : index
    tpu.barrier barrier_id(%barrier3A)
    %mul3A_12 = arith.constant 80 : i32
    %mul3A_13 = arith.muli %add3A, %mul3A_12 : i32
    %run_scoped3A = arith.constant 0 : i32
    "tpu.region"() ({
      %run_scoped3A_96 = tpu.sem_alloc : memref<!tpu.dma_semaphore, #tpu.memory_space<semaphore_mem>>
      %dma_start3A_97 = arith.constant 0 : i32
      %dma_start3A_98 = tpu.memref_slice %arg3[%run_scoped3A, %mul3A_13, %dma_start3A_97] : memref<2x2560x125xi32, #tpu.memory_space<hbm>> -> memref<1x80x125xi32, #tpu.memory_space<hbm>>
      %dma_start3A_99 = tpu.memref_squeeze %dma_start3A_98 : memref<1x80x125xi32, #tpu.memory_space<hbm>> -> memref<80x125xi32, #tpu.memory_space<hbm>>
      %dma_start3A_100 = arith.constant 0 : i32
      %dma_start3A_101 = tpu.memref_slice %arg3[%run_scoped3A, %mul3A_13, %dma_start3A_100] : memref<2x2560x125xi32, #tpu.memory_space<hbm>> -> memref<1x80x125xi32, #tpu.memory_space<hbm>>
      %dma_start3A_102 = tpu.memref_squeeze %dma_start3A_101 : memref<1x80x125xi32, #tpu.memory_space<hbm>> -> memref<80x125xi32, #tpu.memory_space<hbm>>
      tpu.enqueue_dma source(%dma_start3A_102 : memref<80x125xi32, #tpu.memory_space<hbm>>) target(%arg5 : memref<80x125xi32, #tpu.memory_space<vmem>>) target_semaphore(%run_scoped3A_96 : memref<!tpu.dma_semaphore, #tpu.memory_space<semaphore_mem>>)
      %dma_wait3A_103 = arith.constant 0 : i32
      %dma_wait3A_104 = tpu.memref_slice %arg3[%run_scoped3A, %mul3A_13, %dma_wait3A_103] : memref<2x2560x125xi32, #tpu.memory_space<hbm>> -> memref<1x80x125xi32, #tpu.memory_space<hbm>>
      %dma_wait3A_105 = tpu.memref_squeeze %dma_wait3A_104 : memref<1x80x125xi32, #tpu.memory_space<hbm>> -> memref<80x125xi32, #tpu.memory_space<hbm>>
      %dma_wait3A_106 = arith.constant 0 : i32
      %dma_wait3A_107 = tpu.memref_slice %arg3[%run_scoped3A, %mul3A_13, %dma_wait3A_106] : memref<2x2560x125xi32, #tpu.memory_space<hbm>> -> memref<1x80x125xi32, #tpu.memory_space<hbm>>
      %dma_wait3A_108 = tpu.memref_squeeze %dma_wait3A_107 : memref<1x80x125xi32, #tpu.memory_space<hbm>> -> memref<80x125xi32, #tpu.memory_space<hbm>>
      tpu.wait_dma2 semaphore(%run_scoped3A_96 : memref<!tpu.dma_semaphore, #tpu.memory_space<semaphore_mem>>) src(%dma_wait3A_108 : memref<80x125xi32, #tpu.memory_space<hbm>>) dst(%arg5 : memref<80x125xi32, #tpu.memory_space<vmem>>)
      tpu.yield
    }) : () -> ()
    %mul3A_14 = arith.constant 80 : i32
    %mul3A_15 = arith.muli %add3A, %mul3A_14 : i32
    %run_scoped3A_16 = arith.constant 1 : i32
    "tpu.region"() ({
      %run_scoped3A_96 = tpu.sem_alloc : memref<!tpu.dma_semaphore, #tpu.memory_space<semaphore_mem>>
      %dma_start3A_97 = arith.constant 0 : i32
      %dma_start3A_98 = tpu.memref_slice %arg3[%run_scoped3A_16, %mul3A_15, %dma_start3A_97] : memref<2x2560x125xi32, #tpu.memory_space<hbm>> -> memref<1x80x125xi32, #tpu.memory_space<hbm>>
      %dma_start3A_99 = tpu.memref_squeeze %dma_start3A_98 : memref<1x80x125xi32, #tpu.memory_space<hbm>> -> memref<80x125xi32, #tpu.memory_space<hbm>>
      %dma_start3A_100 = arith.constant 0 : i32
      %dma_start3A_101 = tpu.memref_slice %arg3[%run_scoped3A_16, %mul3A_15, %dma_start3A_100] : memref<2x2560x125xi32, #tpu.memory_space<hbm>> -> memref<1x80x125xi32, #tpu.memory_space<hbm>>
      %dma_start3A_102 = tpu.memref_squeeze %dma_start3A_101 : memref<1x80x125xi32, #tpu.memory_space<hbm>> -> memref<80x125xi32, #tpu.memory_space<hbm>>
      tpu.enqueue_dma source(%dma_start3A_102 : memref<80x125xi32, #tpu.memory_space<hbm>>) target(%arg6 : memref<80x125xi32, #tpu.memory_space<vmem>>) target_semaphore(%run_scoped3A_96 : memref<!tpu.dma_semaphore, #tpu.memory_space<semaphore_mem>>)
      %dma_wait3A_103 = arith.constant 0 : i32
      %dma_wait3A_104 = tpu.memref_slice %arg3[%run_scoped3A_16, %mul3A_15, %dma_wait3A_103] : memref<2x2560x125xi32, #tpu.memory_space<hbm>> -> memref<1x80x125xi32, #tpu.memory_space<hbm>>
      %dma_wait3A_105 = tpu.memref_squeeze %dma_wait3A_104 : memref<1x80x125xi32, #tpu.memory_space<hbm>> -> memref<80x125xi32, #tpu.memory_space<hbm>>
      %dma_wait3A_106 = arith.constant 0 : i32
      %dma_wait3A_107 = tpu.memref_slice %arg3[%run_scoped3A_16, %mul3A_15, %dma_wait3A_106] : memref<2x2560x125xi32, #tpu.memory_space<hbm>> -> memref<1x80x125xi32, #tpu.memory_space<hbm>>
      %dma_wait3A_108 = tpu.memref_squeeze %dma_wait3A_107 : memref<1x80x125xi32, #tpu.memory_space<hbm>> -> memref<80x125xi32, #tpu.memory_space<hbm>>
      tpu.wait_dma2 semaphore(%run_scoped3A_96 : memref<!tpu.dma_semaphore, #tpu.memory_space<semaphore_mem>>) src(%dma_wait3A_108 : memref<80x125xi32, #tpu.memory_space<hbm>>) dst(%arg6 : memref<80x125xi32, #tpu.memory_space<vmem>>)
      tpu.yield
    }) : () -> ()
    %dma_start3A = arith.constant 0 : i32
    %dma_start3A_17 = arith.constant 0 : i32
    %dma_start3A_18 = tpu.memref_slice %arg5[%dma_start3A, %dma_start3A_17] : memref<80x125xi32, #tpu.memory_space<vmem>> -> memref<1x125xi32, #tpu.memory_space<vmem>>
    %dma_start3A_19 = tpu.memref_squeeze %dma_start3A_18 : memref<1x125xi32, #tpu.memory_space<vmem>> -> memref<125xi32, #tpu.memory_space<vmem>>
    %dma_start3A_20 = arith.constant 0 : i32
    %dma_start3A_21 = arith.constant 0 : i32
    %dma_start3A_22 = tpu.memref_slice %arg2[%dma_start3A_20, %dma_start3A_21] : memref<10240x64xf32, #tpu.memory_space<hbm>> -> memref<10240x64xf32, #tpu.memory_space<hbm>>
    tpu.enqueue_indirect_dma source(%dma_start3A_22 : memref<10240x64xf32, #tpu.memory_space<hbm>>) target(%arg7 : memref<125x64xf32, #tpu.memory_space<vmem>>) offsets(%dma_start3A_19 : memref<125xi32, #tpu.memory_space<vmem>>) semaphore(%arg14 : memref<!tpu.dma_semaphore, #tpu.memory_space<semaphore_mem>>)
    %dma_start3A_23 = arith.constant 1 : i32
    %dma_start3A_24 = arith.constant 0 : i32
    %dma_start3A_25 = tpu.memref_slice %arg5[%dma_start3A_23, %dma_start3A_24] : memref<80x125xi32, #tpu.memory_space<vmem>> -> memref<1x125xi32, #tpu.memory_space<vmem>>
    %dma_start3A_26 = tpu.memref_squeeze %dma_start3A_25 : memref<1x125xi32, #tpu.memory_space<vmem>> -> memref<125xi32, #tpu.memory_space<vmem>>
    %dma_start3A_27 = arith.constant 0 : i32
    %dma_start3A_28 = arith.constant 0 : i32
    %dma_start3A_29 = tpu.memref_slice %arg2[%dma_start3A_27, %dma_start3A_28] : memref<10240x64xf32, #tpu.memory_space<hbm>> -> memref<10240x64xf32, #tpu.memory_space<hbm>>
    tpu.enqueue_indirect_dma source(%dma_start3A_29 : memref<10240x64xf32, #tpu.memory_space<hbm>>) target(%arg8 : memref<125x64xf32, #tpu.memory_space<vmem>>) offsets(%dma_start3A_26 : memref<125xi32, #tpu.memory_space<vmem>>) semaphore(%arg15 : memref<!tpu.dma_semaphore, #tpu.memory_space<semaphore_mem>>)
    %dma_start3A_30 = arith.constant 2 : i32
    %dma_start3A_31 = arith.constant 0 : i32
    %dma_start3A_32 = tpu.memref_slice %arg5[%dma_start3A_30, %dma_start3A_31] : memref<80x125xi32, #tpu.memory_space<vmem>> -> memref<1x125xi32, #tpu.memory_space<vmem>>
    %dma_start3A_33 = tpu.memref_squeeze %dma_start3A_32 : memref<1x125xi32, #tpu.memory_space<vmem>> -> memref<125xi32, #tpu.memory_space<vmem>>
    %dma_start3A_34 = arith.constant 0 : i32
    %dma_start3A_35 = arith.constant 0 : i32
    %dma_start3A_36 = tpu.memref_slice %arg2[%dma_start3A_34, %dma_start3A_35] : memref<10240x64xf32, #tpu.memory_space<hbm>> -> memref<10240x64xf32, #tpu.memory_space<hbm>>
    tpu.enqueue_indirect_dma source(%dma_start3A_36 : memref<10240x64xf32, #tpu.memory_space<hbm>>) target(%arg9 : memref<125x64xf32, #tpu.memory_space<vmem>>) offsets(%dma_start3A_33 : memref<125xi32, #tpu.memory_space<vmem>>) semaphore(%arg16 : memref<!tpu.dma_semaphore, #tpu.memory_space<semaphore_mem>>)
    %dma_start3A_37 = arith.constant 3 : i32
    %dma_start3A_38 = arith.constant 0 : i32
    %dma_start3A_39 = tpu.memref_slice %arg5[%dma_start3A_37, %dma_start3A_38] : memref<80x125xi32, #tpu.memory_space<vmem>> -> memref<1x125xi32, #tpu.memory_space<vmem>>
    %dma_start3A_40 = tpu.memref_squeeze %dma_start3A_39 : memref<1x125xi32, #tpu.memory_space<vmem>> -> memref<125xi32, #tpu.memory_space<vmem>>
    %dma_start3A_41 = arith.constant 0 : i32
    %dma_start3A_42 = arith.constant 0 : i32
    %dma_start3A_43 = tpu.memref_slice %arg2[%dma_start3A_41, %dma_start3A_42] : memref<10240x64xf32, #tpu.memory_space<hbm>> -> memref<10240x64xf32, #tpu.memory_space<hbm>>
    tpu.enqueue_indirect_dma source(%dma_start3A_43 : memref<10240x64xf32, #tpu.memory_space<hbm>>) target(%arg10 : memref<125x64xf32, #tpu.memory_space<vmem>>) offsets(%dma_start3A_40 : memref<125xi32, #tpu.memory_space<vmem>>) semaphore(%arg17 : memref<!tpu.dma_semaphore, #tpu.memory_space<semaphore_mem>>)
    %dma_start3A_44 = arith.constant 4 : i32
    %dma_start3A_45 = arith.constant 0 : i32
    %dma_start3A_46 = tpu.memref_slice %arg5[%dma_start3A_44, %dma_start3A_45] : memref<80x125xi32, #tpu.memory_space<vmem>> -> memref<1x125xi32, #tpu.memory_space<vmem>>
    %dma_start3A_47 = tpu.memref_squeeze %dma_start3A_46 : memref<1x125xi32, #tpu.memory_space<vmem>> -> memref<125xi32, #tpu.memory_space<vmem>>
    %dma_start3A_48 = arith.constant 0 : i32
    %dma_start3A_49 = arith.constant 0 : i32
    %dma_start3A_50 = tpu.memref_slice %arg2[%dma_start3A_48, %dma_start3A_49] : memref<10240x64xf32, #tpu.memory_space<hbm>> -> memref<10240x64xf32, #tpu.memory_space<hbm>>
    tpu.enqueue_indirect_dma source(%dma_start3A_50 : memref<10240x64xf32, #tpu.memory_space<hbm>>) target(%arg11 : memref<125x64xf32, #tpu.memory_space<vmem>>) offsets(%dma_start3A_47 : memref<125xi32, #tpu.memory_space<vmem>>) semaphore(%arg18 : memref<!tpu.dma_semaphore, #tpu.memory_space<semaphore_mem>>)
    %scan3A_51 = arith.constant 0 : i32
    %scan3A_52 = arith.constant 0 : i32
    %scan3A_53 = arith.constant 16 : i32
    %scan3A_54 = arith.addi %scan3A_52, %scan3A_53 : i32
    %scan3A_55 = arith.constant 1 : i32
    scf.for %scan3A_96 = %scan3A_52 to %scan3A_54 step %scan3A_55  : i32 {
      %mul3A_97 = arith.constant 5 : i32
      %mul3A_98 = arith.muli %mul3A_97, %scan3A_96 : i32
      %add3A_99 = arith.constant 0 : i32
      %add3A_100 = arith.addi %mul3A_98, %add3A_99 : i32
      %dma_wait3A_101 = arith.constant 0 : i32
      %dma_wait3A_102 = tpu.memref_slice %arg5[%add3A_100, %dma_wait3A_101] : memref<80x125xi32, #tpu.memory_space<vmem>> -> memref<1x125xi32, #tpu.memory_space<vmem>>
      %dma_wait3A_103 = tpu.memref_squeeze %dma_wait3A_102 : memref<1x125xi32, #tpu.memory_space<vmem>> -> memref<125xi32, #tpu.memory_space<vmem>>
      %dma_wait3A_104 = arith.constant 0 : i32
      %dma_wait3A_105 = arith.constant 0 : i32
      %dma_wait3A_106 = tpu.memref_slice %arg2[%dma_wait3A_104, %dma_wait3A_105] : memref<10240x64xf32, #tpu.memory_space<hbm>> -> memref<10240x64xf32, #tpu.memory_space<hbm>>
      tpu.wait_indirect_dma semaphore(%arg14 : memref<!tpu.dma_semaphore, #tpu.memory_space<semaphore_mem>>) src(%dma_wait3A_106 : memref<10240x64xf32, #tpu.memory_space<hbm>>) dst(%arg7 : memref<125x64xf32, #tpu.memory_space<vmem>>)
      %dma_start3A_107 = arith.constant 0 : i32
      %dma_start3A_108 = tpu.memref_slice %arg6[%add3A_100, %dma_start3A_107] : memref<80x125xi32, #tpu.memory_space<vmem>> -> memref<1x125xi32, #tpu.memory_space<vmem>>
      %dma_start3A_109 = tpu.memref_squeeze %dma_start3A_108 : memref<1x125xi32, #tpu.memory_space<vmem>> -> memref<125xi32, #tpu.memory_space<vmem>>
      %dma_start3A_110 = arith.constant 0 : i32
      %dma_start3A_111 = arith.constant 0 : i32
      %dma_start3A_112 = tpu.memref_slice %arg13[%dma_start3A_110, %dma_start3A_111] : memref<10240x64xf32, #tpu.memory_space<vmem_shared>> -> memref<10240x64xf32, #tpu.memory_space<vmem_shared>>
      tpu.enqueue_indirect_dma source(%arg7 : memref<125x64xf32, #tpu.memory_space<vmem>>) target(%dma_start3A_112 : memref<10240x64xf32, #tpu.memory_space<vmem_shared>>) offsets(%dma_start3A_109 : memref<125xi32, #tpu.memory_space<vmem>>) semaphore(%arg19 : memref<!tpu.dma_semaphore, #tpu.memory_space<semaphore_mem>>) {add = true}
      %mul3A_113 = arith.constant 5 : i32
      %mul3A_114 = arith.muli %mul3A_113, %scan3A_96 : i32
      %add3A_115 = arith.constant 1 : i32
      %add3A_116 = arith.addi %mul3A_114, %add3A_115 : i32
      %dma_wait3A_117 = arith.constant 0 : i32
      %dma_wait3A_118 = tpu.memref_slice %arg5[%add3A_116, %dma_wait3A_117] : memref<80x125xi32, #tpu.memory_space<vmem>> -> memref<1x125xi32, #tpu.memory_space<vmem>>
      %dma_wait3A_119 = tpu.memref_squeeze %dma_wait3A_118 : memref<1x125xi32, #tpu.memory_space<vmem>> -> memref<125xi32, #tpu.memory_space<vmem>>
      %dma_wait3A_120 = arith.constant 0 : i32
      %dma_wait3A_121 = arith.constant 0 : i32
      %dma_wait3A_122 = tpu.memref_slice %arg2[%dma_wait3A_120, %dma_wait3A_121] : memref<10240x64xf32, #tpu.memory_space<hbm>> -> memref<10240x64xf32, #tpu.memory_space<hbm>>
      tpu.wait_indirect_dma semaphore(%arg15 : memref<!tpu.dma_semaphore, #tpu.memory_space<semaphore_mem>>) src(%dma_wait3A_122 : memref<10240x64xf32, #tpu.memory_space<hbm>>) dst(%arg8 : memref<125x64xf32, #tpu.memory_space<vmem>>)
      %dma_start3A_123 = arith.constant 0 : i32
      %dma_start3A_124 = tpu.memref_slice %arg6[%add3A_116, %dma_start3A_123] : memref<80x125xi32, #tpu.memory_space<vmem>> -> memref<1x125xi32, #tpu.memory_space<vmem>>
      %dma_start3A_125 = tpu.memref_squeeze %dma_start3A_124 : memref<1x125xi32, #tpu.memory_space<vmem>> -> memref<125xi32, #tpu.memory_space<vmem>>
      %dma_start3A_126 = arith.constant 0 : i32
      %dma_start3A_127 = arith.constant 0 : i32
      %dma_start3A_128 = tpu.memref_slice %arg13[%dma_start3A_126, %dma_start3A_127] : memref<10240x64xf32, #tpu.memory_space<vmem_shared>> -> memref<10240x64xf32, #tpu.memory_space<vmem_shared>>
      tpu.enqueue_indirect_dma source(%arg8 : memref<125x64xf32, #tpu.memory_space<vmem>>) target(%dma_start3A_128 : memref<10240x64xf32, #tpu.memory_space<vmem_shared>>) offsets(%dma_start3A_125 : memref<125xi32, #tpu.memory_space<vmem>>) semaphore(%arg20 : memref<!tpu.dma_semaphore, #tpu.memory_space<semaphore_mem>>) {add = true}
      %mul3A_129 = arith.constant 5 : i32
      %mul3A_130 = arith.muli %mul3A_129, %scan3A_96 : i32
      %add3A_131 = arith.constant 2 : i32
      %add3A_132 = arith.addi %mul3A_130, %add3A_131 : i32
      %dma_wait3A_133 = arith.constant 0 : i32
      %dma_wait3A_134 = tpu.memref_slice %arg5[%add3A_132, %dma_wait3A_133] : memref<80x125xi32, #tpu.memory_space<vmem>> -> memref<1x125xi32, #tpu.memory_space<vmem>>
      %dma_wait3A_135 = tpu.memref_squeeze %dma_wait3A_134 : memref<1x125xi32, #tpu.memory_space<vmem>> -> memref<125xi32, #tpu.memory_space<vmem>>
      %dma_wait3A_136 = arith.constant 0 : i32
      %dma_wait3A_137 = arith.constant 0 : i32
      %dma_wait3A_138 = tpu.memref_slice %arg2[%dma_wait3A_136, %dma_wait3A_137] : memref<10240x64xf32, #tpu.memory_space<hbm>> -> memref<10240x64xf32, #tpu.memory_space<hbm>>
      tpu.wait_indirect_dma semaphore(%arg16 : memref<!tpu.dma_semaphore, #tpu.memory_space<semaphore_mem>>) src(%dma_wait3A_138 : memref<10240x64xf32, #tpu.memory_space<hbm>>) dst(%arg9 : memref<125x64xf32, #tpu.memory_space<vmem>>)
      %dma_start3A_139 = arith.constant 0 : i32
      %dma_start3A_140 = tpu.memref_slice %arg6[%add3A_132, %dma_start3A_139] : memref<80x125xi32, #tpu.memory_space<vmem>> -> memref<1x125xi32, #tpu.memory_space<vmem>>
      %dma_start3A_141 = tpu.memref_squeeze %dma_start3A_140 : memref<1x125xi32, #tpu.memory_space<vmem>> -> memref<125xi32, #tpu.memory_space<vmem>>
      %dma_start3A_142 = arith.constant 0 : i32
      %dma_start3A_143 = arith.constant 0 : i32
      %dma_start3A_144 = tpu.memref_slice %arg13[%dma_start3A_142, %dma_start3A_143] : memref<10240x64xf32, #tpu.memory_space<vmem_shared>> -> memref<10240x64xf32, #tpu.memory_space<vmem_shared>>
      tpu.enqueue_indirect_dma source(%arg9 : memref<125x64xf32, #tpu.memory_space<vmem>>) target(%dma_start3A_144 : memref<10240x64xf32, #tpu.memory_space<vmem_shared>>) offsets(%dma_start3A_141 : memref<125xi32, #tpu.memory_space<vmem>>) semaphore(%arg21 : memref<!tpu.dma_semaphore, #tpu.memory_space<semaphore_mem>>) {add = true}
      %mul3A_145 = arith.constant 5 : i32
      %mul3A_146 = arith.muli %mul3A_145, %scan3A_96 : i32
      %add3A_147 = arith.constant 3 : i32
      %add3A_148 = arith.addi %mul3A_146, %add3A_147 : i32
      %dma_wait3A_149 = arith.constant 0 : i32
      %dma_wait3A_150 = tpu.memref_slice %arg5[%add3A_148, %dma_wait3A_149] : memref<80x125xi32, #tpu.memory_space<vmem>> -> memref<1x125xi32, #tpu.memory_space<vmem>>
      %dma_wait3A_151 = tpu.memref_squeeze %dma_wait3A_150 : memref<1x125xi32, #tpu.memory_space<vmem>> -> memref<125xi32, #tpu.memory_space<vmem>>
      %dma_wait3A_152 = arith.constant 0 : i32
      %dma_wait3A_153 = arith.constant 0 : i32
      %dma_wait3A_154 = tpu.memref_slice %arg2[%dma_wait3A_152, %dma_wait3A_153] : memref<10240x64xf32, #tpu.memory_space<hbm>> -> memref<10240x64xf32, #tpu.memory_space<hbm>>
      tpu.wait_indirect_dma semaphore(%arg17 : memref<!tpu.dma_semaphore, #tpu.memory_space<semaphore_mem>>) src(%dma_wait3A_154 : memref<10240x64xf32, #tpu.memory_space<hbm>>) dst(%arg10 : memref<125x64xf32, #tpu.memory_space<vmem>>)
      %dma_start3A_155 = arith.constant 0 : i32
      %dma_start3A_156 = tpu.memref_slice %arg6[%add3A_148, %dma_start3A_155] : memref<80x125xi32, #tpu.memory_space<vmem>> -> memref<1x125xi32, #tpu.memory_space<vmem>>
      %dma_start3A_157 = tpu.memref_squeeze %dma_start3A_156 : memref<1x125xi32, #tpu.memory_space<vmem>> -> memref<125xi32, #tpu.memory_space<vmem>>
      %dma_start3A_158 = arith.constant 0 : i32
      %dma_start3A_159 = arith.constant 0 : i32
      %dma_start3A_160 = tpu.memref_slice %arg13[%dma_start3A_158, %dma_start3A_159] : memref<10240x64xf32, #tpu.memory_space<vmem_shared>> -> memref<10240x64xf32, #tpu.memory_space<vmem_shared>>
      tpu.enqueue_indirect_dma source(%arg10 : memref<125x64xf32, #tpu.memory_space<vmem>>) target(%dma_start3A_160 : memref<10240x64xf32, #tpu.memory_space<vmem_shared>>) offsets(%dma_start3A_157 : memref<125xi32, #tpu.memory_space<vmem>>) semaphore(%arg22 : memref<!tpu.dma_semaphore, #tpu.memory_space<semaphore_mem>>) {add = true}
      %mul3A_161 = arith.constant 5 : i32
      %mul3A_162 = arith.muli %mul3A_161, %scan3A_96 : i32
      %add3A_163 = arith.constant 4 : i32
      %add3A_164 = arith.addi %mul3A_162, %add3A_163 : i32
      %dma_wait3A_165 = arith.constant 0 : i32
      %dma_wait3A_166 = tpu.memref_slice %arg5[%add3A_164, %dma_wait3A_165] : memref<80x125xi32, #tpu.memory_space<vmem>> -> memref<1x125xi32, #tpu.memory_space<vmem>>
      %dma_wait3A_167 = tpu.memref_squeeze %dma_wait3A_166 : memref<1x125xi32, #tpu.memory_space<vmem>> -> memref<125xi32, #tpu.memory_space<vmem>>
      %dma_wait3A_168 = arith.constant 0 : i32
      %dma_wait3A_169 = arith.constant 0 : i32
      %dma_wait3A_170 = tpu.memref_slice %arg2[%dma_wait3A_168, %dma_wait3A_169] : memref<10240x64xf32, #tpu.memory_space<hbm>> -> memref<10240x64xf32, #tpu.memory_space<hbm>>
      tpu.wait_indirect_dma semaphore(%arg18 : memref<!tpu.dma_semaphore, #tpu.memory_space<semaphore_mem>>) src(%dma_wait3A_170 : memref<10240x64xf32, #tpu.memory_space<hbm>>) dst(%arg11 : memref<125x64xf32, #tpu.memory_space<vmem>>)
      %dma_start3A_171 = arith.constant 0 : i32
      %dma_start3A_172 = tpu.memref_slice %arg6[%add3A_164, %dma_start3A_171] : memref<80x125xi32, #tpu.memory_space<vmem>> -> memref<1x125xi32, #tpu.memory_space<vmem>>
      %dma_start3A_173 = tpu.memref_squeeze %dma_start3A_172 : memref<1x125xi32, #tpu.memory_space<vmem>> -> memref<125xi32, #tpu.memory_space<vmem>>
      %dma_start3A_174 = arith.constant 0 : i32
      %dma_start3A_175 = arith.constant 0 : i32
      %dma_start3A_176 = tpu.memref_slice %arg13[%dma_start3A_174, %dma_start3A_175] : memref<10240x64xf32, #tpu.memory_space<vmem_shared>> -> memref<10240x64xf32, #tpu.memory_space<vmem_shared>>
      tpu.enqueue_indirect_dma source(%arg11 : memref<125x64xf32, #tpu.memory_space<vmem>>) target(%dma_start3A_176 : memref<10240x64xf32, #tpu.memory_space<vmem_shared>>) offsets(%dma_start3A_173 : memref<125xi32, #tpu.memory_space<vmem>>) semaphore(%arg23 : memref<!tpu.dma_semaphore, #tpu.memory_space<semaphore_mem>>) {add = true}
      %mul3A_177 = arith.constant 5 : i32
      %mul3A_178 = arith.muli %mul3A_177, %scan3A_96 : i32
      %add3A_179 = arith.constant 0 : i32
      %add3A_180 = arith.addi %mul3A_178, %add3A_179 : i32
      %lt3A = arith.constant 15 : i32
      %lt3A_181 = arith.cmpi slt, %scan3A_96, %lt3A : i32
      %convert_element_type3A = arith.extui %lt3A_181 : i1 to i32
      %cond3A = arith.constant 0 : i32
      %cond3A_182 = arith.cmpi ne, %convert_element_type3A, %cond3A : i32
      scf.if %cond3A_182 {
        %dma_wait3A_219 = arith.constant 0 : i32
        %dma_wait3A_220 = tpu.memref_slice %arg6[%add3A_180, %dma_wait3A_219] : memref<80x125xi32, #tpu.memory_space<vmem>> -> memref<1x125xi32, #tpu.memory_space<vmem>>
        %dma_wait3A_221 = tpu.memref_squeeze %dma_wait3A_220 : memref<1x125xi32, #tpu.memory_space<vmem>> -> memref<125xi32, #tpu.memory_space<vmem>>
        %dma_wait3A_222 = arith.constant 0 : i32
        %dma_wait3A_223 = arith.constant 0 : i32
        %dma_wait3A_224 = tpu.memref_slice %arg13[%dma_wait3A_222, %dma_wait3A_223] : memref<10240x64xf32, #tpu.memory_space<vmem_shared>> -> memref<10240x64xf32, #tpu.memory_space<vmem_shared>>
        tpu.wait_indirect_dma semaphore(%arg19 : memref<!tpu.dma_semaphore, #tpu.memory_space<semaphore_mem>>) src(%arg7 : memref<125x64xf32, #tpu.memory_space<vmem>>) dst(%dma_wait3A_224 : memref<10240x64xf32, #tpu.memory_space<vmem_shared>>)
        %add3A_225 = arith.constant 5 : i32
        %add3A_226 = arith.addi %add3A_180, %add3A_225 : i32
        %dma_start3A_227 = arith.constant 0 : i32
        %dma_start3A_228 = tpu.memref_slice %arg5[%add3A_226, %dma_start3A_227] : memref<80x125xi32, #tpu.memory_space<vmem>> -> memref<1x125xi32, #tpu.memory_space<vmem>>
        %dma_start3A_229 = tpu.memref_squeeze %dma_start3A_228 : memref<1x125xi32, #tpu.memory_space<vmem>> -> memref<125xi32, #tpu.memory_space<vmem>>
        %dma_start3A_230 = arith.constant 0 : i32
        %dma_start3A_231 = arith.constant 0 : i32
        %dma_start3A_232 = tpu.memref_slice %arg2[%dma_start3A_230, %dma_start3A_231] : memref<10240x64xf32, #tpu.memory_space<hbm>> -> memref<10240x64xf32, #tpu.memory_space<hbm>>
        tpu.enqueue_indirect_dma source(%dma_start3A_232 : memref<10240x64xf32, #tpu.memory_space<hbm>>) target(%arg7 : memref<125x64xf32, #tpu.memory_space<vmem>>) offsets(%dma_start3A_229 : memref<125xi32, #tpu.memory_space<vmem>>) semaphore(%arg14 : memref<!tpu.dma_semaphore, #tpu.memory_space<semaphore_mem>>)
      } else {
      }
      %mul3A_183 = arith.constant 5 : i32
      %mul3A_184 = arith.muli %mul3A_183, %scan3A_96 : i32
      %add3A_185 = arith.constant 1 : i32
      %add3A_186 = arith.addi %mul3A_184, %add3A_185 : i32
      %lt3A_187 = arith.constant 15 : i32
      %lt3A_188 = arith.cmpi slt, %scan3A_96, %lt3A_187 : i32
      %convert_element_type3A_189 = arith.extui %lt3A_188 : i1 to i32
      %cond3A_190 = arith.constant 0 : i32
      %cond3A_191 = arith.cmpi ne, %convert_element_type3A_189, %cond3A_190 : i32
      scf.if %cond3A_191 {
        %dma_wait3A_219 = arith.constant 0 : i32
        %dma_wait3A_220 = tpu.memref_slice %arg6[%add3A_186, %dma_wait3A_219] : memref<80x125xi32, #tpu.memory_space<vmem>> -> memref<1x125xi32, #tpu.memory_space<vmem>>
        %dma_wait3A_221 = tpu.memref_squeeze %dma_wait3A_220 : memref<1x125xi32, #tpu.memory_space<vmem>> -> memref<125xi32, #tpu.memory_space<vmem>>
        %dma_wait3A_222 = arith.constant 0 : i32
        %dma_wait3A_223 = arith.constant 0 : i32
        %dma_wait3A_224 = tpu.memref_slice %arg13[%dma_wait3A_222, %dma_wait3A_223] : memref<10240x64xf32, #tpu.memory_space<vmem_shared>> -> memref<10240x64xf32, #tpu.memory_space<vmem_shared>>
        tpu.wait_indirect_dma semaphore(%arg20 : memref<!tpu.dma_semaphore, #tpu.memory_space<semaphore_mem>>) src(%arg8 : memref<125x64xf32, #tpu.memory_space<vmem>>) dst(%dma_wait3A_224 : memref<10240x64xf32, #tpu.memory_space<vmem_shared>>)
        %add3A_225 = arith.constant 5 : i32
        %add3A_226 = arith.addi %add3A_186, %add3A_225 : i32
        %dma_start3A_227 = arith.constant 0 : i32
        %dma_start3A_228 = tpu.memref_slice %arg5[%add3A_226, %dma_start3A_227] : memref<80x125xi32, #tpu.memory_space<vmem>> -> memref<1x125xi32, #tpu.memory_space<vmem>>
        %dma_start3A_229 = tpu.memref_squeeze %dma_start3A_228 : memref<1x125xi32, #tpu.memory_space<vmem>> -> memref<125xi32, #tpu.memory_space<vmem>>
        %dma_start3A_230 = arith.constant 0 : i32
        %dma_start3A_231 = arith.constant 0 : i32
        %dma_start3A_232 = tpu.memref_slice %arg2[%dma_start3A_230, %dma_start3A_231] : memref<10240x64xf32, #tpu.memory_space<hbm>> -> memref<10240x64xf32, #tpu.memory_space<hbm>>
        tpu.enqueue_indirect_dma source(%dma_start3A_232 : memref<10240x64xf32, #tpu.memory_space<hbm>>) target(%arg8 : memref<125x64xf32, #tpu.memory_space<vmem>>) offsets(%dma_start3A_229 : memref<125xi32, #tpu.memory_space<vmem>>) semaphore(%arg15 : memref<!tpu.dma_semaphore, #tpu.memory_space<semaphore_mem>>)
      } else {
      }
      %mul3A_192 = arith.constant 5 : i32
      %mul3A_193 = arith.muli %mul3A_192, %scan3A_96 : i32
      %add3A_194 = arith.constant 2 : i32
      %add3A_195 = arith.addi %mul3A_193, %add3A_194 : i32
      %lt3A_196 = arith.constant 15 : i32
      %lt3A_197 = arith.cmpi slt, %scan3A_96, %lt3A_196 : i32
      %convert_element_type3A_198 = arith.extui %lt3A_197 : i1 to i32
      %cond3A_199 = arith.constant 0 : i32
      %cond3A_200 = arith.cmpi ne, %convert_element_type3A_198, %cond3A_199 : i32
      scf.if %cond3A_200 {
        %dma_wait3A_219 = arith.constant 0 : i32
        %dma_wait3A_220 = tpu.memref_slice %arg6[%add3A_195, %dma_wait3A_219] : memref<80x125xi32, #tpu.memory_space<vmem>> -> memref<1x125xi32, #tpu.memory_space<vmem>>
        %dma_wait3A_221 = tpu.memref_squeeze %dma_wait3A_220 : memref<1x125xi32, #tpu.memory_space<vmem>> -> memref<125xi32, #tpu.memory_space<vmem>>
        %dma_wait3A_222 = arith.constant 0 : i32
        %dma_wait3A_223 = arith.constant 0 : i32
        %dma_wait3A_224 = tpu.memref_slice %arg13[%dma_wait3A_222, %dma_wait3A_223] : memref<10240x64xf32, #tpu.memory_space<vmem_shared>> -> memref<10240x64xf32, #tpu.memory_space<vmem_shared>>
        tpu.wait_indirect_dma semaphore(%arg21 : memref<!tpu.dma_semaphore, #tpu.memory_space<semaphore_mem>>) src(%arg9 : memref<125x64xf32, #tpu.memory_space<vmem>>) dst(%dma_wait3A_224 : memref<10240x64xf32, #tpu.memory_space<vmem_shared>>)
        %add3A_225 = arith.constant 5 : i32
        %add3A_226 = arith.addi %add3A_195, %add3A_225 : i32
        %dma_start3A_227 = arith.constant 0 : i32
        %dma_start3A_228 = tpu.memref_slice %arg5[%add3A_226, %dma_start3A_227] : memref<80x125xi32, #tpu.memory_space<vmem>> -> memref<1x125xi32, #tpu.memory_space<vmem>>
        %dma_start3A_229 = tpu.memref_squeeze %dma_start3A_228 : memref<1x125xi32, #tpu.memory_space<vmem>> -> memref<125xi32, #tpu.memory_space<vmem>>
        %dma_start3A_230 = arith.constant 0 : i32
        %dma_start3A_231 = arith.constant 0 : i32
        %dma_start3A_232 = tpu.memref_slice %arg2[%dma_start3A_230, %dma_start3A_231] : memref<10240x64xf32, #tpu.memory_space<hbm>> -> memref<10240x64xf32, #tpu.memory_space<hbm>>
        tpu.enqueue_indirect_dma source(%dma_start3A_232 : memref<10240x64xf32, #tpu.memory_space<hbm>>) target(%arg9 : memref<125x64xf32, #tpu.memory_space<vmem>>) offsets(%dma_start3A_229 : memref<125xi32, #tpu.memory_space<vmem>>) semaphore(%arg16 : memref<!tpu.dma_semaphore, #tpu.memory_space<semaphore_mem>>)
      } else {
      }
      %mul3A_201 = arith.constant 5 : i32
      %mul3A_202 = arith.muli %mul3A_201, %scan3A_96 : i32
      %add3A_203 = arith.constant 3 : i32
      %add3A_204 = arith.addi %mul3A_202, %add3A_203 : i32
      %lt3A_205 = arith.constant 15 : i32
      %lt3A_206 = arith.cmpi slt, %scan3A_96, %lt3A_205 : i32
      %convert_element_type3A_207 = arith.extui %lt3A_206 : i1 to i32
      %cond3A_208 = arith.constant 0 : i32
      %cond3A_209 = arith.cmpi ne, %convert_element_type3A_207, %cond3A_208 : i32
      scf.if %cond3A_209 {
        %dma_wait3A_219 = arith.constant 0 : i32
        %dma_wait3A_220 = tpu.memref_slice %arg6[%add3A_204, %dma_wait3A_219] : memref<80x125xi32, #tpu.memory_space<vmem>> -> memref<1x125xi32, #tpu.memory_space<vmem>>
        %dma_wait3A_221 = tpu.memref_squeeze %dma_wait3A_220 : memref<1x125xi32, #tpu.memory_space<vmem>> -> memref<125xi32, #tpu.memory_space<vmem>>
        %dma_wait3A_222 = arith.constant 0 : i32
        %dma_wait3A_223 = arith.constant 0 : i32
        %dma_wait3A_224 = tpu.memref_slice %arg13[%dma_wait3A_222, %dma_wait3A_223] : memref<10240x64xf32, #tpu.memory_space<vmem_shared>> -> memref<10240x64xf32, #tpu.memory_space<vmem_shared>>
        tpu.wait_indirect_dma semaphore(%arg22 : memref<!tpu.dma_semaphore, #tpu.memory_space<semaphore_mem>>) src(%arg10 : memref<125x64xf32, #tpu.memory_space<vmem>>) dst(%dma_wait3A_224 : memref<10240x64xf32, #tpu.memory_space<vmem_shared>>)
        %add3A_225 = arith.constant 5 : i32
        %add3A_226 = arith.addi %add3A_204, %add3A_225 : i32
        %dma_start3A_227 = arith.constant 0 : i32
        %dma_start3A_228 = tpu.memref_slice %arg5[%add3A_226, %dma_start3A_227] : memref<80x125xi32, #tpu.memory_space<vmem>> -> memref<1x125xi32, #tpu.memory_space<vmem>>
        %dma_start3A_229 = tpu.memref_squeeze %dma_start3A_228 : memref<1x125xi32, #tpu.memory_space<vmem>> -> memref<125xi32, #tpu.memory_space<vmem>>
        %dma_start3A_230 = arith.constant 0 : i32
        %dma_start3A_231 = arith.constant 0 : i32
        %dma_start3A_232 = tpu.memref_slice %arg2[%dma_start3A_230, %dma_start3A_231] : memref<10240x64xf32, #tpu.memory_space<hbm>> -> memref<10240x64xf32, #tpu.memory_space<hbm>>
        tpu.enqueue_indirect_dma source(%dma_start3A_232 : memref<10240x64xf32, #tpu.memory_space<hbm>>) target(%arg10 : memref<125x64xf32, #tpu.memory_space<vmem>>) offsets(%dma_start3A_229 : memref<125xi32, #tpu.memory_space<vmem>>) semaphore(%arg17 : memref<!tpu.dma_semaphore, #tpu.memory_space<semaphore_mem>>)
      } else {
      }
      %mul3A_210 = arith.constant 5 : i32
      %mul3A_211 = arith.muli %mul3A_210, %scan3A_96 : i32
      %add3A_212 = arith.constant 4 : i32
      %add3A_213 = arith.addi %mul3A_211, %add3A_212 : i32
      %lt3A_214 = arith.constant 15 : i32
      %lt3A_215 = arith.cmpi slt, %scan3A_96, %lt3A_214 : i32
      %convert_element_type3A_216 = arith.extui %lt3A_215 : i1 to i32
      %cond3A_217 = arith.constant 0 : i32
      %cond3A_218 = arith.cmpi ne, %convert_element_type3A_216, %cond3A_217 : i32
      scf.if %cond3A_218 {
        %dma_wait3A_219 = arith.constant 0 : i32
        %dma_wait3A_220 = tpu.memref_slice %arg6[%add3A_213, %dma_wait3A_219] : memref<80x125xi32, #tpu.memory_space<vmem>> -> memref<1x125xi32, #tpu.memory_space<vmem>>
        %dma_wait3A_221 = tpu.memref_squeeze %dma_wait3A_220 : memref<1x125xi32, #tpu.memory_space<vmem>> -> memref<125xi32, #tpu.memory_space<vmem>>
        %dma_wait3A_222 = arith.constant 0 : i32
        %dma_wait3A_223 = arith.constant 0 : i32
        %dma_wait3A_224 = tpu.memref_slice %arg13[%dma_wait3A_222, %dma_wait3A_223] : memref<10240x64xf32, #tpu.memory_space<vmem_shared>> -> memref<10240x64xf32, #tpu.memory_space<vmem_shared>>
        tpu.wait_indirect_dma semaphore(%arg23 : memref<!tpu.dma_semaphore, #tpu.memory_space<semaphore_mem>>) src(%arg11 : memref<125x64xf32, #tpu.memory_space<vmem>>) dst(%dma_wait3A_224 : memref<10240x64xf32, #tpu.memory_space<vmem_shared>>)
        %add3A_225 = arith.constant 5 : i32
        %add3A_226 = arith.addi %add3A_213, %add3A_225 : i32
        %dma_start3A_227 = arith.constant 0 : i32
        %dma_start3A_228 = tpu.memref_slice %arg5[%add3A_226, %dma_start3A_227] : memref<80x125xi32, #tpu.memory_space<vmem>> -> memref<1x125xi32, #tpu.memory_space<vmem>>
        %dma_start3A_229 = tpu.memref_squeeze %dma_start3A_228 : memref<1x125xi32, #tpu.memory_space<vmem>> -> memref<125xi32, #tpu.memory_space<vmem>>
        %dma_start3A_230 = arith.constant 0 : i32
        %dma_start3A_231 = arith.constant 0 : i32
        %dma_start3A_232 = tpu.memref_slice %arg2[%dma_start3A_230, %dma_start3A_231] : memref<10240x64xf32, #tpu.memory_space<hbm>> -> memref<10240x64xf32, #tpu.memory_space<hbm>>
        tpu.enqueue_indirect_dma source(%dma_start3A_232 : memref<10240x64xf32, #tpu.memory_space<hbm>>) target(%arg11 : memref<125x64xf32, #tpu.memory_space<vmem>>) offsets(%dma_start3A_229 : memref<125xi32, #tpu.memory_space<vmem>>) semaphore(%arg18 : memref<!tpu.dma_semaphore, #tpu.memory_space<semaphore_mem>>)
      } else {
      }
    }
    %scan3A_56 = arith.constant 16 : i32
    %dma_wait3A = arith.constant 75 : i32
    %dma_wait3A_57 = arith.constant 0 : i32
    %dma_wait3A_58 = tpu.memref_slice %arg6[%dma_wait3A, %dma_wait3A_57] : memref<80x125xi32, #tpu.memory_space<vmem>> -> memref<1x125xi32, #tpu.memory_space<vmem>>
    %dma_wait3A_59 = tpu.memref_squeeze %dma_wait3A_58 : memref<1x125xi32, #tpu.memory_space<vmem>> -> memref<125xi32, #tpu.memory_space<vmem>>
    %dma_wait3A_60 = arith.constant 0 : i32
    %dma_wait3A_61 = arith.constant 0 : i32
    %dma_wait3A_62 = tpu.memref_slice %arg13[%dma_wait3A_60, %dma_wait3A_61] : memref<10240x64xf32, #tpu.memory_space<vmem_shared>> -> memref<10240x64xf32, #tpu.memory_space<vmem_shared>>
    tpu.wait_indirect_dma semaphore(%arg19 : memref<!tpu.dma_semaphore, #tpu.memory_space<semaphore_mem>>) src(%arg7 : memref<125x64xf32, #tpu.memory_space<vmem>>) dst(%dma_wait3A_62 : memref<10240x64xf32, #tpu.memory_space<vmem_shared>>)
    %dma_wait3A_63 = arith.constant 76 : i32
    %dma_wait3A_64 = arith.constant 0 : i32
    %dma_wait3A_65 = tpu.memref_slice %arg6[%dma_wait3A_63, %dma_wait3A_64] : memref<80x125xi32, #tpu.memory_space<vmem>> -> memref<1x125xi32, #tpu.memory_space<vmem>>
    %dma_wait3A_66 = tpu.memref_squeeze %dma_wait3A_65 : memref<1x125xi32, #tpu.memory_space<vmem>> -> memref<125xi32, #tpu.memory_space<vmem>>
    %dma_wait3A_67 = arith.constant 0 : i32
    %dma_wait3A_68 = arith.constant 0 : i32
    %dma_wait3A_69 = tpu.memref_slice %arg13[%dma_wait3A_67, %dma_wait3A_68] : memref<10240x64xf32, #tpu.memory_space<vmem_shared>> -> memref<10240x64xf32, #tpu.memory_space<vmem_shared>>
    tpu.wait_indirect_dma semaphore(%arg20 : memref<!tpu.dma_semaphore, #tpu.memory_space<semaphore_mem>>) src(%arg8 : memref<125x64xf32, #tpu.memory_space<vmem>>) dst(%dma_wait3A_69 : memref<10240x64xf32, #tpu.memory_space<vmem_shared>>)
    %dma_wait3A_70 = arith.constant 77 : i32
    %dma_wait3A_71 = arith.constant 0 : i32
    %dma_wait3A_72 = tpu.memref_slice %arg6[%dma_wait3A_70, %dma_wait3A_71] : memref<80x125xi32, #tpu.memory_space<vmem>> -> memref<1x125xi32, #tpu.memory_space<vmem>>
    %dma_wait3A_73 = tpu.memref_squeeze %dma_wait3A_72 : memref<1x125xi32, #tpu.memory_space<vmem>> -> memref<125xi32, #tpu.memory_space<vmem>>
    %dma_wait3A_74 = arith.constant 0 : i32
    %dma_wait3A_75 = arith.constant 0 : i32
    %dma_wait3A_76 = tpu.memref_slice %arg13[%dma_wait3A_74, %dma_wait3A_75] : memref<10240x64xf32, #tpu.memory_space<vmem_shared>> -> memref<10240x64xf32, #tpu.memory_space<vmem_shared>>
    tpu.wait_indirect_dma semaphore(%arg21 : memref<!tpu.dma_semaphore, #tpu.memory_space<semaphore_mem>>) src(%arg9 : memref<125x64xf32, #tpu.memory_space<vmem>>) dst(%dma_wait3A_76 : memref<10240x64xf32, #tpu.memory_space<vmem_shared>>)
    %dma_wait3A_77 = arith.constant 78 : i32
    %dma_wait3A_78 = arith.constant 0 : i32
    %dma_wait3A_79 = tpu.memref_slice %arg6[%dma_wait3A_77, %dma_wait3A_78] : memref<80x125xi32, #tpu.memory_space<vmem>> -> memref<1x125xi32, #tpu.memory_space<vmem>>
    %dma_wait3A_80 = tpu.memref_squeeze %dma_wait3A_79 : memref<1x125xi32, #tpu.memory_space<vmem>> -> memref<125xi32, #tpu.memory_space<vmem>>
    %dma_wait3A_81 = arith.constant 0 : i32
    %dma_wait3A_82 = arith.constant 0 : i32
    %dma_wait3A_83 = tpu.memref_slice %arg13[%dma_wait3A_81, %dma_wait3A_82] : memref<10240x64xf32, #tpu.memory_space<vmem_shared>> -> memref<10240x64xf32, #tpu.memory_space<vmem_shared>>
    tpu.wait_indirect_dma semaphore(%arg22 : memref<!tpu.dma_semaphore, #tpu.memory_space<semaphore_mem>>) src(%arg10 : memref<125x64xf32, #tpu.memory_space<vmem>>) dst(%dma_wait3A_83 : memref<10240x64xf32, #tpu.memory_space<vmem_shared>>)
    %dma_wait3A_84 = arith.constant 79 : i32
    %dma_wait3A_85 = arith.constant 0 : i32
    %dma_wait3A_86 = tpu.memref_slice %arg6[%dma_wait3A_84, %dma_wait3A_85] : memref<80x125xi32, #tpu.memory_space<vmem>> -> memref<1x125xi32, #tpu.memory_space<vmem>>
    %dma_wait3A_87 = tpu.memref_squeeze %dma_wait3A_86 : memref<1x125xi32, #tpu.memory_space<vmem>> -> memref<125xi32, #tpu.memory_space<vmem>>
    %dma_wait3A_88 = arith.constant 0 : i32
    %dma_wait3A_89 = arith.constant 0 : i32
    %dma_wait3A_90 = tpu.memref_slice %arg13[%dma_wait3A_88, %dma_wait3A_89] : memref<10240x64xf32, #tpu.memory_space<vmem_shared>> -> memref<10240x64xf32, #tpu.memory_space<vmem_shared>>
    tpu.wait_indirect_dma semaphore(%arg23 : memref<!tpu.dma_semaphore, #tpu.memory_space<semaphore_mem>>) src(%arg11 : memref<125x64xf32, #tpu.memory_space<vmem>>) dst(%dma_wait3A_90 : memref<10240x64xf32, #tpu.memory_space<vmem_shared>>)
    %barrier3A_91 = arith.constant 0 : index
    tpu.barrier barrier_id(%barrier3A_91)
    %mul3A_92 = arith.constant 640 : i32
    %mul3A_93 = arith.muli %arg1, %mul3A_92 : i32
    %mul3A_94 = arith.constant 640 : i32
    %mul3A_95 = arith.muli %arg1, %mul3A_94 : i32
    "tpu.region"() ({
      %run_scoped3A_96 = tpu.sem_alloc : memref<!tpu.dma_semaphore, #tpu.memory_space<semaphore_mem>>
      %dma_start3A_97 = arith.constant 0 : i32
      %dma_start3A_98 = tpu.memref_slice %arg4[%arg0, %mul3A_95, %dma_start3A_97] : memref<2x10240x64xf32, #tpu.memory_space<hbm>> -> memref<1x640x64xf32, #tpu.memory_space<hbm>>
      %dma_start3A_99 = tpu.memref_squeeze %dma_start3A_98 : memref<1x640x64xf32, #tpu.memory_space<hbm>> -> memref<640x64xf32, #tpu.memory_space<hbm>>
      %dma_start3A_100 = arith.constant 0 : i32
      %dma_start3A_101 = tpu.memref_slice %arg13[%mul3A_93, %dma_start3A_100] : memref<10240x64xf32, #tpu.memory_space<vmem_shared>> -> memref<640x64xf32, #tpu.memory_space<vmem_shared>>
      tpu.enqueue_dma source(%dma_start3A_101 : memref<640x64xf32, #tpu.memory_space<vmem_shared>>) target(%dma_start3A_99 : memref<640x64xf32, #tpu.memory_space<hbm>>) target_semaphore(%run_scoped3A_96 : memref<!tpu.dma_semaphore, #tpu.memory_space<semaphore_mem>>)
      %dma_wait3A_102 = arith.constant 0 : i32
      %dma_wait3A_103 = tpu.memref_slice %arg4[%arg0, %mul3A_95, %dma_wait3A_102] : memref<2x10240x64xf32, #tpu.memory_space<hbm>> -> memref<1x640x64xf32, #tpu.memory_space<hbm>>
      %dma_wait3A_104 = tpu.memref_squeeze %dma_wait3A_103 : memref<1x640x64xf32, #tpu.memory_space<hbm>> -> memref<640x64xf32, #tpu.memory_space<hbm>>
      %dma_wait3A_105 = arith.constant 0 : i32
      %dma_wait3A_106 = tpu.memref_slice %arg13[%mul3A_93, %dma_wait3A_105] : memref<10240x64xf32, #tpu.memory_space<vmem_shared>> -> memref<640x64xf32, #tpu.memory_space<vmem_shared>>
      tpu.wait_dma2 semaphore(%run_scoped3A_96 : memref<!tpu.dma_semaphore, #tpu.memory_space<semaphore_mem>>) src(%dma_wait3A_106 : memref<640x64xf32, #tpu.memory_space<vmem_shared>>) dst(%dma_wait3A_104 : memref<640x64xf32, #tpu.memory_space<hbm>>)
      tpu.yield
    }) : () -> ()
    return
  }
}

module attributes {stable_mosaic.version = 14 : i64} {
  func.func @_tc1_body(%arg0: i32, %arg1: memref<2x2048xf32, #tpu.memory_space<vmem>>, %arg2: memref<2048x128xf32, #tpu.memory_space<vmem>>, %arg3: memref<128x64xf32, #tpu.memory_space<vmem>>, %arg4: memref<2048x64xf32, #tpu.memory_space<vmem>>) attributes {dimension_semantics = [#tpu.dimension_semantics<arbitrary>], iteration_bounds = array<i64: 5>, scalar_prefetch = 0 : i64, scratch_operands = 0 : i64, tpu.core_type = #tpu.core_type<tc>, window_params = [{transform_indices = @transform_0, window_bounds = array<i64: 2, 2048>}, {transform_indices = @transform_1, window_bounds = array<i64: 2048, 128>}, {pipeline_mode = #tpu.pipeline_mode<synchronous>, transform_indices = @transform_2, window_bounds = array<i64: 128, 64>}, {transform_indices = @transform_3, window_bounds = array<i64: 2048, 64>}]} {
    %get3A = arith.constant 0 : index
    %get3A_0 = arith.constant 0 : index
    %get3A_1 = vector.load %arg2[%get3A, %get3A_0] : memref<2048x128xf32, #tpu.memory_space<vmem>>, vector<2048x128xf32>
    %get3A_2 = arith.constant 0 : index
    %get3A_3 = arith.constant 0 : index
    %get3A_4 = vector.load %arg3[%get3A_2, %get3A_3] : memref<128x64xf32, #tpu.memory_space<vmem>>, vector<128x64xf32>
    %dot_general3A = arith.constant dense<0.000000e+00> : vector<2048x64xf32>
    %dot_general3A_5 = tpu.matmul %get3A_1, %get3A_4, %dot_general3A {dimension_numbers = #tpu.dot_dimension_numbers<[1], [0], [0], [1], [0, 0, 1, 1], [], []>, transpose_lhs_hint = false} : vector<2048x128xf32>, vector<128x64xf32>, vector<2048x64xf32> -> vector<2048x64xf32>
    %get3A_6 = arith.constant 0 : index
    %get3A_7 = arith.constant 0 : index
    %get3A_8 = vector.load %arg1[%get3A_6, %get3A_7] : memref<2x2048xf32, #tpu.memory_space<vmem>>, vector<1x2048xf32>
    %get3A_9 = vector.shape_cast %get3A_8 : vector<1x2048xf32> to vector<2048xf32>
    %get3A_10 = arith.constant 1 : index
    %get3A_11 = arith.constant 0 : index
    %get3A_12 = vector.load %arg1[%get3A_10, %get3A_11] : memref<2x2048xf32, #tpu.memory_space<vmem>>, vector<1x2048xf32>
    %get3A_13 = vector.shape_cast %get3A_12 : vector<1x2048xf32> to vector<2048xf32>
    %add3A = arith.addf %get3A_9, %get3A_13 : vector<2048xf32>
    %add3A_14 = arith.constant 1.000000e+00 : f32
    %add3A_15 = vector.broadcast %add3A_14 : f32 to vector<2048xf32>
    %add3A_16 = arith.addf %add3A, %add3A_15 : vector<2048xf32>
    %rsqrt3A = math.rsqrt %add3A_16 : vector<2048xf32>
    %broadcast_in_dim3A = vector.shape_cast %rsqrt3A : vector<2048xf32> to vector<2048x1xf32>
    %mul3A = vector.broadcast %broadcast_in_dim3A : vector<2048x1xf32> to vector<2048x64xf32>
    %mul3A_17 = arith.mulf %dot_general3A_5, %mul3A : vector<2048x64xf32>
    %swap3A = arith.constant 0 : index
    %swap3A_18 = arith.constant 0 : index
    %swap3A_19 = vector.load %arg4[%swap3A, %swap3A_18] : memref<2048x64xf32, #tpu.memory_space<vmem>>, vector<2048x64xf32>
    tpu.vector_store %arg4[%swap3A, %swap3A_18], %mul3A_17 {strides = array<i32>} : memref<2048x64xf32, #tpu.memory_space<vmem>>, vector<2048x64xf32>,
    return
  }
  func.func @transform_0(%arg0: i32) -> (i32, i32) {
    %c0_i32 = arith.constant 0 : i32
    %c0_i32_0 = arith.constant 0 : i32
    return %c0_i32, %arg0 : i32, i32
  }
  func.func @transform_1(%arg0: i32) -> (i32, i32) {
    %c0_i32 = arith.constant 0 : i32
    %c0_i32_0 = arith.constant 0 : i32
    return %arg0, %c0_i32 : i32, i32
  }
  func.func @transform_2(%arg0: i32) -> (i32, i32) {
    %c0_i32 = arith.constant 0 : i32
    %c0_i32_0 = arith.constant 0 : i32
    %c0_i32_1 = arith.constant 0 : i32
    return %c0_i32, %c0_i32_0 : i32, i32
  }
  func.func @transform_3(%arg0: i32) -> (i32, i32) {
    %c0_i32 = arith.constant 0 : i32
    %c0_i32_0 = arith.constant 0 : i32
    return %arg0, %c0_i32 : i32, i32
  }
}

module attributes {stable_mosaic.version = 14 : i64} {
  func.func @_tc2_body(%arg0: i32, %arg1: memref<2x2048x64xf32, #tpu.memory_space<vmem>>, %arg2: memref<2048x64xf32, #tpu.memory_space<vmem>>, %arg3: memref<2x2048xf32, #tpu.memory_space<vmem>>, %arg4: memref<1x64xf32, #tpu.memory_space<vmem>>, %arg5: memref<64x64xf32, #tpu.memory_space<vmem>>, %arg6: memref<2048x64xf32, #tpu.memory_space<vmem>>) attributes {dimension_semantics = [#tpu.dimension_semantics<arbitrary>], iteration_bounds = array<i64: 5>, scalar_prefetch = 0 : i64, scratch_operands = 0 : i64, tpu.core_type = #tpu.core_type<tc>, window_params = [{transform_indices = @transform_0, window_bounds = array<i64: 2, 2048, 64>}, {transform_indices = @transform_1, window_bounds = array<i64: 2048, 64>}, {transform_indices = @transform_2, window_bounds = array<i64: 2, 2048>}, {pipeline_mode = #tpu.pipeline_mode<synchronous>, transform_indices = @transform_3, window_bounds = array<i64: 1, 64>}, {pipeline_mode = #tpu.pipeline_mode<synchronous>, transform_indices = @transform_4, window_bounds = array<i64: 64, 64>}, {transform_indices = @transform_5, window_bounds = array<i64: 2048, 64>}]} {
    %get3A = arith.constant 0 : index
    %get3A_0 = arith.constant 0 : index
    %get3A_1 = vector.load %arg3[%get3A, %get3A_0] : memref<2x2048xf32, #tpu.memory_space<vmem>>, vector<1x2048xf32>
    %get3A_2 = vector.shape_cast %get3A_1 : vector<1x2048xf32> to vector<2048xf32>
    %get3A_3 = arith.constant 1 : index
    %get3A_4 = arith.constant 0 : index
    %get3A_5 = vector.load %arg3[%get3A_3, %get3A_4] : memref<2x2048xf32, #tpu.memory_space<vmem>>, vector<1x2048xf32>
    %get3A_6 = vector.shape_cast %get3A_5 : vector<1x2048xf32> to vector<2048xf32>
    %add3A = arith.addf %get3A_2, %get3A_6 : vector<2048xf32>
    %add3A_7 = arith.constant 1.000000e+00 : f32
    %add3A_8 = vector.broadcast %add3A_7 : f32 to vector<2048xf32>
    %add3A_9 = arith.addf %add3A, %add3A_8 : vector<2048xf32>
    %rsqrt3A = math.rsqrt %add3A_9 : vector<2048xf32>
    %broadcast_in_dim3A = vector.shape_cast %rsqrt3A : vector<2048xf32> to vector<2048x1xf32>
    %get3A_10 = arith.constant 0 : index
    %get3A_11 = arith.constant 0 : index
    %get3A_12 = arith.constant 0 : index
    %get3A_13 = vector.load %arg1[%get3A_10, %get3A_11, %get3A_12] : memref<2x2048x64xf32, #tpu.memory_space<vmem>>, vector<1x2048x64xf32>
    %get3A_14 = vector.shape_cast %get3A_13 : vector<1x2048x64xf32> to vector<2048x64xf32>
    %get3A_15 = arith.constant 1 : index
    %get3A_16 = arith.constant 0 : index
    %get3A_17 = arith.constant 0 : index
    %get3A_18 = vector.load %arg1[%get3A_15, %get3A_16, %get3A_17] : memref<2x2048x64xf32, #tpu.memory_space<vmem>>, vector<1x2048x64xf32>
    %get3A_19 = vector.shape_cast %get3A_18 : vector<1x2048x64xf32> to vector<2048x64xf32>
    %add3A_20 = arith.addf %get3A_14, %get3A_19 : vector<2048x64xf32>
    %get3A_21 = arith.constant 0 : index
    %get3A_22 = arith.constant 0 : index
    %get3A_23 = vector.load %arg2[%get3A_21, %get3A_22] : memref<2048x64xf32, #tpu.memory_space<vmem>>, vector<2048x64xf32>
    %add3A_24 = arith.addf %add3A_20, %get3A_23 : vector<2048x64xf32>
    %mul3A = vector.broadcast %broadcast_in_dim3A : vector<2048x1xf32> to vector<2048x64xf32>
    %mul3A_25 = arith.mulf %mul3A, %add3A_24 : vector<2048x64xf32>
    %get3A_26 = arith.constant 0 : index
    %get3A_27 = arith.constant 0 : index
    %get3A_28 = vector.load %arg4[%get3A_26, %get3A_27] : memref<1x64xf32, #tpu.memory_space<vmem>>, vector<1x64xf32>
    %add3A_29 = vector.broadcast %get3A_28 : vector<1x64xf32> to vector<2048x64xf32>
    %add3A_30 = arith.addf %mul3A_25, %add3A_29 : vector<2048x64xf32>
    %max3A = arith.constant 0.000000e+00 : f32
    %max3A_31 = vector.broadcast %max3A : f32 to vector<2048x64xf32>
    %max3A_32 = arith.maximumf %add3A_30, %max3A_31 : vector<2048x64xf32>
    %get3A_33 = arith.constant 0 : index
    %get3A_34 = arith.constant 0 : index
    %get3A_35 = vector.load %arg5[%get3A_33, %get3A_34] : memref<64x64xf32, #tpu.memory_space<vmem>>, vector<64x64xf32>
    %dot_general3A = arith.constant dense<0.000000e+00> : vector<2048x64xf32>
    %dot_general3A_36 = tpu.matmul %max3A_32, %get3A_35, %dot_general3A {dimension_numbers = #tpu.dot_dimension_numbers<[1], [0], [0], [1], [0, 0, 1, 1], [], []>, transpose_lhs_hint = false} : vector<2048x64xf32>, vector<64x64xf32>, vector<2048x64xf32> -> vector<2048x64xf32>
    %mul3A_37 = vector.broadcast %broadcast_in_dim3A : vector<2048x1xf32> to vector<2048x64xf32>
    %mul3A_38 = arith.mulf %dot_general3A_36, %mul3A_37 : vector<2048x64xf32>
    %swap3A = arith.constant 0 : index
    %swap3A_39 = arith.constant 0 : index
    %swap3A_40 = vector.load %arg6[%swap3A, %swap3A_39] : memref<2048x64xf32, #tpu.memory_space<vmem>>, vector<2048x64xf32>
    tpu.vector_store %arg6[%swap3A, %swap3A_39], %mul3A_38 {strides = array<i32>} : memref<2048x64xf32, #tpu.memory_space<vmem>>, vector<2048x64xf32>,
    return
  }
  func.func @transform_0(%arg0: i32) -> (i32, i32, i32) {
    %c0_i32 = arith.constant 0 : i32
    %c0_i32_0 = arith.constant 0 : i32
    %c0_i32_1 = arith.constant 0 : i32
    return %c0_i32, %arg0, %c0_i32_0 : i32, i32, i32
  }
  func.func @transform_1(%arg0: i32) -> (i32, i32) {
    %c0_i32 = arith.constant 0 : i32
    %c0_i32_0 = arith.constant 0 : i32
    return %arg0, %c0_i32 : i32, i32
  }
  func.func @transform_2(%arg0: i32) -> (i32, i32) {
    %c0_i32 = arith.constant 0 : i32
    %c0_i32_0 = arith.constant 0 : i32
    return %c0_i32, %arg0 : i32, i32
  }
  func.func @transform_3(%arg0: i32) -> (i32, i32) {
    %c0_i32 = arith.constant 0 : i32
    %c0_i32_0 = arith.constant 0 : i32
    %c0_i32_1 = arith.constant 0 : i32
    return %c0_i32, %c0_i32_0 : i32, i32
  }
  func.func @transform_4(%arg0: i32) -> (i32, i32) {
    %c0_i32 = arith.constant 0 : i32
    %c0_i32_0 = arith.constant 0 : i32
    %c0_i32_1 = arith.constant 0 : i32
    return %c0_i32, %c0_i32_0 : i32, i32
  }
  func.func @transform_5(%arg0: i32) -> (i32, i32) {
    %c0_i32 = arith.constant 0 : i32
    %c0_i32_0 = arith.constant 0 : i32
    return %arg0, %c0_i32 : i32, i32
  }
}

module attributes {stable_mosaic.version = 14 : i64} {
  func.func @_tc3_body(%arg0: i32, %arg1: memref<2x2048x64xf32, #tpu.memory_space<vmem>>, %arg2: memref<2048x64xf32, #tpu.memory_space<vmem>>, %arg3: memref<2x2048xf32, #tpu.memory_space<vmem>>, %arg4: memref<1x64xf32, #tpu.memory_space<vmem>>, %arg5: memref<64x64xf32, #tpu.memory_space<vmem>>, %arg6: memref<1x64xf32, #tpu.memory_space<vmem>>, %arg7: memref<64x10xf32, #tpu.memory_space<vmem>>, %arg8: memref<1x10xf32, #tpu.memory_space<vmem>>, %arg9: memref<2048x10xf32, #tpu.memory_space<vmem>>) attributes {dimension_semantics = [#tpu.dimension_semantics<arbitrary>], iteration_bounds = array<i64: 5>, scalar_prefetch = 0 : i64, scratch_operands = 0 : i64, tpu.core_type = #tpu.core_type<tc>, window_params = [{transform_indices = @transform_0, window_bounds = array<i64: 2, 2048, 64>}, {transform_indices = @transform_1, window_bounds = array<i64: 2048, 64>}, {transform_indices = @transform_2, window_bounds = array<i64: 2, 2048>}, {pipeline_mode = #tpu.pipeline_mode<synchronous>, transform_indices = @transform_3, window_bounds = array<i64: 1, 64>}, {pipeline_mode = #tpu.pipeline_mode<synchronous>, transform_indices = @transform_4, window_bounds = array<i64: 64, 64>}, {pipeline_mode = #tpu.pipeline_mode<synchronous>, transform_indices = @transform_5, window_bounds = array<i64: 1, 64>}, {pipeline_mode = #tpu.pipeline_mode<synchronous>, transform_indices = @transform_6, window_bounds = array<i64: 64, 10>}, {pipeline_mode = #tpu.pipeline_mode<synchronous>, transform_indices = @transform_7, window_bounds = array<i64: 1, 10>}, {transform_indices = @transform_8, window_bounds = array<i64: 2048, 10>}]} {
    %get3A = arith.constant 0 : index
    %get3A_0 = arith.constant 0 : index
    %get3A_1 = vector.load %arg3[%get3A, %get3A_0] : memref<2x2048xf32, #tpu.memory_space<vmem>>, vector<1x2048xf32>
    %get3A_2 = vector.shape_cast %get3A_1 : vector<1x2048xf32> to vector<2048xf32>
    %get3A_3 = arith.constant 1 : index
    %get3A_4 = arith.constant 0 : index
    %get3A_5 = vector.load %arg3[%get3A_3, %get3A_4] : memref<2x2048xf32, #tpu.memory_space<vmem>>, vector<1x2048xf32>
    %get3A_6 = vector.shape_cast %get3A_5 : vector<1x2048xf32> to vector<2048xf32>
    %add3A = arith.addf %get3A_2, %get3A_6 : vector<2048xf32>
    %add3A_7 = arith.constant 1.000000e+00 : f32
    %add3A_8 = vector.broadcast %add3A_7 : f32 to vector<2048xf32>
    %add3A_9 = arith.addf %add3A, %add3A_8 : vector<2048xf32>
    %rsqrt3A = math.rsqrt %add3A_9 : vector<2048xf32>
    %broadcast_in_dim3A = vector.shape_cast %rsqrt3A : vector<2048xf32> to vector<2048x1xf32>
    %get3A_10 = arith.constant 0 : index
    %get3A_11 = arith.constant 0 : index
    %get3A_12 = arith.constant 0 : index
    %get3A_13 = vector.load %arg1[%get3A_10, %get3A_11, %get3A_12] : memref<2x2048x64xf32, #tpu.memory_space<vmem>>, vector<1x2048x64xf32>
    %get3A_14 = vector.shape_cast %get3A_13 : vector<1x2048x64xf32> to vector<2048x64xf32>
    %get3A_15 = arith.constant 1 : index
    %get3A_16 = arith.constant 0 : index
    %get3A_17 = arith.constant 0 : index
    %get3A_18 = vector.load %arg1[%get3A_15, %get3A_16, %get3A_17] : memref<2x2048x64xf32, #tpu.memory_space<vmem>>, vector<1x2048x64xf32>
    %get3A_19 = vector.shape_cast %get3A_18 : vector<1x2048x64xf32> to vector<2048x64xf32>
    %add3A_20 = arith.addf %get3A_14, %get3A_19 : vector<2048x64xf32>
    %get3A_21 = arith.constant 0 : index
    %get3A_22 = arith.constant 0 : index
    %get3A_23 = vector.load %arg2[%get3A_21, %get3A_22] : memref<2048x64xf32, #tpu.memory_space<vmem>>, vector<2048x64xf32>
    %add3A_24 = arith.addf %add3A_20, %get3A_23 : vector<2048x64xf32>
    %mul3A = vector.broadcast %broadcast_in_dim3A : vector<2048x1xf32> to vector<2048x64xf32>
    %mul3A_25 = arith.mulf %mul3A, %add3A_24 : vector<2048x64xf32>
    %get3A_26 = arith.constant 0 : index
    %get3A_27 = arith.constant 0 : index
    %get3A_28 = vector.load %arg4[%get3A_26, %get3A_27] : memref<1x64xf32, #tpu.memory_space<vmem>>, vector<1x64xf32>
    %add3A_29 = vector.broadcast %get3A_28 : vector<1x64xf32> to vector<2048x64xf32>
    %add3A_30 = arith.addf %mul3A_25, %add3A_29 : vector<2048x64xf32>
    %max3A = arith.constant 0.000000e+00 : f32
    %max3A_31 = vector.broadcast %max3A : f32 to vector<2048x64xf32>
    %max3A_32 = arith.maximumf %add3A_30, %max3A_31 : vector<2048x64xf32>
    %get3A_33 = arith.constant 0 : index
    %get3A_34 = arith.constant 0 : index
    %get3A_35 = vector.load %arg5[%get3A_33, %get3A_34] : memref<64x64xf32, #tpu.memory_space<vmem>>, vector<64x64xf32>
    %dot_general3A = arith.constant dense<0.000000e+00> : vector<2048x64xf32>
    %dot_general3A_36 = tpu.matmul %max3A_32, %get3A_35, %dot_general3A {dimension_numbers = #tpu.dot_dimension_numbers<[1], [0], [0], [1], [0, 0, 1, 1], [], []>, transpose_lhs_hint = false} : vector<2048x64xf32>, vector<64x64xf32>, vector<2048x64xf32> -> vector<2048x64xf32>
    %get3A_37 = arith.constant 0 : index
    %get3A_38 = arith.constant 0 : index
    %get3A_39 = vector.load %arg6[%get3A_37, %get3A_38] : memref<1x64xf32, #tpu.memory_space<vmem>>, vector<1x64xf32>
    %add3A_40 = vector.broadcast %get3A_39 : vector<1x64xf32> to vector<2048x64xf32>
    %add3A_41 = arith.addf %dot_general3A_36, %add3A_40 : vector<2048x64xf32>
    %max3A_42 = arith.constant 0.000000e+00 : f32
    %max3A_43 = vector.broadcast %max3A_42 : f32 to vector<2048x64xf32>
    %max3A_44 = arith.maximumf %add3A_41, %max3A_43 : vector<2048x64xf32>
    %get3A_45 = arith.constant 0 : index
    %get3A_46 = arith.constant 0 : index
    %get3A_47 = vector.load %arg7[%get3A_45, %get3A_46] : memref<64x10xf32, #tpu.memory_space<vmem>>, vector<64x10xf32>
    %dot_general3A_48 = arith.constant dense<0.000000e+00> : vector<2048x10xf32>
    %dot_general3A_49 = tpu.matmul %max3A_44, %get3A_47, %dot_general3A_48 {dimension_numbers = #tpu.dot_dimension_numbers<[1], [0], [0], [1], [0, 0, 1, 1], [], []>, transpose_lhs_hint = false} : vector<2048x64xf32>, vector<64x10xf32>, vector<2048x10xf32> -> vector<2048x10xf32>
    %get3A_50 = arith.constant 0 : index
    %get3A_51 = arith.constant 0 : index
    %get3A_52 = vector.load %arg8[%get3A_50, %get3A_51] : memref<1x10xf32, #tpu.memory_space<vmem>>, vector<1x10xf32>
    %add3A_53 = vector.broadcast %get3A_52 : vector<1x10xf32> to vector<2048x10xf32>
    %add3A_54 = arith.addf %dot_general3A_49, %add3A_53 : vector<2048x10xf32>
    %reduce_max3A = arith.constant dense<0xFF800000> : vector<2048xf32>
    %reduce_max3A_55 = vector.multi_reduction <maximumf>, %add3A_54, %reduce_max3A [1] : vector<2048x10xf32> to vector<2048xf32>
    %broadcast_in_dim3A_56 = vector.shape_cast %reduce_max3A_55 : vector<2048xf32> to vector<2048x1xf32>
    %sub3A = vector.broadcast %broadcast_in_dim3A_56 : vector<2048x1xf32> to vector<2048x10xf32>
    %sub3A_57 = arith.subf %add3A_54, %sub3A : vector<2048x10xf32>
    %exp3A = math.exp %sub3A_57 : vector<2048x10xf32>
    %reduce_sum3A = arith.constant dense<0.000000e+00> : vector<2048xf32>
    %reduce_sum3A_58 = vector.multi_reduction <add>, %exp3A, %reduce_sum3A [1] : vector<2048x10xf32> to vector<2048xf32>
    %broadcast_in_dim3A_59 = vector.shape_cast %reduce_sum3A_58 : vector<2048xf32> to vector<2048x1xf32>
    %div3A = vector.broadcast %broadcast_in_dim3A_59 : vector<2048x1xf32> to vector<2048x10xf32>
    %div3A_60 = arith.divf %exp3A, %div3A : vector<2048x10xf32>
    %swap3A = arith.constant 0 : index
    %swap3A_61 = arith.constant 0 : index
    %swap3A_62 = vector.load %arg9[%swap3A, %swap3A_61] : memref<2048x10xf32, #tpu.memory_space<vmem>>, vector<2048x10xf32>
    tpu.vector_store %arg9[%swap3A, %swap3A_61], %div3A_60 {strides = array<i32>} : memref<2048x10xf32, #tpu.memory_space<vmem>>, vector<2048x10xf32>,
    return
  }
  func.func @transform_0(%arg0: i32) -> (i32, i32, i32) {
    %c0_i32 = arith.constant 0 : i32
    %c0_i32_0 = arith.constant 0 : i32
    %c0_i32_1 = arith.constant 0 : i32
    return %c0_i32, %arg0, %c0_i32_0 : i32, i32, i32
  }
  func.func @transform_1(%arg0: i32) -> (i32, i32) {
    %c0_i32 = arith.constant 0 : i32
    %c0_i32_0 = arith.constant 0 : i32
    return %arg0, %c0_i32 : i32, i32
  }
  func.func @transform_2(%arg0: i32) -> (i32, i32) {
    %c0_i32 = arith.constant 0 : i32
    %c0_i32_0 = arith.constant 0 : i32
    return %c0_i32, %arg0 : i32, i32
  }
  func.func @transform_3(%arg0: i32) -> (i32, i32) {
    %c0_i32 = arith.constant 0 : i32
    %c0_i32_0 = arith.constant 0 : i32
    %c0_i32_1 = arith.constant 0 : i32
    return %c0_i32, %c0_i32_0 : i32, i32
  }
  func.func @transform_4(%arg0: i32) -> (i32, i32) {
    %c0_i32 = arith.constant 0 : i32
    %c0_i32_0 = arith.constant 0 : i32
    %c0_i32_1 = arith.constant 0 : i32
    return %c0_i32, %c0_i32_0 : i32, i32
  }
  func.func @transform_5(%arg0: i32) -> (i32, i32) {
    %c0_i32 = arith.constant 0 : i32
    %c0_i32_0 = arith.constant 0 : i32
    %c0_i32_1 = arith.constant 0 : i32
    return %c0_i32, %c0_i32_0 : i32, i32
  }
  func.func @transform_6(%arg0: i32) -> (i32, i32) {
    %c0_i32 = arith.constant 0 : i32
    %c0_i32_0 = arith.constant 0 : i32
    %c0_i32_1 = arith.constant 0 : i32
    return %c0_i32, %c0_i32_0 : i32, i32
  }
  func.func @transform_7(%arg0: i32) -> (i32, i32) {
    %c0_i32 = arith.constant 0 : i32
    %c0_i32_0 = arith.constant 0 : i32
    %c0_i32_1 = arith.constant 0 : i32
    return %c0_i32, %c0_i32_0 : i32, i32
  }
  func.func @transform_8(%arg0: i32) -> (i32, i32) {
    %c0_i32 = arith.constant 0 : i32
    %c0_i32_0 = arith.constant 0 : i32
    return %arg0, %c0_i32 : i32, i32
  }
}

</mosaic_0001>

<sc_bundles>
// kernel: kernel.11.cloned.1.call-start
scs
__scs_entry_jumppad:
0x0: {  	(pc) =	sbr.rel $0x88, $3  }
0x1: {  	(tag) =	ssettag $0x0;
	lr =	simm.s32 $0x1  }
0x2: {  	[smem:$0x3F97] =	sst lr;
	_ =	strace $0xD0000000  }
0x3: {  	_ = 	snop  }
0x4: {  	_ = 	snop  }
0x5: {  	_ = 	snop  }
0x6: {  	_ = 	snop  }
0x7: {  	_ = 	snop  }
__scs_overlays_trampoline_lowered:
0x8: {  	[smem:$0x3FA6] =	sst s0  }
0x9: {  	[smem:$0x3FA7] =	sst s1  }
0xa: {  	[smem:$0x3FA8] =	sst s2  }
0xb: {  	[smem:$0x3FA9] =	sst s3  }
0xc: {  	[smem:$0x3FAA] =	sst s4  }
0xd: {  	[smem:$0x3FAB] =	sst s5  }
0xe: {  	[smem:$0x3FAC] =	sst s6  }
0xf: {  	[smem:$0x3FAD] =	sst s7  }
0x10: {  	[smem:$0x3FAE] =	sst s8  }
0x11: {  	[smem:$0x3FAF] =	sst s9;
	s0 =	simm.s32 @!p0 $0x0  }
0x12: {  	s1 =	sld [smem:$0x3F95];
	s0 =	simm.s32 @p0 $0x1  }
0x13: {  	[smem:$0x3FB0] =	sst s0;
	s0 =	simm.s32 @!p1 $0x0  }
0x14: {  	s2 =	sld [smem:$0x3F94];
	s0 =	simm.s32 @p1 $0x1  }
0x15: {  	[smem:$0x3FB1] =	sst s0;
	s0 =	simm.s32 @!p2 $0x0  }
0x16: {  	s3 =	sld [smem:$0x3FDB];
	s0 =	simm.s32 @p2 $0x1  }
0x17: {  	s4 =	simm.s32 $0x1BF5;
	[smem:$0x3FB3] =	sst s0  }
0x18: {  	s0 =	sld [smem:$0x3F96];
	_ =	swait.ge [sflag:s4], $0x0  }
0x19: {  	s7 =	sld [smem:$0x3F97]  }
0x1a: {  	s8 =	sadd.s32 $0xFFFFE003, lr  }
0x1b: {  	s9 =	sadd.s32 $0xFFFFFEF7, lr;
	s5 =	simm.s32 $0xFFFFFFFF;
	p2 =	slt.u32 s8, $0xFFFFF086  }
0x1c: {  	p1 =	slt.u32 s9, $0xF7A;
	s5 =	simm.s32 @!p2 $0x0  }
0x1d: {  	s5 =	simm.s32 @p1 $0x1;
	p0 =	seq.s32 s7, s2  }
0x1e: {  	s7 =	smul.u32 @!p0 $0xF7A, s2;
	p2 =	seq.s32 @!p0 s5, $0x0  }
0x1f: {  	s9 =	smul.u32 $0xF7A, s1;
	s8 =	simm.s32 @!p0 $0x1BF5;
	p2 =	por !p2, p0  }
0x20: {  	[sflag:s8] =	ssyncset.s32 @!p0 $0xFFFFF086;
	s6 =	sadd.s32 @!p0 s3, s7;
	s7 =	simm.s32 @!p0 $0x108  }
0x21: {  	s3 =	sadd.s32 s3, s9;
	s6 =	sadd.s32 @!p0 $0x88, s6;
	s7 =	simm.s32 @p2 $0x1082  }
0x22: {  	[simem:s7], [sflag:s8] =	dma.local @!p0 [hbm:s6], $0xF7A  }
0x23: {  	s9 =	sor.u32 $0xD0000000, s2;
	s6 =	simm.s32 $0x108;
	_ =	swait.ge @!p0 [sflag:s8], $0x0  }
0x24: {  	s3 =	sadd.s32 $0x88, s3;
	s6 =	simm.s32 @!p1 $0x1082;
	[sflag:s4] =	ssyncset.s32 $0xFFFFF086  }
0x25: {  	[simem:s6], [sflag:s4] =	dma.local [hbm:s3], $0xF7A  }
0x26: {  	[smem:$0x3F97] =	sst s1;
	(tag) =	ssettag s2;
	_ =	strace s9  }
0x27: {  	s1 =	sld [smem:$0x3FA7]  }
0x28: {  	s2 =	sld [smem:$0x3FA8]  }
0x29: {  	s4 =	sld [smem:$0x3FAA]  }
0x2a: {  	p0 =	seq.s32 s5, $0x0;
	s5 =	sld [smem:$0x3FAB]  }
0x2b: {  	s6 =	sld [smem:$0x3FAC]  }
0x2c: {  	s7 =	sld [smem:$0x3FAD]  }
0x2d: {  	s3 =	simm.s32 $0x108;
	s8 =	sld [smem:$0x3FAE]  }
0x2e: {  	s3 =	simm.s32 @!p0 $0x1082;
	s9 =	sld [smem:$0x3FAF]  }
0x2f: {  	lr =	sadd.s32 s0, s3;
	s0 =	sld [smem:$0x3FA6]  }
0x30: {  	s3 =	sld [smem:$0x3FA9]  }
0x31: {  	[smem:$0x3FB2] =	sst s10  }
0x32: {  	s10 =	sld [smem:$0x3FB0];
	_ =	sdelay $0x3  }
0x33: {  	p0 =	seq.s32 s10, $0x1;
	s10 =	sld [smem:$0x3FB2];
	_ =	sdelay $0x3  }
0x34: {  	[smem:$0x3FB2] =	sst s10  }
0x35: {  	s10 =	sld [smem:$0x3FB1];
	_ =	sdelay $0x3  }
0x36: {  	p1 =	seq.s32 s10, $0x1;
	s10 =	sld [smem:$0x3FB2];
	_ =	sdelay $0x3  }
0x37: {  	[smem:$0x3FB2] =	sst s10  }
0x38: {  	s10 =	sld [smem:$0x3FB3]  }
0x39: {  	_ = 	snop;
	(pc) =	sbr.ind lr, $3  }
0x3a: {  	_ = 	snop  }
0x3b: {  	_ = 	snop  }
0x3c: {  	p2 =	seq.s32 s10, $0x1;
	s10 =	sld [smem:$0x3FB2]  }
0x3d: {  	_ =	shalt  }
0x3e: {  	_ =	shalt  }
0x3f: {  	_ =	shalt  }
0x40: {  	_ =	shalt  }
0x41: {  	_ =	shalt  }
0x42: {  	_ =	shalt  }
0x43: {  	_ =	shalt  }
0x44: {  	_ =	shalt  }
0x45: {  	_ =	shalt  }
0x46: {  	_ =	shalt  }
0x47: {  	_ =	shalt  }
0x48: {  	_ =	shalt  }
0x49: {  	_ =	shalt  }
0x4a: {  	_ =	shalt  }
0x4b: {  	_ =	shalt  }
0x4c: {  	_ =	shalt  }
0x4d: {  	_ =	shalt  }
0x4e: {  	_ =	shalt  }
0x4f: {  	_ =	shalt  }
0x50: {  	_ =	shalt  }
0x51: {  	_ =	shalt  }
0x52: {  	_ =	shalt  }
0x53: {  	_ =	shalt  }
0x54: {  	_ =	shalt  }
0x55: {  	_ =	shalt  }
0x56: {  	_ =	shalt  }
0x57: {  	_ =	shalt  }
0x58: {  	_ =	shalt  }
0x59: {  	_ =	shalt  }
0x5a: {  	_ =	shalt  }
0x5b: {  	_ =	shalt  }
0x5c: {  	_ =	shalt  }
0x5d: {  	_ =	shalt  }
0x5e: {  	_ =	shalt  }
0x5f: {  	_ =	shalt  }
0x60: {  	_ =	shalt  }
0x61: {  	_ =	shalt  }
0x62: {  	_ =	shalt  }
0x63: {  	_ =	shalt  }
0x64: {  	_ =	shalt  }
0x65: {  	_ =	shalt  }
0x66: {  	_ =	shalt  }
0x67: {  	_ =	shalt  }
0x68: {  	_ =	shalt  }
0x69: {  	_ =	shalt  }
0x6a: {  	_ =	shalt  }
0x6b: {  	_ =	shalt  }
0x6c: {  	_ =	shalt  }
0x6d: {  	_ =	shalt  }
0x6e: {  	_ =	shalt  }
0x6f: {  	_ =	shalt  }
0x70: {  	_ =	shalt  }
0x71: {  	_ =	shalt  }
0x72: {  	_ =	shalt  }
0x73: {  	_ =	shalt  }
0x74: {  	_ =	shalt  }
0x75: {  	_ =	shalt  }
0x76: {  	_ =	shalt  }
0x77: {  	_ =	shalt  }
0x78: {  	_ =	shalt  }
0x79: {  	_ =	shalt  }
0x7a: {  	_ =	shalt  }
0x7b: {  	_ =	shalt  }
0x7c: {  	_ =	shalt  }
0x7d: {  	_ =	shalt  }
0x7e: {  	_ =	shalt  }
0x7f: {  	_ =	shalt  }
0x80: {  	_ =	shalt  }
0x81: {  	_ =	shalt  }
0x82: {  	_ =	shalt  }
0x83: {  	_ =	shalt  }
0x84: {  	_ =	shalt  }
0x85: {  	_ =	shalt  }
0x86: {  	_ =	shalt  }
0x87: {  	_ =	shalt  }
.Lfunc_end0:
.L_simem_size_0:
called_computation.1_lowered:
.L_overlay_start_0:
0x88: {  	s2 =	sld [smem:$0x3FD9]  }
0x89: {  	s3 =	sld [smem:$0x3FFE];
	_ =	sdelay $0x1  }
0x8a: {  	s1 =	srdreg.scid  }
0x8b: {  	s0 =	sand.u32 $0x1, s1  }
0x8c: {  	s16 =	sshll.u32 s0, $0xA;
	s2 =	sadd.s32 s3, s2  }
0x8d: {  	s2 =	sadd.s32 s2, s16  }
0x8e: {  	[smem:$0x3FBE] =	sst s2  }
0x8f: {  	_ = 	snop  }
0x90: {  	(tm) =	ssettm $0x1  }
0x91: {  	s17 =	sld [smem:$0x3FFB];
	_ =	sdelay $0x3  }
0x92: {  	_ =	strace s17  }
0x93: {  	s2 =	sld [smem:$0x3FFC];
	_ =	sdelay $0x3  }
0x94: {  	_ =	strace s2  }
0x95: {  	s2 =	sld [smem:$0x3FFD];
	_ =	sdelay $0x3  }
0x96: {  	_ =	strace s2  }
0x97: {  	_ =	strace $0x8FFFFFFF  }
0x98: {  	s18 =	sld [smem:$0x3FDB];
	_ =	sdelay $0x1  }
0x99: {  	s19 =	simm.s32 $_scs_section_size  }
0x9a: {  	s4 =	simm.s32 $_size__tile_overlayer_lowered;
	s5 =	simm.s32 $_tile_overlayer_lowered  }
0x9b: {  	s22 =	simm.s32 $0x1BFF;
	s21 =	sshll.u32 s5, $0x1;
	s2 =	sadd.s32 s19, s18  }
0x9c: {  	s6 =	simm.s32 $0x0;
	s20 =	sshll.u32 s4, $0x1;
	s4 =	sadd.s32 s21, s2  }
0x9d: {  	[timem:s6], [sflag:s22] =	dma.local [hbm:s4], s20  }
0x9e: {  	_ =	swait.ge [sflag:s22], s20  }
0x9f: {  	s3 =	ssub.s32 $0x0, s20;
	[sflag:s22] =	ssyncset.done $0x0  }
0xa0: {  	[sflag:s22] =	ssyncadd.s32 s3;
	_ =	sdelay $0x1  }
0xa1: {  	s23 =	simm.s32 $0x1B8B  }
0xa2: {  	_ =	swait.ge [sflag:s23], $0x1  }
0xa3: {  	[sflag:s23] =	ssyncset.done $0x0  }
0xa4: {  	s25 =	simm.s32 $0x1B8E;
	s24 =	sld [smem:$0x3FFE];
	[sflag:s23] =	ssyncadd.s32 $0xFFFFFFFF  }
0xa5: {  	s26 =	simm.s32 $execute0_lowered;
	[smem:$0x3FD2] =	sst s25  }
0xa6: {  	s4 =	sshll.u32 s26, $0x1;
	_ =	strace $0x80000049;
	[dreg:$0x1] =	wrdreg $0xFFFFFFFF  }
0xa7: {  	s28 =	simm.s32 $_size_execute0_lowered;
	s2 =	sadd.s32 s2, s4;
	[dreg:$0x0] =	wrdreg $0x0  }
0xa8: {  	s4 =	sshll.u32 s28, $0x1;
	[dreg:$0x2] =	wrdreg s2  }
0xa9: {  	[dreg:$0x3] =	wrdreg s4  }
0xaa: {  	[dreg:$0x4] =	wrdreg $0xC0  }
0xab: {  	_ =	task [dreg:s6], $0x5FFFF  }
0xac: {  	[dreg:$0x1] =	wrdreg $0xFFFFFFFF  }
0xad: {  	[dreg:$0x0] =	wrdreg $0x60  }
0xae: {  	[dreg:$0x2] =	wrdreg s24  }
0xaf: {  	[dreg:$0x3] =	wrdreg $0x10C400  }
0xb0: {  	[dreg:$0x4] =	wrdreg $0x9  }
0xb1: {  	_ =	task.clear_ibuf [dreg:s6], $0x5FFFF;
	_ =	strace $0x90000049  }
0xb2: {  	s29 =	simm.s32 $0x9;
	_ =	strace $0x8000004B  }
0xb3: {  	_ =	swait.ge [sflag:s29], $0x1  }
0xb4: {  	[sflag:s29] =	ssyncadd.s32 $0xFFFFFFFF  }
0xb5: {  	_ =	strace $0x9000004B  }
0xb6: {  	_ =	sfence  }
0xb7: {  	s30 =	sld [smem:$0x0];
	_ =	sdelay $0x2  }
0xb8: {  	s31 =	sshll.u32 s1, $0xD;
	s1 =	sshrl.u32 s1, $0x2  }
0xb9: {  	s3 =	sand.u32 $0x4000, s31;
	s1 =	sadd.s32 s1, s30  }
0xba: {  	s0 =	sor.u32 s3, s0;
	s1 =	sshll.u32 s1, $0x11  }
0xbb: {  	s0 =	sor.u32 s1, s0  }
0xbc: {  	s0 =	sadd.s32 $0x8F2B, s0  }
0xbd: {  	[sflag:s0] =	ssyncadd.remote.s32 $0x1  }
0xbe: {  	_ =	sfence.sel $0xFFFF  }
0xbf: {  	[dreg:$0x0] =	wrdreg $0xFFFFFFFF;
	(pc) =	sbr.abs _section_cstart, $3  }
0xc0: {  	[dreg:$0x1] =	wrdreg $0xFFFFFFFF  }
0xc1: {  	_ =	task.clear_ibuf [dreg:s6], $0x2FFFF;
	_ =	strace $0x9FFFFFFF  }
0xc2: {  	(tm) =	ssettm $0x7FFFFFFF  }
0xc3: {  	_ =	shalt  }
tec
execute0_lowered:
.L_overlay_start_1:
0x0: {  	(tag) =	ssettag $0x1  }
0x1: {  	s0 =	srdreg.scid;
	s1 =	rddreg [dreg:$0x0]  }
0x2: {  	s7 =	stileid.u32;
	s2 =	rddreg [dreg:$0x1]  }
0x3: {  	s4 =	simm.s32 $0x0;
	s14 =	simm.s32 $0xEC40;
	s15 =	simm.s32 $0xB  }
0x4: {  	s17 =	simm.s32 $0x7D;
	s18 =	simm.s32 $0x5000;
	s20 =	simm.s32 $0x6F40  }
0x5: {  	s22 =	simm.s32 $0x8E80;
	s24 =	simm.s32 $0xADC0;
	s28 =	simm.s32 $0xCD00  }
0x6: {  	s29 =	simm.s32 $0x1;
	s30 =	simm.s32 $0x2;
	s31 =	simm.s32 $0x3  }
0x7: {  	s16 =	simm.s32 $0x6;
	s19 =	simm.s32 $0x7;
	s21 =	simm.s32 $0x8  }
0x8: {  	s23 =	simm.s32 $0x9;
	s0 =	sand.u32 $0x1, s0;
	s6 =	smul.u32 $0xA000, s7  }
0x9: {  	s3 =	sshll.u32 s7, $0x1;
	[smem:$0x7FF] =	sst s4;
	s7 =	smul.u32 $0x28000, s7  }
0xa: {  	s4 =	sadd.s32 $0x16400, s1;
	s3 =	sor.u32 s0, s3;
	s5 =	smul.u32 $0xA0000, s0  }
0xb: {  	_ =	strace $0x8000004A;
	s0 =	ssub.s32 $0x2, s0;
	s3 =	smul.u32 $0x2800, s3  }
0xc: {  	s8 =	sshrl.u32 s0, $0x1;
	s7 =	sshrl.u32 s7, $0x2;
	s26 =	sadd.s32 s6, s2  }
0xd: {  	s5 =	sadd.s32 s6, s5;
	s0 =	ssub.s32 s0, s8;
	s3 =	sshrl.u32 s3, $0x3  }
0xe: {  	s5 =	sshrl.u32 s5, $0x3;
	s0 =	smax.u32 s0, $0x1;
	s3 =	sadd.s32 s3, s1  }
0xf: {  	s1 =	sadd.s32 s5, s1;
	s5 =	sadd.s32 s7, s2;
	[dreg:$0x6] =	wrdreg s0  }
0x10: {  	s0 =	simm.s32 $0x5;
	s25 =	sadd.s32 $0x2400, s3;
	s3 =	sadd.s32 $0xC400, s3  }
0x11: {  	s1 =	sadd.s32 $0x2A400, s1;
	s10 =	sadd.s32 $0x2000, s5;
	[dreg:$0x3] =	wrdreg s25  }
0x12: {  	s11 =	sadd.s32 $0x4000, s5;
	s12 =	sadd.s32 $0x6000, s5;
	[dreg:$0x4] =	wrdreg s3  }
0x13: {  	s13 =	sadd.s32 $0x8000, s5;
	[dreg:$0x5] =	wrdreg s1;
	s25 =	sshrl.u32 s26, $0x3  }
0x14: {  	v0 =	vimm.f32 $0.0e+00;
	s1 =	simm.s32 $0x4;
	s26 =	simm.s32 $0xA;
	s3 =	simm.s32 $0x0  }
.LBB2_1:
0x15: {  	s7 =	simm.s32 $0x0  }
0x16: {  	s6 =	sand.u32 $0x7F00, s7  }
0x17: {  	s7 =	sand.u32 $0x30, s7;
	s8 =	sshrl.u32 s6, $0x2  }
0x18: {  	s6 =	simm.s32 $0x40;
	s8 =	sor.u32 s7, s8;
	s7 =	simm.s32 $0x0  }
.LBB2_2:
0x19: {  	p0 =	sne.s32 s6, $0x7FC0  }
0x1a: {  	[tilespmem:s8+$0xEC40] =	vst v0;
	s7 =	sadd.s32 $0x10, s7;
	s8 =	smov.u32 s6;
	s6 =	sadd.s32 $0x40, s6  }
.Ltmp0:
0x1b: {  	(pc) =	sbr.rel @p0 .LBB2_2-.Ltmp0, $4  }
0x1c: {  	_ = 	snop  }
0x1d: {  	s8 =	sand.u32 $0x7F00, s8  }
0x1e: {  	s9 =	sand.u32 $0x30, s7;
	s8 =	sshrl.u32 s8, $0x2  }
0x1f: {  	s8 =	sor.u32 s9, s8  }
0x20: {  	[tilespmem:s8+$0xEC40] =	vst v0  }
0x21: {  	[spmem:s5] =	stream.linear.scatter [tilespmem:s14], [sflag:$0xB], $0x2000, $0x38;
	[tilespmem:$0x1AC40] =	vst v63  }
0x22: {  	_ =	swait.ge [sflag:s15], $0x2000  }
0x23: {  	[sflag:s15] =	ssyncset.done $0x0  }
0x24: {  	[sflag:s15] =	ssyncadd.s32 $0xFFFFE000  }
0x25: {  	[spmem:s10] =	stream.linear.scatter [tilespmem:s14], [sflag:$0xB], $0x2000, $0x38;
	[tilespmem:$0x1AC40] =	vst v63  }
0x26: {  	_ =	swait.ge [sflag:s15], $0x2000  }
0x27: {  	[sflag:s15] =	ssyncset.done $0x0  }
0x28: {  	[sflag:s15] =	ssyncadd.s32 $0xFFFFE000  }
0x29: {  	[spmem:s11] =	stream.linear.scatter [tilespmem:s14], [sflag:$0xB], $0x2000, $0x38;
	[tilespmem:$0x1AC40] =	vst v63  }
0x2a: {  	_ =	swait.ge [sflag:s15], $0x2000  }
0x2b: {  	[sflag:s15] =	ssyncset.done $0x0  }
0x2c: {  	[sflag:s15] =	ssyncadd.s32 $0xFFFFE000  }
0x2d: {  	[spmem:s12] =	stream.linear.scatter [tilespmem:s14], [sflag:$0xB], $0x2000, $0x38;
	[tilespmem:$0x1AC40] =	vst v63  }
0x2e: {  	_ =	swait.ge [sflag:s15], $0x2000  }
0x2f: {  	[sflag:s15] =	ssyncset.done $0x0  }
0x30: {  	[sflag:s15] =	ssyncadd.s32 $0xFFFFE000  }
0x31: {  	[spmem:s13] =	stream.linear.scatter [tilespmem:s14], [sflag:$0xB], $0x2000, $0x38;
	[tilespmem:$0x1AC40] =	vst v63  }
0x32: {  	_ =	swait.ge [sflag:s15], $0x2000  }
0x33: {  	[sflag:s15] =	ssyncset.done $0x0  }
0x34: {  	[sflag:s15] =	ssyncadd.s32 $0xFFFFE000  }
0x35: {  	[bflag:$0x0] =	sbarrier.arrive $0xFFFF  }
0x36: {  	s6 =	simm.s32 $0x0;
	s7 =	rddreg [dreg:$0x3]  }
0x37: {  	[tilespmem:s6], [sflag:$0xB] =	stream.linear.gather [hbm4b:s7+s6], $0x2800, $0x38;
	[tilespmem:$0x1AC40] =	vst v63  }
0x38: {  	_ =	swait.ge [sflag:s15], $0x2800  }
0x39: {  	[sflag:s15] =	ssyncset.done $0x0  }
0x3a: {  	s9 =	simm.s32 $0x2800;
	s8 =	rddreg [dreg:$0x4];
	[sflag:s15] =	ssyncadd.s32 $0xFFFFD800  }
0x3b: {  	[tilespmem:s9], [sflag:$0xB] =	stream.linear.gather [hbm4b:s8+s6], $0x2800, $0x38;
	[tilespmem:$0x1AC40] =	vst v63  }
0x3c: {  	_ =	swait.ge [sflag:s15], $0x2800  }
0x3d: {  	[sflag:s15] =	ssyncset.done $0x0  }
0x3e: {  	[sflag:s15] =	ssyncadd.s32 $0xFFFFD800  }
0x3f: {  	[tilespmem:s18], [sflag:$0x1] =	stream.indirect.gather [hbm4b:s4+s17], $0x40, s6, s17, $0xb8;
	[tilespmem:$0x1AC40] =	vst v63  }
0x40: {  	s9 =	simm.s32 $0x80  }
0x41: {  	[tilespmem:s20], [sflag:$0x2] =	stream.indirect.gather [hbm4b:s4+s17], $0x40, s9, s17, $0xb8;
	[tilespmem:$0x1AC40] =	vst v63  }
0x42: {  	s7 =	simm.s32 $0x100  }
0x43: {  	[tilespmem:s22], [sflag:$0x3] =	stream.indirect.gather [hbm4b:s4+s17], $0x40, s7, s17, $0xb8;
	[tilespmem:$0x1AC40] =	vst v63  }
0x44: {  	s8 =	simm.s32 $0x180  }
0x45: {  	[tilespmem:s24], [sflag:$0x4] =	stream.indirect.gather [hbm4b:s4+s17], $0x40, s8, s17, $0xb8;
	[tilespmem:$0x1AC40] =	vst v63  }
0x46: {  	s9 =	simm.s32 $0x200  }
0x47: {  	[tilespmem:s28], [sflag:$0x5] =	stream.indirect.gather [hbm4b:s4+s17], $0x40, s9, s17, $0xb8;
	[tilespmem:$0x1AC40] =	vst v63  }
0x48: {  	_ =	swait.ge [sflag:s29], $0x1F40  }
0x49: {  	[sflag:s29] =	ssyncset.done $0x0  }
0x4a: {  	s7 =	simm.s32 $0x2800;
	[sflag:s29] =	ssyncadd.s32 $0xFFFFE0C0  }
0x4b: {  	[spmem:s2] =	stream.indirect.scatter.add.f32 [tilespmem:s18], [sflag:$0x6], $0x40, s7, s17, $0xb8;
	[tilespmem:$0x1AC40] =	vst v63  }
0x4c: {  	_ =	swait.ge [sflag:s30], $0x1F40  }
0x4d: {  	[sflag:s30] =	ssyncset.done $0x0  }
0x4e: {  	s8 =	simm.s32 $0x2880;
	[sflag:s30] =	ssyncadd.s32 $0xFFFFE0C0  }
0x4f: {  	[spmem:s2] =	stream.indirect.scatter.add.f32 [tilespmem:s20], [sflag:$0x7], $0x40, s8, s17, $0xb8;
	[tilespmem:$0x1AC40] =	vst v63  }
0x50: {  	_ =	swait.ge [sflag:s31], $0x1F40  }
0x51: {  	[sflag:s31] =	ssyncset.done $0x0  }
0x52: {  	s9 =	simm.s32 $0x2900;
	[sflag:s31] =	ssyncadd.s32 $0xFFFFE0C0  }
0x53: {  	[spmem:s2] =	stream.indirect.scatter.add.f32 [tilespmem:s22], [sflag:$0x8], $0x40, s9, s17, $0xb8;
	[tilespmem:$0x1AC40] =	vst v63  }
0x54: {  	_ =	swait.ge [sflag:s1], $0x1F40  }
0x55: {  	[sflag:s1] =	ssyncset.done $0x0  }
0x56: {  	s7 =	simm.s32 $0x2980;
	[sflag:s1] =	ssyncadd.s32 $0xFFFFE0C0  }
0x57: {  	[spmem:s2] =	stream.indirect.scatter.add.f32 [tilespmem:s24], [sflag:$0x9], $0x40, s7, s17, $0xb8;
	[tilespmem:$0x1AC40] =	vst v63  }
0x58: {  	_ =	swait.ge [sflag:s0], $0x1F40  }
0x59: {  	[sflag:s0] =	ssyncset.done $0x0  }
0x5a: {  	s8 =	simm.s32 $0x2A00;
	[sflag:s0] =	ssyncadd.s32 $0xFFFFE0C0  }
0x5b: {  	[spmem:s2] =	stream.indirect.scatter.add.f32 [tilespmem:s28], [sflag:$0xA], $0x40, s8, s17, $0xb8;
	[tilespmem:$0x1AC40] =	vst v63  }
0x5c: {  	_ =	swait.ge [sflag:s16], $0x1F40  }
0x5d: {  	[sflag:s16] =	ssyncset.done $0x0  }
0x5e: {  	s9 =	simm.s32 $0x280;
	[sflag:s16] =	ssyncadd.s32 $0xFFFFE0C0  }
0x5f: {  	[tilespmem:s18], [sflag:$0x1] =	stream.indirect.gather [hbm4b:s4+s17], $0x40, s9, s17, $0xb8;
	[tilespmem:$0x1AC40] =	vst v63  }
0x60: {  	_ =	swait.ge [sflag:s19], $0x1F40  }
0x61: {  	[sflag:s19] =	ssyncset.done $0x0  }
0x62: {  	s7 =	simm.s32 $0x300;
	[sflag:s19] =	ssyncadd.s32 $0xFFFFE0C0  }
0x63: {  	[tilespmem:s20], [sflag:$0x2] =	stream.indirect.gather [hbm4b:s4+s17], $0x40, s7, s17, $0xb8;
	[tilespmem:$0x1AC40] =	vst v63  }
0x64: {  	_ =	swait.ge [sflag:s21], $0x1F40  }
0x65: {  	[sflag:s21] =	ssyncset.done $0x0  }
0x66: {  	s8 =	simm.s32 $0x380;
	[sflag:s21] =	ssyncadd.s32 $0xFFFFE0C0  }
0x67: {  	[tilespmem:s22], [sflag:$0x3] =	stream.indirect.gather [hbm4b:s4+s17], $0x40, s8, s17, $0xb8;
	[tilespmem:$0x1AC40] =	vst v63  }
0x68: {  	_ =	swait.ge [sflag:s23], $0x1F40  }
0x69: {  	[sflag:s23] =	ssyncset.done $0x0  }
0x6a: {  	s9 =	simm.s32 $0x400;
	[sflag:s23] =	ssyncadd.s32 $0xFFFFE0C0  }
0x6b: {  	[tilespmem:s24], [sflag:$0x4] =	stream.indirect.gather [hbm4b:s4+s17], $0x40, s9, s17, $0xb8;
	[tilespmem:$0x1AC40] =	vst v63  }
0x6c: {  	_ =	swait.ge [sflag:s26], $0x1F40  }
0x6d: {  	[sflag:s26] =	ssyncset.done $0x0  }
0x6e: {  	s6 =	simm.s32 $0xA00;
	s7 =	simm.s32 $0x480;
	[sflag:s26] =	ssyncadd.s32 $0xFFFFE0C0  }
.LBB2_4:
0x6f: {  	[tilespmem:s28], [sflag:$0x5] =	stream.indirect.gather [hbm4b:s4+s17], $0x40, s7, s17, $0xb8;
	[tilespmem:$0x1AC40] =	vst v63  }
0x70: {  	s7 =	smov.u32 s6  }
0x71: {  	p0 =	sne.s32 s6, $0x8C00;
	s6 =	sadd.s32 $0xA00, s6;
	_ =	swait.ge [sflag:s29], $0x1F40  }
0x72: {  	s7 =	sshra.s32 s7, $0x2;
	[sflag:s29] =	ssyncset.done $0x0  }
0x73: {  	s8 =	sadd.s32 $0x2800, s7;
	[sflag:s29] =	ssyncadd.s32 $0xFFFFE0C0  }
0x74: {  	[spmem:s2] =	stream.indirect.scatter.add.f32 [tilespmem:s18], [sflag:$0x6], $0x40, s8, s17, $0xb8;
	[tilespmem:$0x1AC40] =	vst v63  }
0x75: {  	_ =	swait.ge [sflag:s30], $0x1F40  }
0x76: {  	[sflag:s30] =	ssyncset.done $0x0  }
0x77: {  	s8 =	sadd.s32 $0x2880, s7;
	[sflag:s30] =	ssyncadd.s32 $0xFFFFE0C0  }
0x78: {  	[spmem:s2] =	stream.indirect.scatter.add.f32 [tilespmem:s20], [sflag:$0x7], $0x40, s8, s17, $0xb8;
	[tilespmem:$0x1AC40] =	vst v63  }
0x79: {  	_ =	swait.ge [sflag:s31], $0x1F40  }
0x7a: {  	[sflag:s31] =	ssyncset.done $0x0  }
0x7b: {  	s8 =	sadd.s32 $0x2900, s7;
	[sflag:s31] =	ssyncadd.s32 $0xFFFFE0C0  }
0x7c: {  	[spmem:s2] =	stream.indirect.scatter.add.f32 [tilespmem:s22], [sflag:$0x8], $0x40, s8, s17, $0xb8;
	[tilespmem:$0x1AC40] =	vst v63  }
0x7d: {  	_ =	swait.ge [sflag:s1], $0x1F40  }
0x7e: {  	[sflag:s1] =	ssyncset.done $0x0  }
0x7f: {  	s8 =	sadd.s32 $0x2980, s7;
	[sflag:s1] =	ssyncadd.s32 $0xFFFFE0C0  }
0x80: {  	[spmem:s2] =	stream.indirect.scatter.add.f32 [tilespmem:s24], [sflag:$0x9], $0x40, s8, s17, $0xb8;
	[tilespmem:$0x1AC40] =	vst v63  }
0x81: {  	_ =	swait.ge [sflag:s0], $0x1F40  }
0x82: {  	[sflag:s0] =	ssyncset.done $0x0  }
0x83: {  	s8 =	sadd.s32 $0x2A00, s7;
	[sflag:s0] =	ssyncadd.s32 $0xFFFFE0C0  }
0x84: {  	[spmem:s2] =	stream.indirect.scatter.add.f32 [tilespmem:s28], [sflag:$0xA], $0x40, s8, s17, $0xb8;
	[tilespmem:$0x1AC40] =	vst v63  }
0x85: {  	_ =	swait.ge [sflag:s16], $0x1F40  }
0x86: {  	[sflag:s16] =	ssyncset.done $0x0  }
0x87: {  	s8 =	sadd.s32 $0x280, s7;
	[sflag:s16] =	ssyncadd.s32 $0xFFFFE0C0  }
0x88: {  	[tilespmem:s18], [sflag:$0x1] =	stream.indirect.gather [hbm4b:s4+s17], $0x40, s8, s17, $0xb8;
	[tilespmem:$0x1AC40] =	vst v63  }
0x89: {  	_ =	swait.ge [sflag:s19], $0x1F40  }
0x8a: {  	[sflag:s19] =	ssyncset.done $0x0  }
0x8b: {  	s8 =	sadd.s32 $0x300, s7;
	[sflag:s19] =	ssyncadd.s32 $0xFFFFE0C0  }
0x8c: {  	[tilespmem:s20], [sflag:$0x2] =	stream.indirect.gather [hbm4b:s4+s17], $0x40, s8, s17, $0xb8;
	[tilespmem:$0x1AC40] =	vst v63  }
0x8d: {  	_ =	swait.ge [sflag:s21], $0x1F40  }
0x8e: {  	[sflag:s21] =	ssyncset.done $0x0  }
0x8f: {  	s8 =	sadd.s32 $0x380, s7;
	[sflag:s21] =	ssyncadd.s32 $0xFFFFE0C0  }
0x90: {  	[tilespmem:s22], [sflag:$0x3] =	stream.indirect.gather [hbm4b:s4+s17], $0x40, s8, s17, $0xb8;
	[tilespmem:$0x1AC40] =	vst v63  }
0x91: {  	_ =	swait.ge [sflag:s23], $0x1F40  }
0x92: {  	[sflag:s23] =	ssyncset.done $0x0  }
.Ltmp1:
0x93: {  	s8 =	sadd.s32 $0x400, s7;
	[sflag:s23] =	ssyncadd.s32 $0xFFFFE0C0;
	(pc) =	sbr.rel @p0 .LBB2_4-.Ltmp1, $4  }
0x94: {  	[tilespmem:s24], [sflag:$0x4] =	stream.indirect.gather [hbm4b:s4+s17], $0x40, s8, s17, $0xb8;
	[tilespmem:$0x1AC40] =	vst v63  }
0x95: {  	_ =	swait.ge [sflag:s26], $0x1F40  }
0x96: {  	[sflag:s26] =	ssyncset.done $0x0  }
0x97: {  	s7 =	sadd.s32 $0x480, s7;
	[sflag:s26] =	ssyncadd.s32 $0xFFFFE0C0  }
0x98: {  	[tilespmem:s28], [sflag:$0x5] =	stream.indirect.gather [hbm4b:s4+s17], $0x40, s7, s17, $0xb8;
	[tilespmem:$0x1AC40] =	vst v63  }
0x99: {  	_ =	swait.ge [sflag:s29], $0x1F40  }
0x9a: {  	[sflag:s29] =	ssyncset.done $0x0  }
0x9b: {  	s6 =	simm.s32 $0x4D80;
	[sflag:s29] =	ssyncadd.s32 $0xFFFFE0C0  }
0x9c: {  	[spmem:s2] =	stream.indirect.scatter.add.f32 [tilespmem:s18], [sflag:$0x6], $0x40, s6, s17, $0xb8;
	[tilespmem:$0x1AC40] =	vst v63  }
0x9d: {  	_ =	swait.ge [sflag:s30], $0x1F40  }
0x9e: {  	[sflag:s30] =	ssyncset.done $0x0  }
0x9f: {  	s9 =	simm.s32 $0x4E00;
	[sflag:s30] =	ssyncadd.s32 $0xFFFFE0C0  }
0xa0: {  	[spmem:s2] =	stream.indirect.scatter.add.f32 [tilespmem:s20], [sflag:$0x7], $0x40, s9, s17, $0xb8;
	[tilespmem:$0x1AC40] =	vst v63  }
0xa1: {  	_ =	swait.ge [sflag:s31], $0x1F40  }
0xa2: {  	[sflag:s31] =	ssyncset.done $0x0  }
0xa3: {  	s7 =	simm.s32 $0x4E80;
	[sflag:s31] =	ssyncadd.s32 $0xFFFFE0C0  }
0xa4: {  	[spmem:s2] =	stream.indirect.scatter.add.f32 [tilespmem:s22], [sflag:$0x8], $0x40, s7, s17, $0xb8;
	[tilespmem:$0x1AC40] =	vst v63  }
0xa5: {  	_ =	swait.ge [sflag:s1], $0x1F40  }
0xa6: {  	[sflag:s1] =	ssyncset.done $0x0  }
0xa7: {  	s8 =	simm.s32 $0x4F00;
	[sflag:s1] =	ssyncadd.s32 $0xFFFFE0C0  }
0xa8: {  	[spmem:s2] =	stream.indirect.scatter.add.f32 [tilespmem:s24], [sflag:$0x9], $0x40, s8, s17, $0xb8;
	[tilespmem:$0x1AC40] =	vst v63  }
0xa9: {  	_ =	swait.ge [sflag:s0], $0x1F40  }
0xaa: {  	[sflag:s0] =	ssyncset.done $0x0  }
0xab: {  	s9 =	simm.s32 $0x4F80;
	[sflag:s0] =	ssyncadd.s32 $0xFFFFE0C0  }
0xac: {  	[spmem:s2] =	stream.indirect.scatter.add.f32 [tilespmem:s28], [sflag:$0xA], $0x40, s9, s17, $0xb8;
	[tilespmem:$0x1AC40] =	vst v63  }
0xad: {  	_ =	swait.ge [sflag:s16], $0x1F40  }
0xae: {  	[sflag:s16] =	ssyncset.done $0x0  }
0xaf: {  	[sflag:s16] =	ssyncadd.s32 $0xFFFFE0C0  }
0xb0: {  	_ =	swait.ge [sflag:s19], $0x1F40  }
0xb1: {  	[sflag:s19] =	ssyncset.done $0x0  }
0xb2: {  	[sflag:s19] =	ssyncadd.s32 $0xFFFFE0C0  }
0xb3: {  	_ =	swait.ge [sflag:s21], $0x1F40  }
0xb4: {  	[sflag:s21] =	ssyncset.done $0x0  }
0xb5: {  	[sflag:s21] =	ssyncadd.s32 $0xFFFFE0C0  }
0xb6: {  	_ =	swait.ge [sflag:s23], $0x1F40  }
0xb7: {  	[sflag:s23] =	ssyncset.done $0x0  }
0xb8: {  	[sflag:s23] =	ssyncadd.s32 $0xFFFFE0C0  }
0xb9: {  	_ =	swait.ge [sflag:s26], $0x1F40  }
0xba: {  	[sflag:s26] =	ssyncset.done $0x0  }
0xbb: {  	s7 =	stileid.u32;
	[sflag:s26] =	ssyncadd.s32 $0xFFFFE0C0  }
0xbc: {  	s6 =	sshll.u32 s7, $0x6;
	[bflag:$0x0] =	sbarrier.arrive $0xFFFF  }
0xbd: {  	s6 =	sor.u32 $0x1C0B, s6;
	s8 =	rddreg [dreg:$0x5]  }
0xbe: {  	[hbm:s8], [sflag:s6] =	dma.local [spmem:s25], $0x1400  }
0xbf: {  	_ =	swait.ge [sflag:s15], $0x1400  }
0xc0: {  	s3 =	sadd.s32 $0x1, s3;
	s9 =	rddreg [dreg:$0x6]  }
0xc1: {  	p0 =	sne.s32 s3, s9  }
.Ltmp2:
0xc2: {  	_ = 	snop;
	(pc) =	sbr.rel @p0 .LBB2_1-.Ltmp2, $3  }
0xc3: {  	_ =	sdelay $0x1  }
0xc4: {  	[sflag:s15] =	ssyncset.done $0x0  }
0xc5: {  	[sflag:s15] =	ssyncadd.s32 $0xFFFFEC00  }
0xc6: {  	_ =	sfence.sel $0x180000  }
0xc7: {  	[bflag:$0x0] =	sbarrier.arrive $0xFFFF  }
0xc8: {  	_ =	strace $0x9000004A  }
0xc9: {  	s0 =	stileid.u32;
	[bflag:$0x2] =	sbarrier.arrive $0xFFFF  }
0xca: {  	p0 =	sne.s32 s0, $0x0;
	s0 =	rddreg [dreg:$0x2]  }
0xcb: {  	s0 =	sadd.s32 @!p0 $0x100000, s0  }
0xcc: {  	[sflag:s0] =	ssyncadd.tile.s32 @!p0 $0x1;
	_ =	shalt  }
.Lfunc_end2:
_tile_overlayer_lowered:
.L_overlay_start_2:
0xcd: {  	(tag) =	ssettag $0x2  }
0xce: {  	s0 =	rddreg [dreg:$0x0];
	s2 =	stileid.u32  }
0xcf: {  	s1 =	rddreg [dreg:$0x1];
	p0 =	sne.s32 s2, $0x0  }
0xd0: {  	s3 =	rddreg [dreg:$0x2];
	[bflag:$0x3] =	sbarrier.arrive $0xFFFF;
	s2 =	simm.s32 @!p0 $0x1C0B  }
0xd1: {  	[timem:s3], [sflag:s2] =	dma.local @!p0 [hbm:s0], s1  }
0xd2: {  	s0 =	simm.s32 @!p0 $0xB  }
0xd3: {  	_ =	swait.ge @!p0 [sflag:s0], s1  }
0xd4: {  	s1 =	ssub.s32 @!p0 $0x0, s1;
	[sflag:s0] =	ssyncset.done @!p0 $0x0  }
0xd5: {  	[sflag:s0] =	ssyncadd.s32 @!p0 s1  }
0xd6: {  	[bflag:$0x3] =	sbarrier.arrive $0xFFFF  }
0xd7: {  	_ =	shalt  }

// kernel: kernel.14.cloned.1.call-start
scs
__scs_entry_jumppad:
0x0: {  	(pc) =	sbr.rel $0x88, $3  }
0x1: {  	(tag) =	ssettag $0x0;
	lr =	simm.s32 $0x1  }
0x2: {  	[smem:$0x3F97] =	sst lr;
	_ =	strace $0xD0000000  }
0x3: {  	_ = 	snop  }
0x4: {  	_ = 	snop  }
0x5: {  	_ = 	snop  }
0x6: {  	_ = 	snop  }
0x7: {  	_ = 	snop  }
__scs_overlays_trampoline_lowered:
0x8: {  	[smem:$0x3FA6] =	sst s0  }
0x9: {  	[smem:$0x3FA7] =	sst s1  }
0xa: {  	[smem:$0x3FA8] =	sst s2  }
0xb: {  	[smem:$0x3FA9] =	sst s3  }
0xc: {  	[smem:$0x3FAA] =	sst s4  }
0xd: {  	[smem:$0x3FAB] =	sst s5  }
0xe: {  	[smem:$0x3FAC] =	sst s6  }
0xf: {  	[smem:$0x3FAD] =	sst s7  }
0x10: {  	[smem:$0x3FAE] =	sst s8  }
0x11: {  	[smem:$0x3FAF] =	sst s9;
	s0 =	simm.s32 @!p0 $0x0  }
0x12: {  	s1 =	sld [smem:$0x3F95];
	s0 =	simm.s32 @p0 $0x1  }
0x13: {  	[smem:$0x3FB0] =	sst s0;
	s0 =	simm.s32 @!p1 $0x0  }
0x14: {  	s2 =	sld [smem:$0x3F94];
	s0 =	simm.s32 @p1 $0x1  }
0x15: {  	[smem:$0x3FB1] =	sst s0;
	s0 =	simm.s32 @!p2 $0x0  }
0x16: {  	s3 =	sld [smem:$0x3FDB];
	s0 =	simm.s32 @p2 $0x1  }
0x17: {  	s4 =	simm.s32 $0x1BF5;
	[smem:$0x3FB3] =	sst s0  }
0x18: {  	s0 =	sld [smem:$0x3F96];
	_ =	swait.ge [sflag:s4], $0x0  }
0x19: {  	s7 =	sld [smem:$0x3F97]  }
0x1a: {  	s8 =	sadd.s32 $0xFFFFE003, lr  }
0x1b: {  	s9 =	sadd.s32 $0xFFFFFEF7, lr;
	s5 =	simm.s32 $0xFFFFFFFF;
	p2 =	slt.u32 s8, $0xFFFFF086  }
0x1c: {  	p1 =	slt.u32 s9, $0xF7A;
	s5 =	simm.s32 @!p2 $0x0  }
0x1d: {  	s5 =	simm.s32 @p1 $0x1;
	p0 =	seq.s32 s7, s2  }
0x1e: {  	s7 =	smul.u32 @!p0 $0xF7A, s2;
	p2 =	seq.s32 @!p0 s5, $0x0  }
0x1f: {  	s9 =	smul.u32 $0xF7A, s1;
	s8 =	simm.s32 @!p0 $0x1BF5;
	p2 =	por !p2, p0  }
0x20: {  	[sflag:s8] =	ssyncset.s32 @!p0 $0xFFFFF086;
	s6 =	sadd.s32 @!p0 s3, s7;
	s7 =	simm.s32 @!p0 $0x108  }
0x21: {  	s3 =	sadd.s32 s3, s9;
	s6 =	sadd.s32 @!p0 $0x88, s6;
	s7 =	simm.s32 @p2 $0x1082  }
0x22: {  	[simem:s7], [sflag:s8] =	dma.local @!p0 [hbm:s6], $0xF7A  }
0x23: {  	s9 =	sor.u32 $0xD0000000, s2;
	s6 =	simm.s32 $0x108;
	_ =	swait.ge @!p0 [sflag:s8], $0x0  }
0x24: {  	s3 =	sadd.s32 $0x88, s3;
	s6 =	simm.s32 @!p1 $0x1082;
	[sflag:s4] =	ssyncset.s32 $0xFFFFF086  }
0x25: {  	[simem:s6], [sflag:s4] =	dma.local [hbm:s3], $0xF7A  }
0x26: {  	[smem:$0x3F97] =	sst s1;
	(tag) =	ssettag s2;
	_ =	strace s9  }
0x27: {  	s1 =	sld [smem:$0x3FA7]  }
0x28: {  	s2 =	sld [smem:$0x3FA8]  }
0x29: {  	s4 =	sld [smem:$0x3FAA]  }
0x2a: {  	p0 =	seq.s32 s5, $0x0;
	s5 =	sld [smem:$0x3FAB]  }
0x2b: {  	s6 =	sld [smem:$0x3FAC]  }
0x2c: {  	s7 =	sld [smem:$0x3FAD]  }
0x2d: {  	s3 =	simm.s32 $0x108;
	s8 =	sld [smem:$0x3FAE]  }
0x2e: {  	s3 =	simm.s32 @!p0 $0x1082;
	s9 =	sld [smem:$0x3FAF]  }
0x2f: {  	lr =	sadd.s32 s0, s3;
	s0 =	sld [smem:$0x3FA6]  }
0x30: {  	s3 =	sld [smem:$0x3FA9]  }
0x31: {  	[smem:$0x3FB2] =	sst s10  }
0x32: {  	s10 =	sld [smem:$0x3FB0];
	_ =	sdelay $0x3  }
0x33: {  	p0 =	seq.s32 s10, $0x1;
	s10 =	sld [smem:$0x3FB2];
	_ =	sdelay $0x3  }
0x34: {  	[smem:$0x3FB2] =	sst s10  }
0x35: {  	s10 =	sld [smem:$0x3FB1];
	_ =	sdelay $0x3  }
0x36: {  	p1 =	seq.s32 s10, $0x1;
	s10 =	sld [smem:$0x3FB2];
	_ =	sdelay $0x3  }
0x37: {  	[smem:$0x3FB2] =	sst s10  }
0x38: {  	s10 =	sld [smem:$0x3FB3]  }
0x39: {  	_ = 	snop;
	(pc) =	sbr.ind lr, $3  }
0x3a: {  	_ = 	snop  }
0x3b: {  	_ = 	snop  }
0x3c: {  	p2 =	seq.s32 s10, $0x1;
	s10 =	sld [smem:$0x3FB2]  }
0x3d: {  	_ =	shalt  }
0x3e: {  	_ =	shalt  }
0x3f: {  	_ =	shalt  }
0x40: {  	_ =	shalt  }
0x41: {  	_ =	shalt  }
0x42: {  	_ =	shalt  }
0x43: {  	_ =	shalt  }
0x44: {  	_ =	shalt  }
0x45: {  	_ =	shalt  }
0x46: {  	_ =	shalt  }
0x47: {  	_ =	shalt  }
0x48: {  	_ =	shalt  }
0x49: {  	_ =	shalt  }
0x4a: {  	_ =	shalt  }
0x4b: {  	_ =	shalt  }
0x4c: {  	_ =	shalt  }
0x4d: {  	_ =	shalt  }
0x4e: {  	_ =	shalt  }
0x4f: {  	_ =	shalt  }
0x50: {  	_ =	shalt  }
0x51: {  	_ =	shalt  }
0x52: {  	_ =	shalt  }
0x53: {  	_ =	shalt  }
0x54: {  	_ =	shalt  }
0x55: {  	_ =	shalt  }
0x56: {  	_ =	shalt  }
0x57: {  	_ =	shalt  }
0x58: {  	_ =	shalt  }
0x59: {  	_ =	shalt  }
0x5a: {  	_ =	shalt  }
0x5b: {  	_ =	shalt  }
0x5c: {  	_ =	shalt  }
0x5d: {  	_ =	shalt  }
0x5e: {  	_ =	shalt  }
0x5f: {  	_ =	shalt  }
0x60: {  	_ =	shalt  }
0x61: {  	_ =	shalt  }
0x62: {  	_ =	shalt  }
0x63: {  	_ =	shalt  }
0x64: {  	_ =	shalt  }
0x65: {  	_ =	shalt  }
0x66: {  	_ =	shalt  }
0x67: {  	_ =	shalt  }
0x68: {  	_ =	shalt  }
0x69: {  	_ =	shalt  }
0x6a: {  	_ =	shalt  }
0x6b: {  	_ =	shalt  }
0x6c: {  	_ =	shalt  }
0x6d: {  	_ =	shalt  }
0x6e: {  	_ =	shalt  }
0x6f: {  	_ =	shalt  }
0x70: {  	_ =	shalt  }
0x71: {  	_ =	shalt  }
0x72: {  	_ =	shalt  }
0x73: {  	_ =	shalt  }
0x74: {  	_ =	shalt  }
0x75: {  	_ =	shalt  }
0x76: {  	_ =	shalt  }
0x77: {  	_ =	shalt  }
0x78: {  	_ =	shalt  }
0x79: {  	_ =	shalt  }
0x7a: {  	_ =	shalt  }
0x7b: {  	_ =	shalt  }
0x7c: {  	_ =	shalt  }
0x7d: {  	_ =	shalt  }
0x7e: {  	_ =	shalt  }
0x7f: {  	_ =	shalt  }
0x80: {  	_ =	shalt  }
0x81: {  	_ =	shalt  }
0x82: {  	_ =	shalt  }
0x83: {  	_ =	shalt  }
0x84: {  	_ =	shalt  }
0x85: {  	_ =	shalt  }
0x86: {  	_ =	shalt  }
0x87: {  	_ =	shalt  }
.Lfunc_end0:
.L_simem_size_0:
called_computation.2_lowered:
.L_overlay_start_0:
0x88: {  	s2 =	sld [smem:$0x3FD9]  }
0x89: {  	s3 =	sld [smem:$0x3FFE];
	_ =	sdelay $0x1  }
0x8a: {  	s1 =	srdreg.scid  }
0x8b: {  	s0 =	sand.u32 $0x1, s1  }
0x8c: {  	s16 =	sshll.u32 s0, $0xA;
	s2 =	sadd.s32 s3, s2  }
0x8d: {  	s2 =	sadd.s32 s2, s16  }
0x8e: {  	[smem:$0x3FBE] =	sst s2  }
0x8f: {  	_ = 	snop  }
0x90: {  	(tm) =	ssettm $0x1  }
0x91: {  	s17 =	sld [smem:$0x3FFB];
	_ =	sdelay $0x3  }
0x92: {  	_ =	strace s17  }
0x93: {  	s2 =	sld [smem:$0x3FFC];
	_ =	sdelay $0x3  }
0x94: {  	_ =	strace s2  }
0x95: {  	s2 =	sld [smem:$0x3FFD];
	_ =	sdelay $0x3  }
0x96: {  	_ =	strace s2  }
0x97: {  	_ =	strace $0x8FFFFFFF  }
0x98: {  	s18 =	sld [smem:$0x3FDB];
	_ =	sdelay $0x1  }
0x99: {  	s19 =	simm.s32 $_scs_section_size  }
0x9a: {  	s4 =	simm.s32 $_size__tile_overlayer_lowered;
	s5 =	simm.s32 $_tile_overlayer_lowered  }
0x9b: {  	s22 =	simm.s32 $0x1BFF;
	s21 =	sshll.u32 s5, $0x1;
	s2 =	sadd.s32 s19, s18  }
0x9c: {  	s6 =	simm.s32 $0x0;
	s20 =	sshll.u32 s4, $0x1;
	s4 =	sadd.s32 s21, s2  }
0x9d: {  	[timem:s6], [sflag:s22] =	dma.local [hbm:s4], s20  }
0x9e: {  	_ =	swait.ge [sflag:s22], s20  }
0x9f: {  	s3 =	ssub.s32 $0x0, s20;
	[sflag:s22] =	ssyncset.done $0x0  }
0xa0: {  	[sflag:s22] =	ssyncadd.s32 s3;
	_ =	sdelay $0x1  }
0xa1: {  	s23 =	simm.s32 $0x1B8B  }
0xa2: {  	_ =	swait.ge [sflag:s23], $0x1  }
0xa3: {  	[sflag:s23] =	ssyncset.done $0x0  }
0xa4: {  	s25 =	simm.s32 $0x1B8E;
	s24 =	sld [smem:$0x3FFE];
	[sflag:s23] =	ssyncadd.s32 $0xFFFFFFFF  }
0xa5: {  	s26 =	simm.s32 $execute0_lowered;
	[smem:$0x3FD2] =	sst s25  }
0xa6: {  	s4 =	sshll.u32 s26, $0x1;
	_ =	strace $0x8000004C;
	[dreg:$0x1] =	wrdreg $0xFFFFFFFF  }
0xa7: {  	s28 =	simm.s32 $_size_execute0_lowered;
	s2 =	sadd.s32 s2, s4;
	[dreg:$0x0] =	wrdreg $0x0  }
0xa8: {  	s4 =	sshll.u32 s28, $0x1;
	[dreg:$0x2] =	wrdreg s2  }
0xa9: {  	[dreg:$0x3] =	wrdreg s4  }
0xaa: {  	[dreg:$0x4] =	wrdreg $0xC0  }
0xab: {  	_ =	task [dreg:s6], $0x5FFFF  }
0xac: {  	[dreg:$0x1] =	wrdreg $0xFFFFFFFF  }
0xad: {  	[dreg:$0x0] =	wrdreg $0x60  }
0xae: {  	[dreg:$0x2] =	wrdreg s24  }
0xaf: {  	[dreg:$0x3] =	wrdreg $0x10C400  }
0xb0: {  	[dreg:$0x4] =	wrdreg $0x9  }
0xb1: {  	_ =	task.clear_ibuf [dreg:s6], $0x5FFFF;
	_ =	strace $0x9000004C  }
0xb2: {  	s29 =	simm.s32 $0x9;
	_ =	strace $0x8000004E  }
0xb3: {  	_ =	swait.ge [sflag:s29], $0x1  }
0xb4: {  	[sflag:s29] =	ssyncadd.s32 $0xFFFFFFFF  }
0xb5: {  	_ =	strace $0x9000004E  }
0xb6: {  	_ =	sfence  }
0xb7: {  	s30 =	sld [smem:$0x0];
	_ =	sdelay $0x2  }
0xb8: {  	s31 =	sshll.u32 s1, $0xD;
	s1 =	sshrl.u32 s1, $0x2  }
0xb9: {  	s3 =	sand.u32 $0x4000, s31;
	s1 =	sadd.s32 s1, s30  }
0xba: {  	s0 =	sor.u32 s3, s0;
	s1 =	sshll.u32 s1, $0x11  }
0xbb: {  	s0 =	sor.u32 s1, s0  }
0xbc: {  	s0 =	sadd.s32 $0x8F2B, s0  }
0xbd: {  	[sflag:s0] =	ssyncadd.remote.s32 $0x1  }
0xbe: {  	_ =	sfence.sel $0xFFFF  }
0xbf: {  	[dreg:$0x0] =	wrdreg $0xFFFFFFFF;
	(pc) =	sbr.abs _section_cstart, $3  }
0xc0: {  	[dreg:$0x1] =	wrdreg $0xFFFFFFFF  }
0xc1: {  	_ =	task.clear_ibuf [dreg:s6], $0x2FFFF;
	_ =	strace $0x9FFFFFFF  }
0xc2: {  	(tm) =	ssettm $0x7FFFFFFF  }
0xc3: {  	_ =	shalt  }
tec
execute0_lowered:
.L_overlay_start_1:
0x0: {  	(tag) =	ssettag $0x1  }
0x1: {  	s0 =	srdreg.scid;
	s1 =	rddreg [dreg:$0x0]  }
0x2: {  	s7 =	stileid.u32;
	s2 =	rddreg [dreg:$0x1]  }
0x3: {  	s4 =	simm.s32 $0x0;
	s14 =	simm.s32 $0xEC40;
	s15 =	simm.s32 $0xB  }
0x4: {  	s17 =	simm.s32 $0x7D;
	s18 =	simm.s32 $0x5000;
	s20 =	simm.s32 $0x6F40  }
0x5: {  	s22 =	simm.s32 $0x8E80;
	s24 =	simm.s32 $0xADC0;
	s28 =	simm.s32 $0xCD00  }
0x6: {  	s29 =	simm.s32 $0x1;
	s30 =	simm.s32 $0x2;
	s31 =	simm.s32 $0x3  }
0x7: {  	s16 =	simm.s32 $0x6;
	s19 =	simm.s32 $0x7;
	s21 =	simm.s32 $0x8  }
0x8: {  	s23 =	simm.s32 $0x9;
	s0 =	sand.u32 $0x1, s0;
	s6 =	smul.u32 $0xA000, s7  }
0x9: {  	s3 =	sshll.u32 s7, $0x1;
	[smem:$0x7FF] =	sst s4;
	s7 =	smul.u32 $0x28000, s7  }
0xa: {  	s4 =	sadd.s32 $0x16400, s1;
	s3 =	sor.u32 s0, s3;
	s5 =	smul.u32 $0xA0000, s0  }
0xb: {  	_ =	strace $0x8000004D;
	s0 =	ssub.s32 $0x2, s0;
	s3 =	smul.u32 $0x2800, s3  }
0xc: {  	s8 =	sshrl.u32 s0, $0x1;
	s7 =	sshrl.u32 s7, $0x2;
	s26 =	sadd.s32 s6, s2  }
0xd: {  	s5 =	sadd.s32 s6, s5;
	s0 =	ssub.s32 s0, s8;
	s3 =	sshrl.u32 s3, $0x3  }
0xe: {  	s5 =	sshrl.u32 s5, $0x3;
	s0 =	smax.u32 s0, $0x1;
	s3 =	sadd.s32 s3, s1  }
0xf: {  	s1 =	sadd.s32 s5, s1;
	s5 =	sadd.s32 s7, s2;
	[dreg:$0x6] =	wrdreg s0  }
0x10: {  	s0 =	simm.s32 $0x5;
	s25 =	sadd.s32 $0x2400, s3;
	s3 =	sadd.s32 $0xC400, s3  }
0x11: {  	s1 =	sadd.s32 $0x2A400, s1;
	s10 =	sadd.s32 $0x2000, s5;
	[dreg:$0x3] =	wrdreg s25  }
0x12: {  	s11 =	sadd.s32 $0x4000, s5;
	s12 =	sadd.s32 $0x6000, s5;
	[dreg:$0x4] =	wrdreg s3  }
0x13: {  	s13 =	sadd.s32 $0x8000, s5;
	[dreg:$0x5] =	wrdreg s1;
	s25 =	sshrl.u32 s26, $0x3  }
0x14: {  	v0 =	vimm.f32 $0.0e+00;
	s1 =	simm.s32 $0x4;
	s26 =	simm.s32 $0xA;
	s3 =	simm.s32 $0x0  }
.LBB2_1:
0x15: {  	s7 =	simm.s32 $0x0  }
0x16: {  	s6 =	sand.u32 $0x7F00, s7  }
0x17: {  	s7 =	sand.u32 $0x30, s7;
	s8 =	sshrl.u32 s6, $0x2  }
0x18: {  	s6 =	simm.s32 $0x40;
	s8 =	sor.u32 s7, s8;
	s7 =	simm.s32 $0x0  }
.LBB2_2:
0x19: {  	p0 =	sne.s32 s6, $0x7FC0  }
0x1a: {  	[tilespmem:s8+$0xEC40] =	vst v0;
	s7 =	sadd.s32 $0x10, s7;
	s8 =	smov.u32 s6;
	s6 =	sadd.s32 $0x40, s6  }
.Ltmp0:
0x1b: {  	(pc) =	sbr.rel @p0 .LBB2_2-.Ltmp0, $4  }
0x1c: {  	_ = 	snop  }
0x1d: {  	s8 =	sand.u32 $0x7F00, s8  }
0x1e: {  	s9 =	sand.u32 $0x30, s7;
	s8 =	sshrl.u32 s8, $0x2  }
0x1f: {  	s8 =	sor.u32 s9, s8  }
0x20: {  	[tilespmem:s8+$0xEC40] =	vst v0  }
0x21: {  	[spmem:s5] =	stream.linear.scatter [tilespmem:s14], [sflag:$0xB], $0x2000, $0x38;
	[tilespmem:$0x1AC40] =	vst v63  }
0x22: {  	_ =	swait.ge [sflag:s15], $0x2000  }
0x23: {  	[sflag:s15] =	ssyncset.done $0x0  }
0x24: {  	[sflag:s15] =	ssyncadd.s32 $0xFFFFE000  }
0x25: {  	[spmem:s10] =	stream.linear.scatter [tilespmem:s14], [sflag:$0xB], $0x2000, $0x38;
	[tilespmem:$0x1AC40] =	vst v63  }
0x26: {  	_ =	swait.ge [sflag:s15], $0x2000  }
0x27: {  	[sflag:s15] =	ssyncset.done $0x0  }
0x28: {  	[sflag:s15] =	ssyncadd.s32 $0xFFFFE000  }
0x29: {  	[spmem:s11] =	stream.linear.scatter [tilespmem:s14], [sflag:$0xB], $0x2000, $0x38;
	[tilespmem:$0x1AC40] =	vst v63  }
0x2a: {  	_ =	swait.ge [sflag:s15], $0x2000  }
0x2b: {  	[sflag:s15] =	ssyncset.done $0x0  }
0x2c: {  	[sflag:s15] =	ssyncadd.s32 $0xFFFFE000  }
0x2d: {  	[spmem:s12] =	stream.linear.scatter [tilespmem:s14], [sflag:$0xB], $0x2000, $0x38;
	[tilespmem:$0x1AC40] =	vst v63  }
0x2e: {  	_ =	swait.ge [sflag:s15], $0x2000  }
0x2f: {  	[sflag:s15] =	ssyncset.done $0x0  }
0x30: {  	[sflag:s15] =	ssyncadd.s32 $0xFFFFE000  }
0x31: {  	[spmem:s13] =	stream.linear.scatter [tilespmem:s14], [sflag:$0xB], $0x2000, $0x38;
	[tilespmem:$0x1AC40] =	vst v63  }
0x32: {  	_ =	swait.ge [sflag:s15], $0x2000  }
0x33: {  	[sflag:s15] =	ssyncset.done $0x0  }
0x34: {  	[sflag:s15] =	ssyncadd.s32 $0xFFFFE000  }
0x35: {  	[bflag:$0x0] =	sbarrier.arrive $0xFFFF  }
0x36: {  	s6 =	simm.s32 $0x0;
	s7 =	rddreg [dreg:$0x3]  }
0x37: {  	[tilespmem:s6], [sflag:$0xB] =	stream.linear.gather [hbm4b:s7+s6], $0x2800, $0x38;
	[tilespmem:$0x1AC40] =	vst v63  }
0x38: {  	_ =	swait.ge [sflag:s15], $0x2800  }
0x39: {  	[sflag:s15] =	ssyncset.done $0x0  }
0x3a: {  	s9 =	simm.s32 $0x2800;
	s8 =	rddreg [dreg:$0x4];
	[sflag:s15] =	ssyncadd.s32 $0xFFFFD800  }
0x3b: {  	[tilespmem:s9], [sflag:$0xB] =	stream.linear.gather [hbm4b:s8+s6], $0x2800, $0x38;
	[tilespmem:$0x1AC40] =	vst v63  }
0x3c: {  	_ =	swait.ge [sflag:s15], $0x2800  }
0x3d: {  	[sflag:s15] =	ssyncset.done $0x0  }
0x3e: {  	[sflag:s15] =	ssyncadd.s32 $0xFFFFD800  }
0x3f: {  	[tilespmem:s18], [sflag:$0x1] =	stream.indirect.gather [hbm4b:s4+s17], $0x40, s6, s17, $0xb8;
	[tilespmem:$0x1AC40] =	vst v63  }
0x40: {  	s9 =	simm.s32 $0x80  }
0x41: {  	[tilespmem:s20], [sflag:$0x2] =	stream.indirect.gather [hbm4b:s4+s17], $0x40, s9, s17, $0xb8;
	[tilespmem:$0x1AC40] =	vst v63  }
0x42: {  	s7 =	simm.s32 $0x100  }
0x43: {  	[tilespmem:s22], [sflag:$0x3] =	stream.indirect.gather [hbm4b:s4+s17], $0x40, s7, s17, $0xb8;
	[tilespmem:$0x1AC40] =	vst v63  }
0x44: {  	s8 =	simm.s32 $0x180  }
0x45: {  	[tilespmem:s24], [sflag:$0x4] =	stream.indirect.gather [hbm4b:s4+s17], $0x40, s8, s17, $0xb8;
	[tilespmem:$0x1AC40] =	vst v63  }
0x46: {  	s9 =	simm.s32 $0x200  }
0x47: {  	[tilespmem:s28], [sflag:$0x5] =	stream.indirect.gather [hbm4b:s4+s17], $0x40, s9, s17, $0xb8;
	[tilespmem:$0x1AC40] =	vst v63  }
0x48: {  	_ =	swait.ge [sflag:s29], $0x1F40  }
0x49: {  	[sflag:s29] =	ssyncset.done $0x0  }
0x4a: {  	s7 =	simm.s32 $0x2800;
	[sflag:s29] =	ssyncadd.s32 $0xFFFFE0C0  }
0x4b: {  	[spmem:s2] =	stream.indirect.scatter.add.f32 [tilespmem:s18], [sflag:$0x6], $0x40, s7, s17, $0xb8;
	[tilespmem:$0x1AC40] =	vst v63  }
0x4c: {  	_ =	swait.ge [sflag:s30], $0x1F40  }
0x4d: {  	[sflag:s30] =	ssyncset.done $0x0  }
0x4e: {  	s8 =	simm.s32 $0x2880;
	[sflag:s30] =	ssyncadd.s32 $0xFFFFE0C0  }
0x4f: {  	[spmem:s2] =	stream.indirect.scatter.add.f32 [tilespmem:s20], [sflag:$0x7], $0x40, s8, s17, $0xb8;
	[tilespmem:$0x1AC40] =	vst v63  }
0x50: {  	_ =	swait.ge [sflag:s31], $0x1F40  }
0x51: {  	[sflag:s31] =	ssyncset.done $0x0  }
0x52: {  	s9 =	simm.s32 $0x2900;
	[sflag:s31] =	ssyncadd.s32 $0xFFFFE0C0  }
0x53: {  	[spmem:s2] =	stream.indirect.scatter.add.f32 [tilespmem:s22], [sflag:$0x8], $0x40, s9, s17, $0xb8;
	[tilespmem:$0x1AC40] =	vst v63  }
0x54: {  	_ =	swait.ge [sflag:s1], $0x1F40  }
0x55: {  	[sflag:s1] =	ssyncset.done $0x0  }
0x56: {  	s7 =	simm.s32 $0x2980;
	[sflag:s1] =	ssyncadd.s32 $0xFFFFE0C0  }
0x57: {  	[spmem:s2] =	stream.indirect.scatter.add.f32 [tilespmem:s24], [sflag:$0x9], $0x40, s7, s17, $0xb8;
	[tilespmem:$0x1AC40] =	vst v63  }
0x58: {  	_ =	swait.ge [sflag:s0], $0x1F40  }
0x59: {  	[sflag:s0] =	ssyncset.done $0x0  }
0x5a: {  	s8 =	simm.s32 $0x2A00;
	[sflag:s0] =	ssyncadd.s32 $0xFFFFE0C0  }
0x5b: {  	[spmem:s2] =	stream.indirect.scatter.add.f32 [tilespmem:s28], [sflag:$0xA], $0x40, s8, s17, $0xb8;
	[tilespmem:$0x1AC40] =	vst v63  }
0x5c: {  	_ =	swait.ge [sflag:s16], $0x1F40  }
0x5d: {  	[sflag:s16] =	ssyncset.done $0x0  }
0x5e: {  	s9 =	simm.s32 $0x280;
	[sflag:s16] =	ssyncadd.s32 $0xFFFFE0C0  }
0x5f: {  	[tilespmem:s18], [sflag:$0x1] =	stream.indirect.gather [hbm4b:s4+s17], $0x40, s9, s17, $0xb8;
	[tilespmem:$0x1AC40] =	vst v63  }
0x60: {  	_ =	swait.ge [sflag:s19], $0x1F40  }
0x61: {  	[sflag:s19] =	ssyncset.done $0x0  }
0x62: {  	s7 =	simm.s32 $0x300;
	[sflag:s19] =	ssyncadd.s32 $0xFFFFE0C0  }
0x63: {  	[tilespmem:s20], [sflag:$0x2] =	stream.indirect.gather [hbm4b:s4+s17], $0x40, s7, s17, $0xb8;
	[tilespmem:$0x1AC40] =	vst v63  }
0x64: {  	_ =	swait.ge [sflag:s21], $0x1F40  }
0x65: {  	[sflag:s21] =	ssyncset.done $0x0  }
0x66: {  	s8 =	simm.s32 $0x380;
	[sflag:s21] =	ssyncadd.s32 $0xFFFFE0C0  }
0x67: {  	[tilespmem:s22], [sflag:$0x3] =	stream.indirect.gather [hbm4b:s4+s17], $0x40, s8, s17, $0xb8;
	[tilespmem:$0x1AC40] =	vst v63  }
0x68: {  	_ =	swait.ge [sflag:s23], $0x1F40  }
0x69: {  	[sflag:s23] =	ssyncset.done $0x0  }
0x6a: {  	s9 =	simm.s32 $0x400;
	[sflag:s23] =	ssyncadd.s32 $0xFFFFE0C0  }
0x6b: {  	[tilespmem:s24], [sflag:$0x4] =	stream.indirect.gather [hbm4b:s4+s17], $0x40, s9, s17, $0xb8;
	[tilespmem:$0x1AC40] =	vst v63  }
0x6c: {  	_ =	swait.ge [sflag:s26], $0x1F40  }
0x6d: {  	[sflag:s26] =	ssyncset.done $0x0  }
0x6e: {  	s6 =	simm.s32 $0xA00;
	s7 =	simm.s32 $0x480;
	[sflag:s26] =	ssyncadd.s32 $0xFFFFE0C0  }
.LBB2_4:
0x6f: {  	[tilespmem:s28], [sflag:$0x5] =	stream.indirect.gather [hbm4b:s4+s17], $0x40, s7, s17, $0xb8;
	[tilespmem:$0x1AC40] =	vst v63  }
0x70: {  	s7 =	smov.u32 s6  }
0x71: {  	p0 =	sne.s32 s6, $0x8C00;
	s6 =	sadd.s32 $0xA00, s6;
	_ =	swait.ge [sflag:s29], $0x1F40  }
0x72: {  	s7 =	sshra.s32 s7, $0x2;
	[sflag:s29] =	ssyncset.done $0x0  }
0x73: {  	s8 =	sadd.s32 $0x2800, s7;
	[sflag:s29] =	ssyncadd.s32 $0xFFFFE0C0  }
0x74: {  	[spmem:s2] =	stream.indirect.scatter.add.f32 [tilespmem:s18], [sflag:$0x6], $0x40, s8, s17, $0xb8;
	[tilespmem:$0x1AC40] =	vst v63  }
0x75: {  	_ =	swait.ge [sflag:s30], $0x1F40  }
0x76: {  	[sflag:s30] =	ssyncset.done $0x0  }
0x77: {  	s8 =	sadd.s32 $0x2880, s7;
	[sflag:s30] =	ssyncadd.s32 $0xFFFFE0C0  }
0x78: {  	[spmem:s2] =	stream.indirect.scatter.add.f32 [tilespmem:s20], [sflag:$0x7], $0x40, s8, s17, $0xb8;
	[tilespmem:$0x1AC40] =	vst v63  }
0x79: {  	_ =	swait.ge [sflag:s31], $0x1F40  }
0x7a: {  	[sflag:s31] =	ssyncset.done $0x0  }
0x7b: {  	s8 =	sadd.s32 $0x2900, s7;
	[sflag:s31] =	ssyncadd.s32 $0xFFFFE0C0  }
0x7c: {  	[spmem:s2] =	stream.indirect.scatter.add.f32 [tilespmem:s22], [sflag:$0x8], $0x40, s8, s17, $0xb8;
	[tilespmem:$0x1AC40] =	vst v63  }
0x7d: {  	_ =	swait.ge [sflag:s1], $0x1F40  }
0x7e: {  	[sflag:s1] =	ssyncset.done $0x0  }
0x7f: {  	s8 =	sadd.s32 $0x2980, s7;
	[sflag:s1] =	ssyncadd.s32 $0xFFFFE0C0  }
0x80: {  	[spmem:s2] =	stream.indirect.scatter.add.f32 [tilespmem:s24], [sflag:$0x9], $0x40, s8, s17, $0xb8;
	[tilespmem:$0x1AC40] =	vst v63  }
0x81: {  	_ =	swait.ge [sflag:s0], $0x1F40  }
0x82: {  	[sflag:s0] =	ssyncset.done $0x0  }
0x83: {  	s8 =	sadd.s32 $0x2A00, s7;
	[sflag:s0] =	ssyncadd.s32 $0xFFFFE0C0  }
0x84: {  	[spmem:s2] =	stream.indirect.scatter.add.f32 [tilespmem:s28], [sflag:$0xA], $0x40, s8, s17, $0xb8;
	[tilespmem:$0x1AC40] =	vst v63  }
0x85: {  	_ =	swait.ge [sflag:s16], $0x1F40  }
0x86: {  	[sflag:s16] =	ssyncset.done $0x0  }
0x87: {  	s8 =	sadd.s32 $0x280, s7;
	[sflag:s16] =	ssyncadd.s32 $0xFFFFE0C0  }
0x88: {  	[tilespmem:s18], [sflag:$0x1] =	stream.indirect.gather [hbm4b:s4+s17], $0x40, s8, s17, $0xb8;
	[tilespmem:$0x1AC40] =	vst v63  }
0x89: {  	_ =	swait.ge [sflag:s19], $0x1F40  }
0x8a: {  	[sflag:s19] =	ssyncset.done $0x0  }
0x8b: {  	s8 =	sadd.s32 $0x300, s7;
	[sflag:s19] =	ssyncadd.s32 $0xFFFFE0C0  }
0x8c: {  	[tilespmem:s20], [sflag:$0x2] =	stream.indirect.gather [hbm4b:s4+s17], $0x40, s8, s17, $0xb8;
	[tilespmem:$0x1AC40] =	vst v63  }
0x8d: {  	_ =	swait.ge [sflag:s21], $0x1F40  }
0x8e: {  	[sflag:s21] =	ssyncset.done $0x0  }
0x8f: {  	s8 =	sadd.s32 $0x380, s7;
	[sflag:s21] =	ssyncadd.s32 $0xFFFFE0C0  }
0x90: {  	[tilespmem:s22], [sflag:$0x3] =	stream.indirect.gather [hbm4b:s4+s17], $0x40, s8, s17, $0xb8;
	[tilespmem:$0x1AC40] =	vst v63  }
0x91: {  	_ =	swait.ge [sflag:s23], $0x1F40  }
0x92: {  	[sflag:s23] =	ssyncset.done $0x0  }
.Ltmp1:
0x93: {  	s8 =	sadd.s32 $0x400, s7;
	[sflag:s23] =	ssyncadd.s32 $0xFFFFE0C0;
	(pc) =	sbr.rel @p0 .LBB2_4-.Ltmp1, $4  }
0x94: {  	[tilespmem:s24], [sflag:$0x4] =	stream.indirect.gather [hbm4b:s4+s17], $0x40, s8, s17, $0xb8;
	[tilespmem:$0x1AC40] =	vst v63  }
0x95: {  	_ =	swait.ge [sflag:s26], $0x1F40  }
0x96: {  	[sflag:s26] =	ssyncset.done $0x0  }
0x97: {  	s7 =	sadd.s32 $0x480, s7;
	[sflag:s26] =	ssyncadd.s32 $0xFFFFE0C0  }
0x98: {  	[tilespmem:s28], [sflag:$0x5] =	stream.indirect.gather [hbm4b:s4+s17], $0x40, s7, s17, $0xb8;
	[tilespmem:$0x1AC40] =	vst v63  }
0x99: {  	_ =	swait.ge [sflag:s29], $0x1F40  }
0x9a: {  	[sflag:s29] =	ssyncset.done $0x0  }
0x9b: {  	s6 =	simm.s32 $0x4D80;
	[sflag:s29] =	ssyncadd.s32 $0xFFFFE0C0  }
0x9c: {  	[spmem:s2] =	stream.indirect.scatter.add.f32 [tilespmem:s18], [sflag:$0x6], $0x40, s6, s17, $0xb8;
	[tilespmem:$0x1AC40] =	vst v63  }
0x9d: {  	_ =	swait.ge [sflag:s30], $0x1F40  }
0x9e: {  	[sflag:s30] =	ssyncset.done $0x0  }
0x9f: {  	s9 =	simm.s32 $0x4E00;
	[sflag:s30] =	ssyncadd.s32 $0xFFFFE0C0  }
0xa0: {  	[spmem:s2] =	stream.indirect.scatter.add.f32 [tilespmem:s20], [sflag:$0x7], $0x40, s9, s17, $0xb8;
	[tilespmem:$0x1AC40] =	vst v63  }
0xa1: {  	_ =	swait.ge [sflag:s31], $0x1F40  }
0xa2: {  	[sflag:s31] =	ssyncset.done $0x0  }
0xa3: {  	s7 =	simm.s32 $0x4E80;
	[sflag:s31] =	ssyncadd.s32 $0xFFFFE0C0  }
0xa4: {  	[spmem:s2] =	stream.indirect.scatter.add.f32 [tilespmem:s22], [sflag:$0x8], $0x40, s7, s17, $0xb8;
	[tilespmem:$0x1AC40] =	vst v63  }
0xa5: {  	_ =	swait.ge [sflag:s1], $0x1F40  }
0xa6: {  	[sflag:s1] =	ssyncset.done $0x0  }
0xa7: {  	s8 =	simm.s32 $0x4F00;
	[sflag:s1] =	ssyncadd.s32 $0xFFFFE0C0  }
0xa8: {  	[spmem:s2] =	stream.indirect.scatter.add.f32 [tilespmem:s24], [sflag:$0x9], $0x40, s8, s17, $0xb8;
	[tilespmem:$0x1AC40] =	vst v63  }
0xa9: {  	_ =	swait.ge [sflag:s0], $0x1F40  }
0xaa: {  	[sflag:s0] =	ssyncset.done $0x0  }
0xab: {  	s9 =	simm.s32 $0x4F80;
	[sflag:s0] =	ssyncadd.s32 $0xFFFFE0C0  }
0xac: {  	[spmem:s2] =	stream.indirect.scatter.add.f32 [tilespmem:s28], [sflag:$0xA], $0x40, s9, s17, $0xb8;
	[tilespmem:$0x1AC40] =	vst v63  }
0xad: {  	_ =	swait.ge [sflag:s16], $0x1F40  }
0xae: {  	[sflag:s16] =	ssyncset.done $0x0  }
0xaf: {  	[sflag:s16] =	ssyncadd.s32 $0xFFFFE0C0  }
0xb0: {  	_ =	swait.ge [sflag:s19], $0x1F40  }
0xb1: {  	[sflag:s19] =	ssyncset.done $0x0  }
0xb2: {  	[sflag:s19] =	ssyncadd.s32 $0xFFFFE0C0  }
0xb3: {  	_ =	swait.ge [sflag:s21], $0x1F40  }
0xb4: {  	[sflag:s21] =	ssyncset.done $0x0  }
0xb5: {  	[sflag:s21] =	ssyncadd.s32 $0xFFFFE0C0  }
0xb6: {  	_ =	swait.ge [sflag:s23], $0x1F40  }
0xb7: {  	[sflag:s23] =	ssyncset.done $0x0  }
0xb8: {  	[sflag:s23] =	ssyncadd.s32 $0xFFFFE0C0  }
0xb9: {  	_ =	swait.ge [sflag:s26], $0x1F40  }
0xba: {  	[sflag:s26] =	ssyncset.done $0x0  }
0xbb: {  	s7 =	stileid.u32;
	[sflag:s26] =	ssyncadd.s32 $0xFFFFE0C0  }
0xbc: {  	s6 =	sshll.u32 s7, $0x6;
	[bflag:$0x0] =	sbarrier.arrive $0xFFFF  }
0xbd: {  	s6 =	sor.u32 $0x1C0B, s6;
	s8 =	rddreg [dreg:$0x5]  }
0xbe: {  	[hbm:s8], [sflag:s6] =	dma.local [spmem:s25], $0x1400  }
0xbf: {  	_ =	swait.ge [sflag:s15], $0x1400  }
0xc0: {  	s3 =	sadd.s32 $0x1, s3;
	s9 =	rddreg [dreg:$0x6]  }
0xc1: {  	p0 =	sne.s32 s3, s9  }
.Ltmp2:
0xc2: {  	_ = 	snop;
	(pc) =	sbr.rel @p0 .LBB2_1-.Ltmp2, $3  }
0xc3: {  	_ =	sdelay $0x1  }
0xc4: {  	[sflag:s15] =	ssyncset.done $0x0  }
0xc5: {  	[sflag:s15] =	ssyncadd.s32 $0xFFFFEC00  }
0xc6: {  	_ =	sfence.sel $0x180000  }
0xc7: {  	[bflag:$0x0] =	sbarrier.arrive $0xFFFF  }
0xc8: {  	_ =	strace $0x9000004D  }
0xc9: {  	s0 =	stileid.u32;
	[bflag:$0x2] =	sbarrier.arrive $0xFFFF  }
0xca: {  	p0 =	sne.s32 s0, $0x0;
	s0 =	rddreg [dreg:$0x2]  }
0xcb: {  	s0 =	sadd.s32 @!p0 $0x100000, s0  }
0xcc: {  	[sflag:s0] =	ssyncadd.tile.s32 @!p0 $0x1;
	_ =	shalt  }
.Lfunc_end2:
_tile_overlayer_lowered:
.L_overlay_start_2:
0xcd: {  	(tag) =	ssettag $0x2  }
0xce: {  	s0 =	rddreg [dreg:$0x0];
	s2 =	stileid.u32  }
0xcf: {  	s1 =	rddreg [dreg:$0x1];
	p0 =	sne.s32 s2, $0x0  }
0xd0: {  	s3 =	rddreg [dreg:$0x2];
	[bflag:$0x3] =	sbarrier.arrive $0xFFFF;
	s2 =	simm.s32 @!p0 $0x1C0B  }
0xd1: {  	[timem:s3], [sflag:s2] =	dma.local @!p0 [hbm:s0], s1  }
0xd2: {  	s0 =	simm.s32 @!p0 $0xB  }
0xd3: {  	_ =	swait.ge @!p0 [sflag:s0], s1  }
0xd4: {  	s1 =	ssub.s32 @!p0 $0x0, s1;
	[sflag:s0] =	ssyncset.done @!p0 $0x0  }
0xd5: {  	[sflag:s0] =	ssyncadd.s32 @!p0 s1  }
0xd6: {  	[bflag:$0x3] =	sbarrier.arrive $0xFFFF  }
0xd7: {  	_ =	shalt  }

// kernel: kernel.8.cloned.1.call-start
scs
__scs_entry_jumppad:
0x0: {  	(pc) =	sbr.rel $0x88, $3  }
0x1: {  	(tag) =	ssettag $0x0;
	lr =	simm.s32 $0x1  }
0x2: {  	[smem:$0x3F97] =	sst lr;
	_ =	strace $0xD0000000  }
0x3: {  	_ = 	snop  }
0x4: {  	_ = 	snop  }
0x5: {  	_ = 	snop  }
0x6: {  	_ = 	snop  }
0x7: {  	_ = 	snop  }
__scs_overlays_trampoline_lowered:
0x8: {  	[smem:$0x3FA6] =	sst s0  }
0x9: {  	[smem:$0x3FA7] =	sst s1  }
0xa: {  	[smem:$0x3FA8] =	sst s2  }
0xb: {  	[smem:$0x3FA9] =	sst s3  }
0xc: {  	[smem:$0x3FAA] =	sst s4  }
0xd: {  	[smem:$0x3FAB] =	sst s5  }
0xe: {  	[smem:$0x3FAC] =	sst s6  }
0xf: {  	[smem:$0x3FAD] =	sst s7  }
0x10: {  	[smem:$0x3FAE] =	sst s8  }
0x11: {  	[smem:$0x3FAF] =	sst s9;
	s0 =	simm.s32 @!p0 $0x0  }
0x12: {  	s1 =	sld [smem:$0x3F95];
	s0 =	simm.s32 @p0 $0x1  }
0x13: {  	[smem:$0x3FB0] =	sst s0;
	s0 =	simm.s32 @!p1 $0x0  }
0x14: {  	s2 =	sld [smem:$0x3F94];
	s0 =	simm.s32 @p1 $0x1  }
0x15: {  	[smem:$0x3FB1] =	sst s0;
	s0 =	simm.s32 @!p2 $0x0  }
0x16: {  	s3 =	sld [smem:$0x3FDB];
	s0 =	simm.s32 @p2 $0x1  }
0x17: {  	s4 =	simm.s32 $0x1BF5;
	[smem:$0x3FB3] =	sst s0  }
0x18: {  	s0 =	sld [smem:$0x3F96];
	_ =	swait.ge [sflag:s4], $0x0  }
0x19: {  	s7 =	sld [smem:$0x3F97]  }
0x1a: {  	s8 =	sadd.s32 $0xFFFFE003, lr  }
0x1b: {  	s9 =	sadd.s32 $0xFFFFFEF7, lr;
	s5 =	simm.s32 $0xFFFFFFFF;
	p2 =	slt.u32 s8, $0xFFFFF086  }
0x1c: {  	p1 =	slt.u32 s9, $0xF7A;
	s5 =	simm.s32 @!p2 $0x0  }
0x1d: {  	s5 =	simm.s32 @p1 $0x1;
	p0 =	seq.s32 s7, s2  }
0x1e: {  	s7 =	smul.u32 @!p0 $0xF7A, s2;
	p2 =	seq.s32 @!p0 s5, $0x0  }
0x1f: {  	s9 =	smul.u32 $0xF7A, s1;
	s8 =	simm.s32 @!p0 $0x1BF5;
	p2 =	por !p2, p0  }
0x20: {  	[sflag:s8] =	ssyncset.s32 @!p0 $0xFFFFF086;
	s6 =	sadd.s32 @!p0 s3, s7;
	s7 =	simm.s32 @!p0 $0x108  }
0x21: {  	s3 =	sadd.s32 s3, s9;
	s6 =	sadd.s32 @!p0 $0x88, s6;
	s7 =	simm.s32 @p2 $0x1082  }
0x22: {  	[simem:s7], [sflag:s8] =	dma.local @!p0 [hbm:s6], $0xF7A  }
0x23: {  	s9 =	sor.u32 $0xD0000000, s2;
	s6 =	simm.s32 $0x108;
	_ =	swait.ge @!p0 [sflag:s8], $0x0  }
0x24: {  	s3 =	sadd.s32 $0x88, s3;
	s6 =	simm.s32 @!p1 $0x1082;
	[sflag:s4] =	ssyncset.s32 $0xFFFFF086  }
0x25: {  	[simem:s6], [sflag:s4] =	dma.local [hbm:s3], $0xF7A  }
0x26: {  	[smem:$0x3F97] =	sst s1;
	(tag) =	ssettag s2;
	_ =	strace s9  }
0x27: {  	s1 =	sld [smem:$0x3FA7]  }
0x28: {  	s2 =	sld [smem:$0x3FA8]  }
0x29: {  	s4 =	sld [smem:$0x3FAA]  }
0x2a: {  	p0 =	seq.s32 s5, $0x0;
	s5 =	sld [smem:$0x3FAB]  }
0x2b: {  	s6 =	sld [smem:$0x3FAC]  }
0x2c: {  	s7 =	sld [smem:$0x3FAD]  }
0x2d: {  	s3 =	simm.s32 $0x108;
	s8 =	sld [smem:$0x3FAE]  }
0x2e: {  	s3 =	simm.s32 @!p0 $0x1082;
	s9 =	sld [smem:$0x3FAF]  }
0x2f: {  	lr =	sadd.s32 s0, s3;
	s0 =	sld [smem:$0x3FA6]  }
0x30: {  	s3 =	sld [smem:$0x3FA9]  }
0x31: {  	[smem:$0x3FB2] =	sst s10  }
0x32: {  	s10 =	sld [smem:$0x3FB0];
	_ =	sdelay $0x3  }
0x33: {  	p0 =	seq.s32 s10, $0x1;
	s10 =	sld [smem:$0x3FB2];
	_ =	sdelay $0x3  }
0x34: {  	[smem:$0x3FB2] =	sst s10  }
0x35: {  	s10 =	sld [smem:$0x3FB1];
	_ =	sdelay $0x3  }
0x36: {  	p1 =	seq.s32 s10, $0x1;
	s10 =	sld [smem:$0x3FB2];
	_ =	sdelay $0x3  }
0x37: {  	[smem:$0x3FB2] =	sst s10  }
0x38: {  	s10 =	sld [smem:$0x3FB3]  }
0x39: {  	_ = 	snop;
	(pc) =	sbr.ind lr, $3  }
0x3a: {  	_ = 	snop  }
0x3b: {  	_ = 	snop  }
0x3c: {  	p2 =	seq.s32 s10, $0x1;
	s10 =	sld [smem:$0x3FB2]  }
0x3d: {  	_ =	shalt  }
0x3e: {  	_ =	shalt  }
0x3f: {  	_ =	shalt  }
0x40: {  	_ =	shalt  }
0x41: {  	_ =	shalt  }
0x42: {  	_ =	shalt  }
0x43: {  	_ =	shalt  }
0x44: {  	_ =	shalt  }
0x45: {  	_ =	shalt  }
0x46: {  	_ =	shalt  }
0x47: {  	_ =	shalt  }
0x48: {  	_ =	shalt  }
0x49: {  	_ =	shalt  }
0x4a: {  	_ =	shalt  }
0x4b: {  	_ =	shalt  }
0x4c: {  	_ =	shalt  }
0x4d: {  	_ =	shalt  }
0x4e: {  	_ =	shalt  }
0x4f: {  	_ =	shalt  }
0x50: {  	_ =	shalt  }
0x51: {  	_ =	shalt  }
0x52: {  	_ =	shalt  }
0x53: {  	_ =	shalt  }
0x54: {  	_ =	shalt  }
0x55: {  	_ =	shalt  }
0x56: {  	_ =	shalt  }
0x57: {  	_ =	shalt  }
0x58: {  	_ =	shalt  }
0x59: {  	_ =	shalt  }
0x5a: {  	_ =	shalt  }
0x5b: {  	_ =	shalt  }
0x5c: {  	_ =	shalt  }
0x5d: {  	_ =	shalt  }
0x5e: {  	_ =	shalt  }
0x5f: {  	_ =	shalt  }
0x60: {  	_ =	shalt  }
0x61: {  	_ =	shalt  }
0x62: {  	_ =	shalt  }
0x63: {  	_ =	shalt  }
0x64: {  	_ =	shalt  }
0x65: {  	_ =	shalt  }
0x66: {  	_ =	shalt  }
0x67: {  	_ =	shalt  }
0x68: {  	_ =	shalt  }
0x69: {  	_ =	shalt  }
0x6a: {  	_ =	shalt  }
0x6b: {  	_ =	shalt  }
0x6c: {  	_ =	shalt  }
0x6d: {  	_ =	shalt  }
0x6e: {  	_ =	shalt  }
0x6f: {  	_ =	shalt  }
0x70: {  	_ =	shalt  }
0x71: {  	_ =	shalt  }
0x72: {  	_ =	shalt  }
0x73: {  	_ =	shalt  }
0x74: {  	_ =	shalt  }
0x75: {  	_ =	shalt  }
0x76: {  	_ =	shalt  }
0x77: {  	_ =	shalt  }
0x78: {  	_ =	shalt  }
0x79: {  	_ =	shalt  }
0x7a: {  	_ =	shalt  }
0x7b: {  	_ =	shalt  }
0x7c: {  	_ =	shalt  }
0x7d: {  	_ =	shalt  }
0x7e: {  	_ =	shalt  }
0x7f: {  	_ =	shalt  }
0x80: {  	_ =	shalt  }
0x81: {  	_ =	shalt  }
0x82: {  	_ =	shalt  }
0x83: {  	_ =	shalt  }
0x84: {  	_ =	shalt  }
0x85: {  	_ =	shalt  }
0x86: {  	_ =	shalt  }
0x87: {  	_ =	shalt  }
.Lfunc_end0:
.L_simem_size_0:
called_computation_lowered:
.L_overlay_start_0:
0x88: {  	s2 =	sld [smem:$0x3FD9]  }
0x89: {  	s3 =	sld [smem:$0x3FFE];
	_ =	sdelay $0x1  }
0x8a: {  	s1 =	srdreg.scid  }
0x8b: {  	s0 =	sand.u32 $0x1, s1  }
0x8c: {  	s17 =	sshll.u32 s0, $0xA;
	s2 =	sadd.s32 s3, s2  }
0x8d: {  	s2 =	sadd.s32 s2, s17  }
0x8e: {  	[smem:$0x3FBE] =	sst s2  }
0x8f: {  	_ = 	snop  }
0x90: {  	s2 =	sld [smem:$0x3FD0];
	(tm) =	ssettm $0x1  }
0x91: {  	s18 =	sld [smem:$0x3FFB];
	_ =	sdelay $0x3  }
0x92: {  	_ =	strace s18  }
0x93: {  	s3 =	sld [smem:$0x3FFC];
	_ =	sdelay $0x3  }
0x94: {  	_ =	strace s3  }
0x95: {  	s3 =	sld [smem:$0x3FFD];
	_ =	sdelay $0x3  }
0x96: {  	_ =	strace s3  }
0x97: {  	_ =	strace $0x8FFFFFFF  }
0x98: {  	s19 =	sld [smem:$0x3FDB];
	_ =	sdelay $0x1  }
0x99: {  	s4 =	simm.s32 $_scs_section_size  }
0x9a: {  	s5 =	simm.s32 $_size__tile_overlayer_lowered;
	s6 =	simm.s32 $_tile_overlayer_lowered  }
0x9b: {  	s22 =	simm.s32 $0x1BFF;
	s21 =	sshll.u32 s6, $0x1;
	s3 =	sadd.s32 s4, s19  }
0x9c: {  	s7 =	simm.s32 $0x0;
	s20 =	sshll.u32 s5, $0x1;
	s5 =	sadd.s32 s21, s3  }
0x9d: {  	[timem:s7], [sflag:s22] =	dma.local [hbm:s5], s20  }
0x9e: {  	_ =	swait.ge [sflag:s22], s20  }
0x9f: {  	s4 =	ssub.s32 $0x0, s20;
	[sflag:s22] =	ssyncset.done $0x0  }
0xa0: {  	[sflag:s22] =	ssyncadd.s32 s4;
	_ =	sdelay $0x1  }
0xa1: {  	s23 =	simm.s32 $0x1B8B  }
0xa2: {  	_ =	swait.ge [sflag:s23], $0x1  }
0xa3: {  	[sflag:s23] =	ssyncset.done $0x0  }
0xa4: {  	s25 =	simm.s32 $0x1B8E;
	s24 =	sld [smem:$0x3FFE];
	[sflag:s23] =	ssyncadd.s32 $0xFFFFFFFF  }
0xa5: {  	s26 =	simm.s32 $execute0_lowered;
	[smem:$0x3FD2] =	sst s25  }
0xa6: {  	s5 =	sshll.u32 s26, $0x1;
	_ =	strace $0x80000046;
	[dreg:$0x1] =	wrdreg $0xFFFFFFFF  }
0xa7: {  	s28 =	simm.s32 $_size_execute0_lowered;
	s3 =	sadd.s32 s3, s5;
	[dreg:$0x0] =	wrdreg $0x0  }
0xa8: {  	s5 =	sshll.u32 s28, $0x1;
	[dreg:$0x2] =	wrdreg s3  }
0xa9: {  	[dreg:$0x3] =	wrdreg s5  }
0xaa: {  	[dreg:$0x4] =	wrdreg $0xC0  }
0xab: {  	_ =	task [dreg:s7], $0x5FFFF  }
0xac: {  	[dreg:$0x1] =	wrdreg $0xFFFFFFFF  }
0xad: {  	[dreg:$0x0] =	wrdreg $0x60  }
0xae: {  	[dreg:$0x2] =	wrdreg s24  }
0xaf: {  	[dreg:$0x3] =	wrdreg s2  }
0xb0: {  	[dreg:$0x4] =	wrdreg $0x2B000  }
0xb1: {  	[dreg:$0x5] =	wrdreg $0x9  }
0xb2: {  	_ =	task.clear_ibuf [dreg:s7], $0x6FFFF;
	_ =	strace $0x90000046  }
0xb3: {  	s29 =	simm.s32 $0x9;
	_ =	strace $0x80000048  }
0xb4: {  	_ =	swait.ge [sflag:s29], $0x1  }
0xb5: {  	[sflag:s29] =	ssyncadd.s32 $0xFFFFFFFF  }
0xb6: {  	_ =	strace $0x90000048  }
0xb7: {  	_ =	sfence  }
0xb8: {  	s30 =	sld [smem:$0x0];
	_ =	sdelay $0x2  }
0xb9: {  	s31 =	sshll.u32 s1, $0xD;
	s1 =	sshrl.u32 s1, $0x2  }
0xba: {  	s3 =	sand.u32 $0x4000, s31;
	s1 =	sadd.s32 s1, s30  }
0xbb: {  	s0 =	sor.u32 s3, s0;
	s1 =	sshll.u32 s1, $0x11  }
0xbc: {  	s0 =	sor.u32 s1, s0  }
0xbd: {  	s0 =	sadd.s32 $0x8F2B, s0  }
0xbe: {  	[sflag:s0] =	ssyncadd.remote.s32 $0x1  }
0xbf: {  	_ =	sfence.sel $0xFFFF  }
0xc0: {  	[dreg:$0x0] =	wrdreg $0xFFFFFFFF;
	(pc) =	sbr.abs _section_cstart, $3  }
0xc1: {  	[dreg:$0x1] =	wrdreg $0xFFFFFFFF  }
0xc2: {  	_ =	task.clear_ibuf [dreg:s7], $0x2FFFF;
	_ =	strace $0x9FFFFFFF  }
0xc3: {  	(tm) =	ssettm $0x7FFFFFFF  }
tec
execute0_lowered:
.L_overlay_start_1:
0x0: {  	(tag) =	ssettag $0x1  }
0x1: {  	s5 =	rddreg [dreg:$0x0]  }
0x2: {  	s1 =	srdreg.scid;
	s6 =	rddreg [dreg:$0x1]  }
0x3: {  	s0 =	stileid.u32;
	s2 =	rddreg [dreg:$0x2]  }
0x4: {  	s3 =	simm.s32 $0x0;
	s11 =	simm.s32 $0x2800;
	s12 =	simm.s32 $0x80  }
0x5: {  	s13 =	simm.s32 $0x100;
	s14 =	simm.s32 $0x180;
	s15 =	simm.s32 $0x1  }
0x6: {  	s16 =	simm.s32 $0x2;
	s17 =	simm.s32 $0x3;
	s18 =	simm.s32 $0x4  }
0x7: {  	s21 =	simm.s32 $0x0;
	s4 =	sand.u32 $0x1, s1;
	s1 =	rddreg [dreg:$0x3]  }
0x8: {  	s29 =	sshll.u32 s0, $0x1;
	s8 =	smul.u32 $0x280, s0;
	[smem:$0x7FF] =	sst s3  }
0x9: {  	s19 =	sshll.u32 s0, $0x6;
	s7 =	sor.u32 s4, s29;
	s9 =	ssub.s32 $0x2, s4  }
0xa: {  	s4 =	smul.u32 $0x2800, s4;
	_ =	strace $0x80000047;
	s10 =	sshrl.u32 s9, $0x1  }
0xb: {  	s19 =	sor.u32 $0x1C05, s19;
	s7 =	smul.u32 $0x2800, s7;
	s9 =	ssub.s32 s9, s10  }
0xc: {  	s30 =	sadd.s32 s8, s4;
	s4 =	sadd.s32 s8, s2;
	s8 =	simm.s32 $0x2880  }
0xd: {  	s10 =	simm.s32 $0x7D;
	s7 =	sshrl.u32 s7, $0x3;
	s31 =	sshrl.u32 s30, $0x3  }
0xe: {  	s20 =	sshrl.u32 s4, $0x3;
	s5 =	sadd.s32 s5, s7;
	s6 =	sadd.s32 s6, s31  }
0xf: {  	v0 =	vimm.f32 $0.0e+00;
	v1 =	vimm.f32 $1.000000000e+00;
	s7 =	smax.u32 s9, $0x1;
	s9 =	simm.s32 $0x5;
	s5 =	sadd.s32 $0xC400, s5  }
.LBB2_1:
0x10: {  	[tilespmem:$0x2880] =	vst v0  }
0x11: {  	[tilespmem:$0x2890] =	vst v0  }
0x12: {  	[tilespmem:$0x28A0] =	vst v0  }
0x13: {  	[tilespmem:$0x28B0] =	vst v0  }
0x14: {  	[tilespmem:$0x28C0] =	vst v0  }
0x15: {  	[tilespmem:$0x28D0] =	vst v0  }
0x16: {  	[tilespmem:$0x28E0] =	vst v0  }
0x17: {  	[tilespmem:$0x28F0] =	vst v0  }
0x18: {  	[tilespmem:$0x2900] =	vst v0  }
0x19: {  	[tilespmem:$0x2910] =	vst v0  }
0x1a: {  	[tilespmem:$0x2920] =	vst v0  }
0x1b: {  	[tilespmem:$0x2930] =	vst v0  }
0x1c: {  	[tilespmem:$0x2940] =	vst v0  }
0x1d: {  	[tilespmem:$0x2950] =	vst v0  }
0x1e: {  	[tilespmem:$0x2960] =	vst v0  }
0x1f: {  	[tilespmem:$0x2970] =	vst v0  }
0x20: {  	[tilespmem:$0x2980] =	vst v0  }
0x21: {  	[tilespmem:$0x2990] =	vst v0  }
0x22: {  	[tilespmem:$0x29A0] =	vst v0  }
0x23: {  	[tilespmem:$0x29B0] =	vst v0  }
0x24: {  	[tilespmem:$0x29C0] =	vst v0  }
0x25: {  	[tilespmem:$0x29D0] =	vst v0  }
0x26: {  	[tilespmem:$0x29E0] =	vst v0  }
0x27: {  	[tilespmem:$0x29F0] =	vst v0  }
0x28: {  	[tilespmem:$0x2A00] =	vst v0  }
0x29: {  	[tilespmem:$0x2A10] =	vst v0  }
0x2a: {  	[tilespmem:$0x2A20] =	vst v0  }
0x2b: {  	[tilespmem:$0x2A30] =	vst v0  }
0x2c: {  	[tilespmem:$0x2A40] =	vst v0  }
0x2d: {  	[tilespmem:$0x2A50] =	vst v0  }
0x2e: {  	[tilespmem:$0x2A60] =	vst v0  }
0x2f: {  	[tilespmem:$0x2A70] =	vst v0  }
0x30: {  	[tilespmem:$0x2A80] =	vst v0  }
0x31: {  	[tilespmem:$0x2A90] =	vst v0  }
0x32: {  	[tilespmem:$0x2AA0] =	vst v0  }
0x33: {  	[tilespmem:$0x2AB0] =	vst v0  }
0x34: {  	[tilespmem:$0x2AC0] =	vst v0  }
0x35: {  	[tilespmem:$0x2AD0] =	vst v0  }
0x36: {  	[tilespmem:$0x2AE0] =	vst v0  }
0x37: {  	[tilespmem:$0x2AF0] =	vst v0  }
0x38: {  	[spmem:s4] =	stream.linear.scatter [tilespmem:s8], [sflag:$0x5], $0x280, $0x38;
	[tilespmem:$0x2D80] =	vst v63  }
0x39: {  	_ =	swait.ge [sflag:s9], $0x280  }
0x3a: {  	[sflag:s9] =	ssyncset.done $0x0  }
0x3b: {  	[sflag:s9] =	ssyncadd.s32 $0xFFFFFD80  }
0x3c: {  	[tilespmem:$0x2800] =	vst v1  }
0x3d: {  	[tilespmem:$0x2810] =	vst v1  }
0x3e: {  	[tilespmem:$0x2820] =	vst v1  }
0x3f: {  	[tilespmem:$0x2830] =	vst v1  }
0x40: {  	[tilespmem:$0x2840] =	vst v1  }
0x41: {  	[tilespmem:$0x2850] =	vst v1  }
0x42: {  	[tilespmem:$0x2860] =	vst v1  }
0x43: {  	[tilespmem:$0x2870] =	vst v1  }
0x44: {  	[bflag:$0x0] =	sbarrier.arrive $0xFFFF  }
0x45: {  	[tilespmem:s3], [sflag:$0x5] =	stream.linear.gather [hbm4b:s5+s3], $0x2800, $0x38;
	[tilespmem:$0x2D80] =	vst v63  }
0x46: {  	_ =	swait.ge [sflag:s9], $0x2800  }
0x47: {  	[sflag:s9] =	ssyncset.done $0x0  }
0x48: {  	[sflag:s9] =	ssyncadd.s32 $0xFFFFD800  }
0x49: {  	[spmem:s2] =	stream.indirect.scatter.add.f32 [tilespmem:s11], [sflag:$0x1], $0x1, s3, s10, $0xb8;
	[tilespmem:$0x2D80] =	vst v63  }
0x4a: {  	_ = 	snop  }
0x4b: {  	[spmem:s2] =	stream.indirect.scatter.add.f32 [tilespmem:s11], [sflag:$0x2], $0x1, s12, s10, $0xb8;
	[tilespmem:$0x2D80] =	vst v63  }
0x4c: {  	_ = 	snop  }
0x4d: {  	[spmem:s2] =	stream.indirect.scatter.add.f32 [tilespmem:s11], [sflag:$0x3], $0x1, s13, s10, $0xb8;
	[tilespmem:$0x2D80] =	vst v63  }
0x4e: {  	s22 =	simm.s32 $0x200;
	s23 =	simm.s32 $0x4  }
0x4f: {  	[spmem:s2] =	stream.indirect.scatter.add.f32 [tilespmem:s11], [sflag:$0x4], $0x1, s14, s10, $0xb8;
	[tilespmem:$0x2D80] =	vst v63  }
.LBB2_2:
0x50: {  	s24 =	sand.u32 $0x3, s23  }
0x51: {  	p0 =	sgt.s32 s24, $0x1  }
0x52: {  	p1 =	seq.s32 @p0 s24, $0x2  }
0x53: {  	p2 =	seq.s32 @!p0 s24, $0x0;
	p1 =	por !p1, !p0  }
0x54: {  	s24 =	simm.s32 $0x1;
	p2 =	por !p2, p0;
	s25 =	simm.s32 @!p1 $0x3  }
0x55: {  	s23 =	sadd.s32 $0x1, s23;
	s24 =	simm.s32 @p2 $0x2;
	s25 =	simm.s32 @p1 $0x4  }
0x56: {  	s24 =	smov.u32 @p0 s25;
	p0 =	sne.s32 s23, $0x50  }
.Ltmp0:
0x57: {  	_ =	swait.ge [sflag:s24], $0x7D;
	(pc) =	sbr.rel @p0 .LBB2_2-.Ltmp0, $4  }
0x58: {  	[sflag:s24] =	ssyncset.done $0x0  }
0x59: {  	[sflag:s24] =	ssyncadd.s32 $0xFFFFFF83  }
0x5a: {  	[spmem:s2] =	stream.indirect.scatter.add.f32 [tilespmem:s11], [sflag:s24], $0x1, s22, s10, $0xb8;
	[tilespmem:$0x2D80] =	vst v63  }
0x5b: {  	s22 =	sadd.s32 $0x80, s22  }
0x5c: {  	_ =	swait.ge [sflag:s15], $0x7D  }
0x5d: {  	[sflag:s15] =	ssyncset.done $0x0  }
0x5e: {  	[sflag:s15] =	ssyncadd.s32 $0xFFFFFF83  }
0x5f: {  	_ =	swait.ge [sflag:s16], $0x7D  }
0x60: {  	[sflag:s16] =	ssyncset.done $0x0  }
0x61: {  	[sflag:s16] =	ssyncadd.s32 $0xFFFFFF83  }
0x62: {  	_ =	swait.ge [sflag:s17], $0x7D  }
0x63: {  	[sflag:s17] =	ssyncset.done $0x0  }
0x64: {  	[sflag:s17] =	ssyncadd.s32 $0xFFFFFF83  }
0x65: {  	_ =	swait.ge [sflag:s18], $0x7D  }
0x66: {  	s21 =	sadd.s32 $0x1, s21;
	[sflag:s18] =	ssyncset.done $0x0  }
0x67: {  	p0 =	sne.s32 s21, s7;
	[sflag:s18] =	ssyncadd.s32 $0xFFFFFF83  }
.Ltmp1:
0x68: {  	[bflag:$0x0] =	sbarrier.arrive $0xFFFF;
	(pc) =	sbr.rel @p0 .LBB2_1-.Ltmp1, $4  }
0x69: {  	[hbm:s6], [sflag:s19] =	dma.local [spmem:s20], $0x50  }
0x6a: {  	_ =	swait.ge [sflag:s9], $0x50  }
0x6b: {  	[sflag:s9] =	ssyncset.done $0x0  }
0x6c: {  	[sflag:s9] =	ssyncadd.s32 $0xFFFFFFB0  }
0x6d: {  	_ =	sfence.sel $0x180000  }
0x6e: {  	[bflag:$0x0] =	sbarrier.arrive $0xFFFF  }
0x6f: {  	p0 =	sne.s32 s0, $0x0;
	_ =	strace $0x90000047  }
0x70: {  	s0 =	sadd.s32 @!p0 $0x100000, s1;
	[bflag:$0x2] =	sbarrier.arrive $0xFFFF  }
0x71: {  	[sflag:s0] =	ssyncadd.tile.s32 @!p0 $0x1;
	_ =	shalt  }
.Lfunc_end2:
_tile_overlayer_lowered:
.L_overlay_start_2:
0x72: {  	(tag) =	ssettag $0x2  }
0x73: {  	s0 =	rddreg [dreg:$0x0];
	s2 =	stileid.u32  }
0x74: {  	s1 =	rddreg [dreg:$0x1];
	p0 =	sne.s32 s2, $0x0  }
0x75: {  	s3 =	rddreg [dreg:$0x2];
	[bflag:$0x3] =	sbarrier.arrive $0xFFFF;
	s2 =	simm.s32 @!p0 $0x1C05  }
0x76: {  	[timem:s3], [sflag:s2] =	dma.local @!p0 [hbm:s0], s1  }
0x77: {  	s0 =	simm.s32 @!p0 $0x5  }
0x78: {  	_ =	swait.ge @!p0 [sflag:s0], s1  }
0x79: {  	s1 =	ssub.s32 @!p0 $0x0, s1;
	[sflag:s0] =	ssyncset.done @!p0 $0x0  }
0x7a: {  	[sflag:s0] =	ssyncadd.s32 @!p0 s1  }
0x7b: {  	[bflag:$0x3] =	sbarrier.arrive $0xFFFF  }
0x7c: {  	_ =	shalt  }

</sc_bundles>
